<compile_context>
chip_gen: v7x
topology: tpu7x:2x2x1
jax: 0.10.2.dev20260603
libtpu: 0.0.44.dev20260713+nightly
codegen_flags: <defaults>
</compile_context>

<pallas_src>
import jax
import jax.numpy as jnp
from jax import lax
from jax.experimental import pallas as pl
from jax.experimental.pallas import tpu as pltpu
from jax.experimental.pallas import tpu_sc as plsc

N = 10000
E = 320000
D = 128
NC = 2
NS = 16
NW = NC * NS
EPW = 10240
CHUNK = 80
NCHUNK = EPW // CHUNK
GSZ = 16
NGRP = NCHUNK // GSZ
PADN = 10240
RPS = PADN // NS
NZ = RPS // D

_MESH = plsc.VectorSubcoreMesh(
    core_axis_name="c", subcore_axis_name="s", num_cores=NC, num_subcores=NS
)

_HIGH = jax.lax.Precision.HIGHEST


def _fill_iota_rows(idx_v, s):
    @pl.loop(0, NZ)
    def _(k):
        @pl.loop(0, 8)
        def _(j):
            idx_v[k, pl.ds(j * 16, 16)] = (
                lax.iota(jnp.int32, 16) + (s * RPS + k * D + j * 16))


def _zero_acc(idx_v, zed_v, acc_sh):
    @pl.loop(0, D)
    def _(i):
        @pl.loop(0, 8)
        def _(j):
            zed_v[i, pl.ds(j * 16, 16)] = jnp.zeros((16,), jnp.float32)

    @pl.loop(0, NZ)
    def _(k):
        pltpu.sync_copy(zed_v, acc_sh.at[idx_v.at[k]])


def _drain_acc(idx_v, rd_v, acc_sh, out_hbm, c, s):
    @pl.loop(0, NZ)
    def _(k):
        pltpu.sync_copy(acc_sh.at[idx_v.at[k]], rd_v)
        pltpu.sync_copy(rd_v, out_hbm.at[c, pl.ds(s * RPS + k * D, D)])


def _deg_body(dst_hbm, out_hbm, dst_v, ones_v, idx_v, zed_v, acc_sh, sem):
    c = lax.axis_index("c")
    s = lax.axis_index("s")
    wid = c * NS + s

    _fill_iota_rows(idx_v, s)

    @pl.loop(0, CHUNK)
    def _(i):
        @pl.loop(0, 8)
        def _(j):
            ones_v[i, pl.ds(j * 16, 16)] = jnp.ones((16,), jnp.float32)

    _zero_acc(idx_v, zed_v, acc_sh)
    plsc.subcore_barrier()

    @pl.loop(0, NGRP)
    def _(g):
        pltpu.sync_copy(dst_hbm.at[wid, pl.ds(g * GSZ, GSZ)], dst_v)

        @pl.loop(0, GSZ)
        def _(ci):
            pltpu.sync_copy(ones_v, acc_sh.at[dst_v.at[ci]], add=True)

    plsc.subcore_barrier()
    _drain_acc(idx_v, zed_v, acc_sh, out_hbm, c, s)


def _deg_pass(dst3):
    k = pl.kernel(
        _deg_body,
        out_type=jax.ShapeDtypeStruct((NC, PADN, D), jnp.float32),
        mesh=_MESH,
        scratch_types=[
            pltpu.VMEM((GSZ, CHUNK), jnp.int32),
            pltpu.VMEM((CHUNK, D), jnp.float32),
            pltpu.VMEM((NZ, D), jnp.int32),
            pltpu.VMEM((D, D), jnp.float32),
            pltpu.VMEM_SHARED((PADN, D), jnp.float32),
            pltpu.SemaphoreType.DMA,
        ],
    )
    return k(dst3)


def _seg_body(u_hbm, src_hbm, dst_hbm, out_hbm,
              src_v, dst_v, rows_a, rows_b, idx_v, zed_v, acc_sh,
              sem_a, sem_b):
    c = lax.axis_index("c")
    s = lax.axis_index("s")
    wid = c * NS + s

    _fill_iota_rows(idx_v, s)
    _zero_acc(idx_v, zed_v, acc_sh)
    plsc.subcore_barrier()

    @pl.loop(0, NGRP)
    def _(g):
        pltpu.sync_copy(src_hbm.at[wid, pl.ds(g * GSZ, GSZ)], src_v)
        pltpu.sync_copy(dst_hbm.at[wid, pl.ds(g * GSZ, GSZ)], dst_v)
        pltpu.make_async_copy(u_hbm.at[src_v.at[0]], rows_a, sem_a).start()

        @pl.loop(0, GSZ // 2)
        def _(h):
            ca = 2 * h
            cb = 2 * h + 1
            pltpu.make_async_copy(u_hbm.at[src_v.at[ca]], rows_a, sem_a).wait()
            pltpu.make_async_copy(u_hbm.at[src_v.at[cb]], rows_b, sem_b).start()
            pltpu.sync_copy(rows_a, acc_sh.at[dst_v.at[ca]], add=True)
            pltpu.make_async_copy(u_hbm.at[src_v.at[cb]], rows_b, sem_b).wait()

            @pl.when(h < GSZ // 2 - 1)
            def _():
                pltpu.make_async_copy(u_hbm.at[src_v.at[ca + 2]],
                                      rows_a, sem_a).start()

            pltpu.sync_copy(rows_b, acc_sh.at[dst_v.at[cb]], add=True)

    plsc.subcore_barrier()
    _drain_acc(idx_v, zed_v, acc_sh, out_hbm, c, s)


def _seg_pass(u, src3, dst3):
    k = pl.kernel(
        _seg_body,
        out_type=jax.ShapeDtypeStruct((NC, PADN, D), jnp.float32),
        mesh=_MESH,
        scratch_types=[
            pltpu.VMEM((GSZ, CHUNK), jnp.int32),
            pltpu.VMEM((GSZ, CHUNK), jnp.int32),
            pltpu.VMEM((CHUNK, D), jnp.float32),
            pltpu.VMEM((CHUNK, D), jnp.float32),
            pltpu.VMEM((NZ, D), jnp.int32),
            pltpu.VMEM((D, D), jnp.float32),
            pltpu.VMEM_SHARED((PADN, D), jnp.float32),
            pltpu.SemaphoreType.DMA,
            pltpu.SemaphoreType.DMA,
        ],
    )
    return k(u, src3, dst3)


def _mm_body(x_ref, w_ref, o_ref):
    o_ref[...] = jnp.dot(x_ref[...], w_ref[...],
                         preferred_element_type=jnp.float32, precision=_HIGH)


def _matmul(x, w):
    return pl.pallas_call(
        _mm_body,
        out_shape=jax.ShapeDtypeStruct((x.shape[0], w.shape[1]), jnp.float32),
    )(x, w)


def _norm_u_body(cnt_ref, xw_ref, norm_ref, u_ref):
    deg = cnt_ref[0, :N] + cnt_ref[1, :N] + 1.0
    norm = lax.rsqrt(jnp.maximum(deg, 1.0))
    norm_ref[...] = norm
    u_ref[...] = xw_ref[...] * norm


def _norm_u(cnt, xw):
    return pl.pallas_call(
        _norm_u_body,
        out_shape=(
            jax.ShapeDtypeStruct((N, D), jnp.float32),
            jax.ShapeDtypeStruct((N, D), jnp.float32),
        ),
    )(cnt, xw)


def _mid_body(norm_ref, s_ref, u_ref, b_ref, w_ref, u2_ref):
    agg = ((s_ref[0, :N] + s_ref[1, :N] + u_ref[...]) * norm_ref[...]
           + b_ref[...])
    h = jnp.maximum(agg, 0.0)
    xw2 = jnp.dot(h, w_ref[...],
                  preferred_element_type=jnp.float32, precision=_HIGH)
    u2_ref[...] = xw2 * norm_ref[...]


def _mid(norm, s_partials, u1, b1, w2):
    return pl.pallas_call(
        _mid_body,
        out_shape=jax.ShapeDtypeStruct((N, D), jnp.float32),
    )(norm, s_partials, u1, b1, w2)


def _final_body(norm_ref, s_ref, u_ref, b_ref, z_ref):
    z_ref[...] = ((s_ref[0, :N] + s_ref[1, :N] + u_ref[...]) * norm_ref[...]
                  + b_ref[...])


def _final(norm, s_partials, u2, b2):
    return pl.pallas_call(
        _final_body,
        out_shape=jax.ShapeDtypeStruct((N, D), jnp.float32),
    )(norm, s_partials, u2, b2)


@jax.jit
def kernel(x, edge_index, W1, b1, W2, b2):
    src2 = jnp.pad(edge_index[0].reshape(NW, E // NW), ((0, 0), (0, EPW - E // NW)))
    dst2 = jnp.pad(edge_index[1].reshape(NW, E // NW), ((0, 0), (0, EPW - E // NW)),
                   constant_values=0)
    junk = (N + 200 + jnp.arange(NW, dtype=edge_index.dtype))[:, None]
    dst2 = dst2.at[:, E // NW:].set(jnp.broadcast_to(junk, (NW, EPW - E // NW)))
    src3 = src2.reshape(NW, NCHUNK, CHUNK)
    dst3 = dst2.reshape(NW, NCHUNK, CHUNK)
    b1r = b1.reshape(1, D)
    b2r = b2.reshape(1, D)

    cnt = _deg_pass(dst3)
    xw1 = _matmul(x, W1)
    norm, u1 = _norm_u(cnt, xw1)
    s1 = _seg_pass(u1, src3, dst3)
    u2 = _mid(norm, s1, u1, b1r, W2)
    s2 = _seg_pass(u2, src3, dst3)
    return _final(norm, s2, u2, b2r)

# --- scband reference (transcript-rebuilt; emitter-appended) ---
"""Pipeline reference for scband-gcnencoder-90486370992276 (READ-ONLY COPY).

The authoritative reference and input builder live on the scoring server;
editing this copy changes nothing except your own understanding.
"""

import jax, jax.numpy as jnp
import numpy as np

N_NODES = 10000
N_EDGES = 320000
IN_FEATS = 128
HIDDEN_DIM = 128
EMB_DIM = 128


def setup_inputs(seed: int = 0) -> dict:
    key = jax.random.key(seed)
    k1, k2, k3, k4, k5, k6 = jax.random.split(key, 6)
    x = jax.random.normal(k1, (N_NODES, IN_FEATS), dtype=jnp.float32)
    edge_index = jax.random.randint(k2, (2, N_EDGES), 0, N_NODES, dtype=jnp.int32)
    W1 = jax.random.normal(k3, (IN_FEATS, HIDDEN_DIM), dtype=jnp.float32) * (1.0 / np.sqrt(IN_FEATS))
    b1 = jnp.zeros((HIDDEN_DIM,), dtype=jnp.float32)
    W2 = jax.random.normal(k4, (HIDDEN_DIM, EMB_DIM), dtype=jnp.float32) * (1.0 / np.sqrt(HIDDEN_DIM))
    b2 = jnp.zeros((EMB_DIM,), dtype=jnp.float32)
    return {"x": x, "edge_index": edge_index, "W1": W1, "b1": b1, "W2": W2, "b2": b2}


def _gcn_layer(x, edge_index, W, b):
    # GCN layer: h = D^{-1/2} (A + I) D^{-1/2} (X W) + b
    n = x.shape[0]
    self_loop = jnp.arange(n, dtype=edge_index.dtype)
    src = jnp.concatenate([edge_index[0], self_loop])
    dst = jnp.concatenate([edge_index[1], self_loop])
    deg = jax.ops.segment_sum(jnp.ones_like(dst, dtype=x.dtype), dst, num_segments=n)
    norm = jax.lax.rsqrt(jnp.maximum(deg, 1.0))
    xw = x @ W
    coef = (norm[src] * norm[dst])[:, None]
    msg = jnp.take(xw, src, axis=0) * coef
    out = jax.ops.segment_sum(msg, dst, num_segments=n)
    return out + b


def reference(x, edge_index, W1, b1, W2, b2):
    # 2-layer GCN encoder with relu activation after layer 1 (dropout = identity at inference)
    h = jax.nn.relu(_gcn_layer(x, edge_index, W1, b1))
    z = _gcn_layer(h, edge_index, W2, b2)
    return z

if __name__ == "__main__":
    import jax
    _d = setup_inputs()
    print(jax.jit(kernel)(*tuple(_d.values())))

</pallas_src>

<mosaic_0001>
#map = affine_map<(d0, d1) -> (0, 0)>
#map1 = affine_map<(d0, d1) -> (0, 0, 0)>
module attributes {stable_mosaic.version = 14 : i64} {
  func.func @_seg_body(%arg0: i32, %arg1: i32, %arg2: memref<10000x128xf32, #tpu.memory_space<hbm>>, %arg3: memref<32x128x80xi32, #tpu.memory_space<hbm>>, %arg4: memref<32x128x80xi32, #tpu.memory_space<hbm>>, %arg5: memref<2x10240x128xf32, #tpu.memory_space<hbm>>, %arg6: memref<16x80xi32, #tpu.memory_space<vmem>>, %arg7: memref<16x80xi32, #tpu.memory_space<vmem>>, %arg8: memref<80x128xf32, #tpu.memory_space<vmem>>, %arg9: memref<80x128xf32, #tpu.memory_space<vmem>>, %arg10: memref<5x128xi32, #tpu.memory_space<vmem>>, %arg11: memref<128x128xf32, #tpu.memory_space<vmem>>, %arg12: memref<10240x128xf32, #tpu.memory_space<vmem_shared>>, %arg13: memref<!tpu.dma_semaphore, #tpu.memory_space<semaphore_mem>>, %arg14: memref<!tpu.dma_semaphore, #tpu.memory_space<semaphore_mem>>) attributes {dimension_semantics = [#tpu.dimension_semantics<core_parallel>, #tpu.dimension_semantics<subcore_parallel>], iteration_bounds = array<i64: 2, 16>, scalar_prefetch = 0 : i64, scratch_operands = 9 : i64, tpu.core_type = #tpu.core_type<sc_vector_subcore>, window_params = [{transform_indices = #map}, {transform_indices = #map1}, {transform_indices = #map1}, {transform_indices = #map1}]} {
    %mul3A = arith.constant 16 : i32
    %mul3A_0 = arith.muli %arg0, %mul3A : i32
    %add3A = arith.addi %mul3A_0, %arg1 : i32
    %scan3A = arith.constant 0 : i32
    %scan3A_1 = arith.constant 5 : i32
    %scan3A_2 = arith.addi %scan3A, %scan3A_1 : i32
    %scan3A_3 = arith.constant 1 : i32
    scf.for %scan3A_26 = %scan3A to %scan3A_2 step %scan3A_3  : i32 {
      %mul3A_27 = arith.constant 1 : i32
      %mul3A_28 = arith.muli %scan3A_26, %mul3A_27 : i32
      %add3A_29 = arith.constant 0 : i32
      %add3A_30 = arith.addi %add3A_29, %mul3A_28 : i32
      %scan3A_31 = arith.constant 0 : i32
      %scan3A_32 = arith.constant 8 : i32
      %scan3A_33 = arith.addi %scan3A_31, %scan3A_32 : i32
      %scan3A_34 = arith.constant 1 : i32
      scf.for %scan3A_36 = %scan3A_31 to %scan3A_33 step %scan3A_34  : i32 {
        %mul3A_37 = arith.constant 1 : i32
        %mul3A_38 = arith.muli %scan3A_36, %mul3A_37 : i32
        %add3A_39 = arith.constant 0 : i32
        %add3A_40 = arith.addi %add3A_39, %mul3A_38 : i32
        %iota3A = tpu.iota {dimensions = array<i32: 0>} : vector<16xi32>
        %mul3A_41 = arith.constant 640 : i32
        %mul3A_42 = arith.muli %arg1, %mul3A_41 : i32
        %mul3A_43 = arith.constant 128 : i32
        %mul3A_44 = arith.muli %add3A_30, %mul3A_43 : i32
        %add3A_45 = arith.addi %mul3A_42, %mul3A_44 : i32
        %mul3A_46 = arith.constant 16 : i32
        %mul3A_47 = arith.muli %add3A_40, %mul3A_46 : i32
        %add3A_48 = arith.addi %add3A_45, %mul3A_47 : i32
        %add3A_49 = vector.broadcast %add3A_48 : i32 to vector<16xi32>
        %add3A_50 = arith.addi %iota3A, %add3A_49 : vector<16xi32>
        %mul3A_51 = arith.constant 16 : i32
        %mul3A_52 = arith.muli %add3A_40, %mul3A_51 : i32
        %swap3A = arith.index_cast %add3A_30 : i32 to index
        %swap3A_53 = arith.index_cast %mul3A_52 : i32 to index
        %swap3A_54 = tpu.vector_load %arg10[%swap3A, %swap3A_53] {strides = array<i32>} : memref<5x128xi32, #tpu.memory_space<vmem>>, vector<1x16xi32>,
        %swap3A_55 = vector.shape_cast %swap3A_54 : vector<1x16xi32> to vector<16xi32>
        %swap3A_56 = vector.shape_cast %add3A_50 : vector<16xi32> to vector<1x16xi32>
        tpu.vector_store %arg10[%swap3A, %swap3A_53], %swap3A_56 {strides = array<i32>} : memref<5x128xi32, #tpu.memory_space<vmem>>, vector<1x16xi32>,
      }
      %scan3A_35 = arith.constant 8 : i32
    }
    %scan3A_4 = arith.constant 5 : i32
    %scan3A_5 = arith.constant 0 : i32
    %scan3A_6 = arith.constant 128 : i32
    %scan3A_7 = arith.addi %scan3A_5, %scan3A_6 : i32
    %scan3A_8 = arith.constant 1 : i32
    scf.for %scan3A_26 = %scan3A_5 to %scan3A_7 step %scan3A_8  : i32 {
      %mul3A_27 = arith.constant 1 : i32
      %mul3A_28 = arith.muli %scan3A_26, %mul3A_27 : i32
      %add3A_29 = arith.constant 0 : i32
      %add3A_30 = arith.addi %add3A_29, %mul3A_28 : i32
      %scan3A_31 = arith.constant 0 : i32
      %scan3A_32 = arith.constant 8 : i32
      %scan3A_33 = arith.addi %scan3A_31, %scan3A_32 : i32
      %scan3A_34 = arith.constant 1 : i32
      scf.for %scan3A_36 = %scan3A_31 to %scan3A_33 step %scan3A_34  : i32 {
        %mul3A_37 = arith.constant 1 : i32
        %mul3A_38 = arith.muli %scan3A_36, %mul3A_37 : i32
        %add3A_39 = arith.constant 0 : i32
        %add3A_40 = arith.addi %add3A_39, %mul3A_38 : i32
        %broadcast_in_dim3A = arith.constant 0.000000e+00 : f32
        %broadcast_in_dim3A_41 = vector.broadcast %broadcast_in_dim3A : f32 to vector<16xf32>
        %mul3A_42 = arith.constant 16 : i32
        %mul3A_43 = arith.muli %add3A_40, %mul3A_42 : i32
        %swap3A = arith.index_cast %add3A_30 : i32 to index
        %swap3A_44 = arith.index_cast %mul3A_43 : i32 to index
        %swap3A_45 = tpu.vector_load %arg11[%swap3A, %swap3A_44] {strides = array<i32>} : memref<128x128xf32, #tpu.memory_space<vmem>>, vector<1x16xf32>,
        %swap3A_46 = vector.shape_cast %swap3A_45 : vector<1x16xf32> to vector<16xf32>
        %swap3A_47 = vector.shape_cast %broadcast_in_dim3A_41 : vector<16xf32> to vector<1x16xf32>
        tpu.vector_store %arg11[%swap3A, %swap3A_44], %swap3A_47 {strides = array<i32>} : memref<128x128xf32, #tpu.memory_space<vmem>>, vector<1x16xf32>,
      }
      %scan3A_35 = arith.constant 8 : i32
    }
    %scan3A_9 = arith.constant 128 : i32
    %scan3A_10 = arith.constant 0 : i32
    %scan3A_11 = arith.constant 5 : i32
    %scan3A_12 = arith.addi %scan3A_10, %scan3A_11 : i32
    %scan3A_13 = arith.constant 1 : i32
    scf.for %scan3A_26 = %scan3A_10 to %scan3A_12 step %scan3A_13  : i32 {
      %mul3A_27 = arith.constant 1 : i32
      %mul3A_28 = arith.muli %scan3A_26, %mul3A_27 : i32
      %add3A_29 = arith.constant 0 : i32
      %add3A_30 = arith.addi %add3A_29, %mul3A_28 : i32
      "tpu.region"() ({
        %run_scoped3A = tpu.sem_alloc : memref<!tpu.dma_semaphore, #tpu.memory_space<semaphore_mem>>
        %dma_start3A = arith.constant 0 : i32
        %dma_start3A_31 = tpu.memref_slice %arg10[%add3A_30, %dma_start3A] : memref<5x128xi32, #tpu.memory_space<vmem>> -> memref<1x128xi32, #tpu.memory_space<vmem>>
        %dma_start3A_32 = tpu.memref_squeeze %dma_start3A_31 : memref<1x128xi32, #tpu.memory_space<vmem>> -> memref<128xi32, #tpu.memory_space<vmem>>
        %dma_start3A_33 = arith.constant 0 : i32
        %dma_start3A_34 = arith.constant 0 : i32
        %dma_start3A_35 = tpu.memref_slice %arg12[%dma_start3A_33, %dma_start3A_34] : memref<10240x128xf32, #tpu.memory_space<vmem_shared>> -> memref<10240x128xf32, #tpu.memory_space<vmem_shared>>
        tpu.enqueue_indirect_dma source(%arg11 : memref<128x128xf32, #tpu.memory_space<vmem>>) target(%dma_start3A_35 : memref<10240x128xf32, #tpu.memory_space<vmem_shared>>) offsets(%dma_start3A_32 : memref<128xi32, #tpu.memory_space<vmem>>) semaphore(%run_scoped3A : memref<!tpu.dma_semaphore, #tpu.memory_space<semaphore_mem>>)
        %dma_wait3A = arith.constant 0 : i32
        %dma_wait3A_36 = tpu.memref_slice %arg10[%add3A_30, %dma_wait3A] : memref<5x128xi32, #tpu.memory_space<vmem>> -> memref<1x128xi32, #tpu.memory_space<vmem>>
        %dma_wait3A_37 = tpu.memref_squeeze %dma_wait3A_36 : memref<1x128xi32, #tpu.memory_space<vmem>> -> memref<128xi32, #tpu.memory_space<vmem>>
        %dma_wait3A_38 = arith.constant 0 : i32
        %dma_wait3A_39 = arith.constant 0 : i32
        %dma_wait3A_40 = tpu.memref_slice %arg12[%dma_wait3A_38, %dma_wait3A_39] : memref<10240x128xf32, #tpu.memory_space<vmem_shared>> -> memref<10240x128xf32, #tpu.memory_space<vmem_shared>>
        tpu.wait_indirect_dma semaphore(%run_scoped3A : memref<!tpu.dma_semaphore, #tpu.memory_space<semaphore_mem>>) src(%arg11 : memref<128x128xf32, #tpu.memory_space<vmem>>) dst(%dma_wait3A_40 : memref<10240x128xf32, #tpu.memory_space<vmem_shared>>)
        tpu.yield
      }) : () -> ()
    }
    %scan3A_14 = arith.constant 5 : i32
    %barrier3A = arith.constant 0 : index
    tpu.barrier barrier_id(%barrier3A)
    %scan3A_15 = arith.constant 0 : i32
    %scan3A_16 = arith.constant 8 : i32
    %scan3A_17 = arith.addi %scan3A_15, %scan3A_16 : i32
    %scan3A_18 = arith.constant 1 : i32
    scf.for %scan3A_26 = %scan3A_15 to %scan3A_17 step %scan3A_18  : i32 {
      %mul3A_27 = arith.constant 1 : i32
      %mul3A_28 = arith.muli %scan3A_26, %mul3A_27 : i32
      %add3A_29 = arith.constant 0 : i32
      %add3A_30 = arith.addi %add3A_29, %mul3A_28 : i32
      %mul3A_31 = arith.constant 16 : i32
      %mul3A_32 = arith.muli %add3A_30, %mul3A_31 : i32
      "tpu.region"() ({
        %run_scoped3A = tpu.sem_alloc : memref<!tpu.dma_semaphore, #tpu.memory_space<semaphore_mem>>
        %dma_start3A_46 = arith.constant 0 : i32
        %dma_start3A_47 = tpu.memref_slice %arg3[%add3A, %mul3A_32, %dma_start3A_46] : memref<32x128x80xi32, #tpu.memory_space<hbm>> -> memref<1x16x80xi32, #tpu.memory_space<hbm>>
        %dma_start3A_48 = tpu.memref_squeeze %dma_start3A_47 : memref<1x16x80xi32, #tpu.memory_space<hbm>> -> memref<16x80xi32, #tpu.memory_space<hbm>>
        %dma_start3A_49 = arith.constant 0 : i32
        %dma_start3A_50 = tpu.memref_slice %arg3[%add3A, %mul3A_32, %dma_start3A_49] : memref<32x128x80xi32, #tpu.memory_space<hbm>> -> memref<1x16x80xi32, #tpu.memory_space<hbm>>
        %dma_start3A_51 = tpu.memref_squeeze %dma_start3A_50 : memref<1x16x80xi32, #tpu.memory_space<hbm>> -> memref<16x80xi32, #tpu.memory_space<hbm>>
        tpu.enqueue_dma source(%dma_start3A_51 : memref<16x80xi32, #tpu.memory_space<hbm>>) target(%arg6 : memref<16x80xi32, #tpu.memory_space<vmem>>) target_semaphore(%run_scoped3A : memref<!tpu.dma_semaphore, #tpu.memory_space<semaphore_mem>>)
        %dma_wait3A = arith.constant 0 : i32
        %dma_wait3A_52 = tpu.memref_slice %arg3[%add3A, %mul3A_32, %dma_wait3A] : memref<32x128x80xi32, #tpu.memory_space<hbm>> -> memref<1x16x80xi32, #tpu.memory_space<hbm>>
        %dma_wait3A_53 = tpu.memref_squeeze %dma_wait3A_52 : memref<1x16x80xi32, #tpu.memory_space<hbm>> -> memref<16x80xi32, #tpu.memory_space<hbm>>
        %dma_wait3A_54 = arith.constant 0 : i32
        %dma_wait3A_55 = tpu.memref_slice %arg3[%add3A, %mul3A_32, %dma_wait3A_54] : memref<32x128x80xi32, #tpu.memory_space<hbm>> -> memref<1x16x80xi32, #tpu.memory_space<hbm>>
        %dma_wait3A_56 = tpu.memref_squeeze %dma_wait3A_55 : memref<1x16x80xi32, #tpu.memory_space<hbm>> -> memref<16x80xi32, #tpu.memory_space<hbm>>
        tpu.wait_dma2 semaphore(%run_scoped3A : memref<!tpu.dma_semaphore, #tpu.memory_space<semaphore_mem>>) src(%dma_wait3A_56 : memref<16x80xi32, #tpu.memory_space<hbm>>) dst(%arg6 : memref<16x80xi32, #tpu.memory_space<vmem>>)
        tpu.yield
      }) : () -> ()
      %mul3A_33 = arith.constant 16 : i32
      %mul3A_34 = arith.muli %add3A_30, %mul3A_33 : i32
      "tpu.region"() ({
        %run_scoped3A = tpu.sem_alloc : memref<!tpu.dma_semaphore, #tpu.memory_space<semaphore_mem>>
        %dma_start3A_46 = arith.constant 0 : i32
        %dma_start3A_47 = tpu.memref_slice %arg4[%add3A, %mul3A_34, %dma_start3A_46] : memref<32x128x80xi32, #tpu.memory_space<hbm>> -> memref<1x16x80xi32, #tpu.memory_space<hbm>>
        %dma_start3A_48 = tpu.memref_squeeze %dma_start3A_47 : memref<1x16x80xi32, #tpu.memory_space<hbm>> -> memref<16x80xi32, #tpu.memory_space<hbm>>
        %dma_start3A_49 = arith.constant 0 : i32
        %dma_start3A_50 = tpu.memref_slice %arg4[%add3A, %mul3A_34, %dma_start3A_49] : memref<32x128x80xi32, #tpu.memory_space<hbm>> -> memref<1x16x80xi32, #tpu.memory_space<hbm>>
        %dma_start3A_51 = tpu.memref_squeeze %dma_start3A_50 : memref<1x16x80xi32, #tpu.memory_space<hbm>> -> memref<16x80xi32, #tpu.memory_space<hbm>>
        tpu.enqueue_dma source(%dma_start3A_51 : memref<16x80xi32, #tpu.memory_space<hbm>>) target(%arg7 : memref<16x80xi32, #tpu.memory_space<vmem>>) target_semaphore(%run_scoped3A : memref<!tpu.dma_semaphore, #tpu.memory_space<semaphore_mem>>)
        %dma_wait3A = arith.constant 0 : i32
        %dma_wait3A_52 = tpu.memref_slice %arg4[%add3A, %mul3A_34, %dma_wait3A] : memref<32x128x80xi32, #tpu.memory_space<hbm>> -> memref<1x16x80xi32, #tpu.memory_space<hbm>>
        %dma_wait3A_53 = tpu.memref_squeeze %dma_wait3A_52 : memref<1x16x80xi32, #tpu.memory_space<hbm>> -> memref<16x80xi32, #tpu.memory_space<hbm>>
        %dma_wait3A_54 = arith.constant 0 : i32
        %dma_wait3A_55 = tpu.memref_slice %arg4[%add3A, %mul3A_34, %dma_wait3A_54] : memref<32x128x80xi32, #tpu.memory_space<hbm>> -> memref<1x16x80xi32, #tpu.memory_space<hbm>>
        %dma_wait3A_56 = tpu.memref_squeeze %dma_wait3A_55 : memref<1x16x80xi32, #tpu.memory_space<hbm>> -> memref<16x80xi32, #tpu.memory_space<hbm>>
        tpu.wait_dma2 semaphore(%run_scoped3A : memref<!tpu.dma_semaphore, #tpu.memory_space<semaphore_mem>>) src(%dma_wait3A_56 : memref<16x80xi32, #tpu.memory_space<hbm>>) dst(%arg7 : memref<16x80xi32, #tpu.memory_space<vmem>>)
        tpu.yield
      }) : () -> ()
      %dma_start3A = arith.constant 0 : i32
      %dma_start3A_35 = arith.constant 0 : i32
      %dma_start3A_36 = tpu.memref_slice %arg6[%dma_start3A, %dma_start3A_35] : memref<16x80xi32, #tpu.memory_space<vmem>> -> memref<1x80xi32, #tpu.memory_space<vmem>>
      %dma_start3A_37 = tpu.memref_squeeze %dma_start3A_36 : memref<1x80xi32, #tpu.memory_space<vmem>> -> memref<80xi32, #tpu.memory_space<vmem>>
      %dma_start3A_38 = arith.constant 0 : i32
      %dma_start3A_39 = arith.constant 0 : i32
      %dma_start3A_40 = tpu.memref_slice %arg2[%dma_start3A_38, %dma_start3A_39] : memref<10000x128xf32, #tpu.memory_space<hbm>> -> memref<10000x128xf32, #tpu.memory_space<hbm>>
      tpu.enqueue_indirect_dma source(%dma_start3A_40 : memref<10000x128xf32, #tpu.memory_space<hbm>>) target(%arg8 : memref<80x128xf32, #tpu.memory_space<vmem>>) offsets(%dma_start3A_37 : memref<80xi32, #tpu.memory_space<vmem>>) semaphore(%arg13 : memref<!tpu.dma_semaphore, #tpu.memory_space<semaphore_mem>>)
      %scan3A_41 = arith.constant 0 : i32
      %scan3A_42 = arith.constant 8 : i32
      %scan3A_43 = arith.addi %scan3A_41, %scan3A_42 : i32
      %scan3A_44 = arith.constant 1 : i32
      scf.for %scan3A_46 = %scan3A_41 to %scan3A_43 step %scan3A_44  : i32 {
        %mul3A_47 = arith.constant 1 : i32
        %mul3A_48 = arith.muli %scan3A_46, %mul3A_47 : i32
        %add3A_49 = arith.constant 0 : i32
        %add3A_50 = arith.addi %add3A_49, %mul3A_48 : i32
        %mul3A_51 = arith.constant 2 : i32
        %mul3A_52 = arith.muli %mul3A_51, %add3A_50 : i32
        %mul3A_53 = arith.constant 2 : i32
        %mul3A_54 = arith.muli %mul3A_53, %add3A_50 : i32
        %add3A_55 = arith.constant 1 : i32
        %add3A_56 = arith.addi %mul3A_54, %add3A_55 : i32
        %dma_wait3A = arith.constant 0 : i32
        %dma_wait3A_57 = tpu.memref_slice %arg6[%mul3A_52, %dma_wait3A] : memref<16x80xi32, #tpu.memory_space<vmem>> -> memref<1x80xi32, #tpu.memory_space<vmem>>
        %dma_wait3A_58 = tpu.memref_squeeze %dma_wait3A_57 : memref<1x80xi32, #tpu.memory_space<vmem>> -> memref<80xi32, #tpu.memory_space<vmem>>
        %dma_wait3A_59 = arith.constant 0 : i32
        %dma_wait3A_60 = arith.constant 0 : i32
        %dma_wait3A_61 = tpu.memref_slice %arg2[%dma_wait3A_59, %dma_wait3A_60] : memref<10000x128xf32, #tpu.memory_space<hbm>> -> memref<10000x128xf32, #tpu.memory_space<hbm>>
        tpu.wait_indirect_dma semaphore(%arg13 : memref<!tpu.dma_semaphore, #tpu.memory_space<semaphore_mem>>) src(%dma_wait3A_61 : memref<10000x128xf32, #tpu.memory_space<hbm>>) dst(%arg8 : memref<80x128xf32, #tpu.memory_space<vmem>>)
        %dma_start3A_62 = arith.constant 0 : i32
        %dma_start3A_63 = tpu.memref_slice %arg6[%add3A_56, %dma_start3A_62] : memref<16x80xi32, #tpu.memory_space<vmem>> -> memref<1x80xi32, #tpu.memory_space<vmem>>
        %dma_start3A_64 = tpu.memref_squeeze %dma_start3A_63 : memref<1x80xi32, #tpu.memory_space<vmem>> -> memref<80xi32, #tpu.memory_space<vmem>>
        %dma_start3A_65 = arith.constant 0 : i32
        %dma_start3A_66 = arith.constant 0 : i32
        %dma_start3A_67 = tpu.memref_slice %arg2[%dma_start3A_65, %dma_start3A_66] : memref<10000x128xf32, #tpu.memory_space<hbm>> -> memref<10000x128xf32, #tpu.memory_space<hbm>>
        tpu.enqueue_indirect_dma source(%dma_start3A_67 : memref<10000x128xf32, #tpu.memory_space<hbm>>) target(%arg9 : memref<80x128xf32, #tpu.memory_space<vmem>>) offsets(%dma_start3A_64 : memref<80xi32, #tpu.memory_space<vmem>>) semaphore(%arg14 : memref<!tpu.dma_semaphore, #tpu.memory_space<semaphore_mem>>)
        "tpu.region"() ({
          %run_scoped3A = tpu.sem_alloc : memref<!tpu.dma_semaphore, #tpu.memory_space<semaphore_mem>>
          %dma_start3A_76 = arith.constant 0 : i32
          %dma_start3A_77 = tpu.memref_slice %arg7[%mul3A_52, %dma_start3A_76] : memref<16x80xi32, #tpu.memory_space<vmem>> -> memref<1x80xi32, #tpu.memory_space<vmem>>
          %dma_start3A_78 = tpu.memref_squeeze %dma_start3A_77 : memref<1x80xi32, #tpu.memory_space<vmem>> -> memref<80xi32, #tpu.memory_space<vmem>>
          %dma_start3A_79 = arith.constant 0 : i32
          %dma_start3A_80 = arith.constant 0 : i32
          %dma_start3A_81 = tpu.memref_slice %arg12[%dma_start3A_79, %dma_start3A_80] : memref<10240x128xf32, #tpu.memory_space<vmem_shared>> -> memref<10240x128xf32, #tpu.memory_space<vmem_shared>>
          tpu.enqueue_indirect_dma source(%arg8 : memref<80x128xf32, #tpu.memory_space<vmem>>) target(%dma_start3A_81 : memref<10240x128xf32, #tpu.memory_space<vmem_shared>>) offsets(%dma_start3A_78 : memref<80xi32, #tpu.memory_space<vmem>>) semaphore(%run_scoped3A : memref<!tpu.dma_semaphore, #tpu.memory_space<semaphore_mem>>) {add = true}
          %dma_wait3A_82 = arith.constant 0 : i32
          %dma_wait3A_83 = tpu.memref_slice %arg7[%mul3A_52, %dma_wait3A_82] : memref<16x80xi32, #tpu.memory_space<vmem>> -> memref<1x80xi32, #tpu.memory_space<vmem>>
          %dma_wait3A_84 = tpu.memref_squeeze %dma_wait3A_83 : memref<1x80xi32, #tpu.memory_space<vmem>> -> memref<80xi32, #tpu.memory_space<vmem>>
          %dma_wait3A_85 = arith.constant 0 : i32
          %dma_wait3A_86 = arith.constant 0 : i32
          %dma_wait3A_87 = tpu.memref_slice %arg12[%dma_wait3A_85, %dma_wait3A_86] : memref<10240x128xf32, #tpu.memory_space<vmem_shared>> -> memref<10240x128xf32, #tpu.memory_space<vmem_shared>>
          tpu.wait_indirect_dma semaphore(%run_scoped3A : memref<!tpu.dma_semaphore, #tpu.memory_space<semaphore_mem>>) src(%arg8 : memref<80x128xf32, #tpu.memory_space<vmem>>) dst(%dma_wait3A_87 : memref<10240x128xf32, #tpu.memory_space<vmem_shared>>)
          tpu.yield
        }) : () -> ()
        %dma_wait3A_68 = arith.constant 0 : i32
        %dma_wait3A_69 = tpu.memref_slice %arg6[%add3A_56, %dma_wait3A_68] : memref<16x80xi32, #tpu.memory_space<vmem>> -> memref<1x80xi32, #tpu.memory_space<vmem>>
        %dma_wait3A_70 = tpu.memref_squeeze %dma_wait3A_69 : memref<1x80xi32, #tpu.memory_space<vmem>> -> memref<80xi32, #tpu.memory_space<vmem>>
        %dma_wait3A_71 = arith.constant 0 : i32
        %dma_wait3A_72 = arith.constant 0 : i32
        %dma_wait3A_73 = tpu.memref_slice %arg2[%dma_wait3A_71, %dma_wait3A_72] : memref<10000x128xf32, #tpu.memory_space<hbm>> -> memref<10000x128xf32, #tpu.memory_space<hbm>>
        tpu.wait_indirect_dma semaphore(%arg14 : memref<!tpu.dma_semaphore, #tpu.memory_space<semaphore_mem>>) src(%dma_wait3A_73 : memref<10000x128xf32, #tpu.memory_space<hbm>>) dst(%arg9 : memref<80x128xf32, #tpu.memory_space<vmem>>)
        %lt3A = arith.constant 7 : i32
        %lt3A_74 = arith.cmpi slt, %add3A_50, %lt3A : i32
        %convert_element_type3A = arith.extui %lt3A_74 : i1 to i32
        %cond3A = arith.constant 0 : i32
        %cond3A_75 = arith.cmpi ne, %convert_element_type3A, %cond3A : i32
        scf.if %cond3A_75 {
          %add3A_76 = arith.constant 2 : i32
          %add3A_77 = arith.addi %mul3A_52, %add3A_76 : i32
          %dma_start3A_78 = arith.constant 0 : i32
          %dma_start3A_79 = tpu.memref_slice %arg6[%add3A_77, %dma_start3A_78] : memref<16x80xi32, #tpu.memory_space<vmem>> -> memref<1x80xi32, #tpu.memory_space<vmem>>
          %dma_start3A_80 = tpu.memref_squeeze %dma_start3A_79 : memref<1x80xi32, #tpu.memory_space<vmem>> -> memref<80xi32, #tpu.memory_space<vmem>>
          %dma_start3A_81 = arith.constant 0 : i32
          %dma_start3A_82 = arith.constant 0 : i32
          %dma_start3A_83 = tpu.memref_slice %arg2[%dma_start3A_81, %dma_start3A_82] : memref<10000x128xf32, #tpu.memory_space<hbm>> -> memref<10000x128xf32, #tpu.memory_space<hbm>>
          tpu.enqueue_indirect_dma source(%dma_start3A_83 : memref<10000x128xf32, #tpu.memory_space<hbm>>) target(%arg8 : memref<80x128xf32, #tpu.memory_space<vmem>>) offsets(%dma_start3A_80 : memref<80xi32, #tpu.memory_space<vmem>>) semaphore(%arg13 : memref<!tpu.dma_semaphore, #tpu.memory_space<semaphore_mem>>)
        } else {
        }
        "tpu.region"() ({
          %run_scoped3A = tpu.sem_alloc : memref<!tpu.dma_semaphore, #tpu.memory_space<semaphore_mem>>
          %dma_start3A_76 = arith.constant 0 : i32
          %dma_start3A_77 = tpu.memref_slice %arg7[%add3A_56, %dma_start3A_76] : memref<16x80xi32, #tpu.memory_space<vmem>> -> memref<1x80xi32, #tpu.memory_space<vmem>>
          %dma_start3A_78 = tpu.memref_squeeze %dma_start3A_77 : memref<1x80xi32, #tpu.memory_space<vmem>> -> memref<80xi32, #tpu.memory_space<vmem>>
          %dma_start3A_79 = arith.constant 0 : i32
          %dma_start3A_80 = arith.constant 0 : i32
          %dma_start3A_81 = tpu.memref_slice %arg12[%dma_start3A_79, %dma_start3A_80] : memref<10240x128xf32, #tpu.memory_space<vmem_shared>> -> memref<10240x128xf32, #tpu.memory_space<vmem_shared>>
          tpu.enqueue_indirect_dma source(%arg9 : memref<80x128xf32, #tpu.memory_space<vmem>>) target(%dma_start3A_81 : memref<10240x128xf32, #tpu.memory_space<vmem_shared>>) offsets(%dma_start3A_78 : memref<80xi32, #tpu.memory_space<vmem>>) semaphore(%run_scoped3A : memref<!tpu.dma_semaphore, #tpu.memory_space<semaphore_mem>>) {add = true}
          %dma_wait3A_82 = arith.constant 0 : i32
          %dma_wait3A_83 = tpu.memref_slice %arg7[%add3A_56, %dma_wait3A_82] : memref<16x80xi32, #tpu.memory_space<vmem>> -> memref<1x80xi32, #tpu.memory_space<vmem>>
          %dma_wait3A_84 = tpu.memref_squeeze %dma_wait3A_83 : memref<1x80xi32, #tpu.memory_space<vmem>> -> memref<80xi32, #tpu.memory_space<vmem>>
          %dma_wait3A_85 = arith.constant 0 : i32
          %dma_wait3A_86 = arith.constant 0 : i32
          %dma_wait3A_87 = tpu.memref_slice %arg12[%dma_wait3A_85, %dma_wait3A_86] : memref<10240x128xf32, #tpu.memory_space<vmem_shared>> -> memref<10240x128xf32, #tpu.memory_space<vmem_shared>>
          tpu.wait_indirect_dma semaphore(%run_scoped3A : memref<!tpu.dma_semaphore, #tpu.memory_space<semaphore_mem>>) src(%arg9 : memref<80x128xf32, #tpu.memory_space<vmem>>) dst(%dma_wait3A_87 : memref<10240x128xf32, #tpu.memory_space<vmem_shared>>)
          tpu.yield
        }) : () -> ()
      }
      %scan3A_45 = arith.constant 8 : i32
    }
    %scan3A_19 = arith.constant 8 : i32
    %barrier3A_20 = arith.constant 0 : index
    tpu.barrier barrier_id(%barrier3A_20)
    %scan3A_21 = arith.constant 0 : i32
    %scan3A_22 = arith.constant 5 : i32
    %scan3A_23 = arith.addi %scan3A_21, %scan3A_22 : i32
    %scan3A_24 = arith.constant 1 : i32
    scf.for %scan3A_26 = %scan3A_21 to %scan3A_23 step %scan3A_24  : i32 {
      %mul3A_27 = arith.constant 1 : i32
      %mul3A_28 = arith.muli %scan3A_26, %mul3A_27 : i32
      %add3A_29 = arith.constant 0 : i32
      %add3A_30 = arith.addi %add3A_29, %mul3A_28 : i32
      "tpu.region"() ({
        %run_scoped3A = tpu.sem_alloc : memref<!tpu.dma_semaphore, #tpu.memory_space<semaphore_mem>>
        %dma_start3A = arith.constant 0 : i32
        %dma_start3A_36 = tpu.memref_slice %arg10[%add3A_30, %dma_start3A] : memref<5x128xi32, #tpu.memory_space<vmem>> -> memref<1x128xi32, #tpu.memory_space<vmem>>
        %dma_start3A_37 = tpu.memref_squeeze %dma_start3A_36 : memref<1x128xi32, #tpu.memory_space<vmem>> -> memref<128xi32, #tpu.memory_space<vmem>>
        %dma_start3A_38 = arith.constant 0 : i32
        %dma_start3A_39 = arith.constant 0 : i32
        %dma_start3A_40 = tpu.memref_slice %arg12[%dma_start3A_38, %dma_start3A_39] : memref<10240x128xf32, #tpu.memory_space<vmem_shared>> -> memref<10240x128xf32, #tpu.memory_space<vmem_shared>>
        tpu.enqueue_indirect_dma source(%dma_start3A_40 : memref<10240x128xf32, #tpu.memory_space<vmem_shared>>) target(%arg11 : memref<128x128xf32, #tpu.memory_space<vmem>>) offsets(%dma_start3A_37 : memref<128xi32, #tpu.memory_space<vmem>>) semaphore(%run_scoped3A : memref<!tpu.dma_semaphore, #tpu.memory_space<semaphore_mem>>)
        %dma_wait3A = arith.constant 0 : i32
        %dma_wait3A_41 = tpu.memref_slice %arg10[%add3A_30, %dma_wait3A] : memref<5x128xi32, #tpu.memory_space<vmem>> -> memref<1x128xi32, #tpu.memory_space<vmem>>
        %dma_wait3A_42 = tpu.memref_squeeze %dma_wait3A_41 : memref<1x128xi32, #tpu.memory_space<vmem>> -> memref<128xi32, #tpu.memory_space<vmem>>
        %dma_wait3A_43 = arith.constant 0 : i32
        %dma_wait3A_44 = arith.constant 0 : i32
        %dma_wait3A_45 = tpu.memref_slice %arg12[%dma_wait3A_43, %dma_wait3A_44] : memref<10240x128xf32, #tpu.memory_space<vmem_shared>> -> memref<10240x128xf32, #tpu.memory_space<vmem_shared>>
        tpu.wait_indirect_dma semaphore(%run_scoped3A : memref<!tpu.dma_semaphore, #tpu.memory_space<semaphore_mem>>) src(%dma_wait3A_45 : memref<10240x128xf32, #tpu.memory_space<vmem_shared>>) dst(%arg11 : memref<128x128xf32, #tpu.memory_space<vmem>>)
        tpu.yield
      }) : () -> ()
      %mul3A_31 = arith.constant 640 : i32
      %mul3A_32 = arith.muli %arg1, %mul3A_31 : i32
      %mul3A_33 = arith.constant 128 : i32
      %mul3A_34 = arith.muli %add3A_30, %mul3A_33 : i32
      %add3A_35 = arith.addi %mul3A_32, %mul3A_34 : i32
      "tpu.region"() ({
        %run_scoped3A = tpu.sem_alloc : memref<!tpu.dma_semaphore, #tpu.memory_space<semaphore_mem>>
        %dma_start3A = arith.constant 0 : i32
        %dma_start3A_36 = tpu.memref_slice %arg5[%arg0, %add3A_35, %dma_start3A] : memref<2x10240x128xf32, #tpu.memory_space<hbm>> -> memref<1x128x128xf32, #tpu.memory_space<hbm>>
        %dma_start3A_37 = tpu.memref_squeeze %dma_start3A_36 : memref<1x128x128xf32, #tpu.memory_space<hbm>> -> memref<128x128xf32, #tpu.memory_space<hbm>>
        %dma_start3A_38 = arith.constant 0 : i32
        %dma_start3A_39 = tpu.memref_slice %arg5[%arg0, %add3A_35, %dma_start3A_38] : memref<2x10240x128xf32, #tpu.memory_space<hbm>> -> memref<1x128x128xf32, #tpu.memory_space<hbm>>
        %dma_start3A_40 = tpu.memref_squeeze %dma_start3A_39 : memref<1x128x128xf32, #tpu.memory_space<hbm>> -> memref<128x128xf32, #tpu.memory_space<hbm>>
        tpu.enqueue_dma source(%arg11 : memref<128x128xf32, #tpu.memory_space<vmem>>) target(%dma_start3A_40 : memref<128x128xf32, #tpu.memory_space<hbm>>) target_semaphore(%run_scoped3A : memref<!tpu.dma_semaphore, #tpu.memory_space<semaphore_mem>>)
        %dma_wait3A = arith.constant 0 : i32
        %dma_wait3A_41 = tpu.memref_slice %arg5[%arg0, %add3A_35, %dma_wait3A] : memref<2x10240x128xf32, #tpu.memory_space<hbm>> -> memref<1x128x128xf32, #tpu.memory_space<hbm>>
        %dma_wait3A_42 = tpu.memref_squeeze %dma_wait3A_41 : memref<1x128x128xf32, #tpu.memory_space<hbm>> -> memref<128x128xf32, #tpu.memory_space<hbm>>
        %dma_wait3A_43 = arith.constant 0 : i32
        %dma_wait3A_44 = tpu.memref_slice %arg5[%arg0, %add3A_35, %dma_wait3A_43] : memref<2x10240x128xf32, #tpu.memory_space<hbm>> -> memref<1x128x128xf32, #tpu.memory_space<hbm>>
        %dma_wait3A_45 = tpu.memref_squeeze %dma_wait3A_44 : memref<1x128x128xf32, #tpu.memory_space<hbm>> -> memref<128x128xf32, #tpu.memory_space<hbm>>
        tpu.wait_dma2 semaphore(%run_scoped3A : memref<!tpu.dma_semaphore, #tpu.memory_space<semaphore_mem>>) src(%arg11 : memref<128x128xf32, #tpu.memory_space<vmem>>) dst(%dma_wait3A_45 : memref<128x128xf32, #tpu.memory_space<hbm>>)
        tpu.yield
      }) : () -> ()
    }
    %scan3A_25 = arith.constant 5 : i32
    return
  }
}

#map = affine_map<(d0, d1) -> (0, 0)>
#map1 = affine_map<(d0, d1) -> (0, 0, 0)>
module attributes {stable_mosaic.version = 14 : i64} {
  func.func @_seg_body(%arg0: i32, %arg1: i32, %arg2: memref<10000x128xf32, #tpu.memory_space<hbm>>, %arg3: memref<32x128x80xi32, #tpu.memory_space<hbm>>, %arg4: memref<32x128x80xi32, #tpu.memory_space<hbm>>, %arg5: memref<2x10240x128xf32, #tpu.memory_space<hbm>>, %arg6: memref<16x80xi32, #tpu.memory_space<vmem>>, %arg7: memref<16x80xi32, #tpu.memory_space<vmem>>, %arg8: memref<80x128xf32, #tpu.memory_space<vmem>>, %arg9: memref<80x128xf32, #tpu.memory_space<vmem>>, %arg10: memref<5x128xi32, #tpu.memory_space<vmem>>, %arg11: memref<128x128xf32, #tpu.memory_space<vmem>>, %arg12: memref<10240x128xf32, #tpu.memory_space<vmem_shared>>, %arg13: memref<!tpu.dma_semaphore, #tpu.memory_space<semaphore_mem>>, %arg14: memref<!tpu.dma_semaphore, #tpu.memory_space<semaphore_mem>>) attributes {dimension_semantics = [#tpu.dimension_semantics<core_parallel>, #tpu.dimension_semantics<subcore_parallel>], iteration_bounds = array<i64: 2, 16>, scalar_prefetch = 0 : i64, scratch_operands = 9 : i64, tpu.core_type = #tpu.core_type<sc_vector_subcore>, window_params = [{transform_indices = #map}, {transform_indices = #map1}, {transform_indices = #map1}, {transform_indices = #map1}]} {
    %mul3A = arith.constant 16 : i32
    %mul3A_0 = arith.muli %arg0, %mul3A : i32
    %add3A = arith.addi %mul3A_0, %arg1 : i32
    %scan3A = arith.constant 0 : i32
    %scan3A_1 = arith.constant 5 : i32
    %scan3A_2 = arith.addi %scan3A, %scan3A_1 : i32
    %scan3A_3 = arith.constant 1 : i32
    scf.for %scan3A_26 = %scan3A to %scan3A_2 step %scan3A_3  : i32 {
      %mul3A_27 = arith.constant 1 : i32
      %mul3A_28 = arith.muli %scan3A_26, %mul3A_27 : i32
      %add3A_29 = arith.constant 0 : i32
      %add3A_30 = arith.addi %add3A_29, %mul3A_28 : i32
      %scan3A_31 = arith.constant 0 : i32
      %scan3A_32 = arith.constant 8 : i32
      %scan3A_33 = arith.addi %scan3A_31, %scan3A_32 : i32
      %scan3A_34 = arith.constant 1 : i32
      scf.for %scan3A_36 = %scan3A_31 to %scan3A_33 step %scan3A_34  : i32 {
        %mul3A_37 = arith.constant 1 : i32
        %mul3A_38 = arith.muli %scan3A_36, %mul3A_37 : i32
        %add3A_39 = arith.constant 0 : i32
        %add3A_40 = arith.addi %add3A_39, %mul3A_38 : i32
        %iota3A = tpu.iota {dimensions = array<i32: 0>} : vector<16xi32>
        %mul3A_41 = arith.constant 640 : i32
        %mul3A_42 = arith.muli %arg1, %mul3A_41 : i32
        %mul3A_43 = arith.constant 128 : i32
        %mul3A_44 = arith.muli %add3A_30, %mul3A_43 : i32
        %add3A_45 = arith.addi %mul3A_42, %mul3A_44 : i32
        %mul3A_46 = arith.constant 16 : i32
        %mul3A_47 = arith.muli %add3A_40, %mul3A_46 : i32
        %add3A_48 = arith.addi %add3A_45, %mul3A_47 : i32
        %add3A_49 = vector.broadcast %add3A_48 : i32 to vector<16xi32>
        %add3A_50 = arith.addi %iota3A, %add3A_49 : vector<16xi32>
        %mul3A_51 = arith.constant 16 : i32
        %mul3A_52 = arith.muli %add3A_40, %mul3A_51 : i32
        %swap3A = arith.index_cast %add3A_30 : i32 to index
        %swap3A_53 = arith.index_cast %mul3A_52 : i32 to index
        %swap3A_54 = tpu.vector_load %arg10[%swap3A, %swap3A_53] {strides = array<i32>} : memref<5x128xi32, #tpu.memory_space<vmem>>, vector<1x16xi32>,
        %swap3A_55 = vector.shape_cast %swap3A_54 : vector<1x16xi32> to vector<16xi32>
        %swap3A_56 = vector.shape_cast %add3A_50 : vector<16xi32> to vector<1x16xi32>
        tpu.vector_store %arg10[%swap3A, %swap3A_53], %swap3A_56 {strides = array<i32>} : memref<5x128xi32, #tpu.memory_space<vmem>>, vector<1x16xi32>,
      }
      %scan3A_35 = arith.constant 8 : i32
    }
    %scan3A_4 = arith.constant 5 : i32
    %scan3A_5 = arith.constant 0 : i32
    %scan3A_6 = arith.constant 128 : i32
    %scan3A_7 = arith.addi %scan3A_5, %scan3A_6 : i32
    %scan3A_8 = arith.constant 1 : i32
    scf.for %scan3A_26 = %scan3A_5 to %scan3A_7 step %scan3A_8  : i32 {
      %mul3A_27 = arith.constant 1 : i32
      %mul3A_28 = arith.muli %scan3A_26, %mul3A_27 : i32
      %add3A_29 = arith.constant 0 : i32
      %add3A_30 = arith.addi %add3A_29, %mul3A_28 : i32
      %scan3A_31 = arith.constant 0 : i32
      %scan3A_32 = arith.constant 8 : i32
      %scan3A_33 = arith.addi %scan3A_31, %scan3A_32 : i32
      %scan3A_34 = arith.constant 1 : i32
      scf.for %scan3A_36 = %scan3A_31 to %scan3A_33 step %scan3A_34  : i32 {
        %mul3A_37 = arith.constant 1 : i32
        %mul3A_38 = arith.muli %scan3A_36, %mul3A_37 : i32
        %add3A_39 = arith.constant 0 : i32
        %add3A_40 = arith.addi %add3A_39, %mul3A_38 : i32
        %broadcast_in_dim3A = arith.constant 0.000000e+00 : f32
        %broadcast_in_dim3A_41 = vector.broadcast %broadcast_in_dim3A : f32 to vector<16xf32>
        %mul3A_42 = arith.constant 16 : i32
        %mul3A_43 = arith.muli %add3A_40, %mul3A_42 : i32
        %swap3A = arith.index_cast %add3A_30 : i32 to index
        %swap3A_44 = arith.index_cast %mul3A_43 : i32 to index
        %swap3A_45 = tpu.vector_load %arg11[%swap3A, %swap3A_44] {strides = array<i32>} : memref<128x128xf32, #tpu.memory_space<vmem>>, vector<1x16xf32>,
        %swap3A_46 = vector.shape_cast %swap3A_45 : vector<1x16xf32> to vector<16xf32>
        %swap3A_47 = vector.shape_cast %broadcast_in_dim3A_41 : vector<16xf32> to vector<1x16xf32>
        tpu.vector_store %arg11[%swap3A, %swap3A_44], %swap3A_47 {strides = array<i32>} : memref<128x128xf32, #tpu.memory_space<vmem>>, vector<1x16xf32>,
      }
      %scan3A_35 = arith.constant 8 : i32
    }
    %scan3A_9 = arith.constant 128 : i32
    %scan3A_10 = arith.constant 0 : i32
    %scan3A_11 = arith.constant 5 : i32
    %scan3A_12 = arith.addi %scan3A_10, %scan3A_11 : i32
    %scan3A_13 = arith.constant 1 : i32
    scf.for %scan3A_26 = %scan3A_10 to %scan3A_12 step %scan3A_13  : i32 {
      %mul3A_27 = arith.constant 1 : i32
      %mul3A_28 = arith.muli %scan3A_26, %mul3A_27 : i32
      %add3A_29 = arith.constant 0 : i32
      %add3A_30 = arith.addi %add3A_29, %mul3A_28 : i32
      "tpu.region"() ({
        %run_scoped3A = tpu.sem_alloc : memref<!tpu.dma_semaphore, #tpu.memory_space<semaphore_mem>>
        %dma_start3A = arith.constant 0 : i32
        %dma_start3A_31 = tpu.memref_slice %arg10[%add3A_30, %dma_start3A] : memref<5x128xi32, #tpu.memory_space<vmem>> -> memref<1x128xi32, #tpu.memory_space<vmem>>
        %dma_start3A_32 = tpu.memref_squeeze %dma_start3A_31 : memref<1x128xi32, #tpu.memory_space<vmem>> -> memref<128xi32, #tpu.memory_space<vmem>>
        %dma_start3A_33 = arith.constant 0 : i32
        %dma_start3A_34 = arith.constant 0 : i32
        %dma_start3A_35 = tpu.memref_slice %arg12[%dma_start3A_33, %dma_start3A_34] : memref<10240x128xf32, #tpu.memory_space<vmem_shared>> -> memref<10240x128xf32, #tpu.memory_space<vmem_shared>>
        tpu.enqueue_indirect_dma source(%arg11 : memref<128x128xf32, #tpu.memory_space<vmem>>) target(%dma_start3A_35 : memref<10240x128xf32, #tpu.memory_space<vmem_shared>>) offsets(%dma_start3A_32 : memref<128xi32, #tpu.memory_space<vmem>>) semaphore(%run_scoped3A : memref<!tpu.dma_semaphore, #tpu.memory_space<semaphore_mem>>)
        %dma_wait3A = arith.constant 0 : i32
        %dma_wait3A_36 = tpu.memref_slice %arg10[%add3A_30, %dma_wait3A] : memref<5x128xi32, #tpu.memory_space<vmem>> -> memref<1x128xi32, #tpu.memory_space<vmem>>
        %dma_wait3A_37 = tpu.memref_squeeze %dma_wait3A_36 : memref<1x128xi32, #tpu.memory_space<vmem>> -> memref<128xi32, #tpu.memory_space<vmem>>
        %dma_wait3A_38 = arith.constant 0 : i32
        %dma_wait3A_39 = arith.constant 0 : i32
        %dma_wait3A_40 = tpu.memref_slice %arg12[%dma_wait3A_38, %dma_wait3A_39] : memref<10240x128xf32, #tpu.memory_space<vmem_shared>> -> memref<10240x128xf32, #tpu.memory_space<vmem_shared>>
        tpu.wait_indirect_dma semaphore(%run_scoped3A : memref<!tpu.dma_semaphore, #tpu.memory_space<semaphore_mem>>) src(%arg11 : memref<128x128xf32, #tpu.memory_space<vmem>>) dst(%dma_wait3A_40 : memref<10240x128xf32, #tpu.memory_space<vmem_shared>>)
        tpu.yield
      }) : () -> ()
    }
    %scan3A_14 = arith.constant 5 : i32
    %barrier3A = arith.constant 0 : index
    tpu.barrier barrier_id(%barrier3A)
    %scan3A_15 = arith.constant 0 : i32
    %scan3A_16 = arith.constant 8 : i32
    %scan3A_17 = arith.addi %scan3A_15, %scan3A_16 : i32
    %scan3A_18 = arith.constant 1 : i32
    scf.for %scan3A_26 = %scan3A_15 to %scan3A_17 step %scan3A_18  : i32 {
      %mul3A_27 = arith.constant 1 : i32
      %mul3A_28 = arith.muli %scan3A_26, %mul3A_27 : i32
      %add3A_29 = arith.constant 0 : i32
      %add3A_30 = arith.addi %add3A_29, %mul3A_28 : i32
      %mul3A_31 = arith.constant 16 : i32
      %mul3A_32 = arith.muli %add3A_30, %mul3A_31 : i32
      "tpu.region"() ({
        %run_scoped3A = tpu.sem_alloc : memref<!tpu.dma_semaphore, #tpu.memory_space<semaphore_mem>>
        %dma_start3A_46 = arith.constant 0 : i32
        %dma_start3A_47 = tpu.memref_slice %arg3[%add3A, %mul3A_32, %dma_start3A_46] : memref<32x128x80xi32, #tpu.memory_space<hbm>> -> memref<1x16x80xi32, #tpu.memory_space<hbm>>
        %dma_start3A_48 = tpu.memref_squeeze %dma_start3A_47 : memref<1x16x80xi32, #tpu.memory_space<hbm>> -> memref<16x80xi32, #tpu.memory_space<hbm>>
        %dma_start3A_49 = arith.constant 0 : i32
        %dma_start3A_50 = tpu.memref_slice %arg3[%add3A, %mul3A_32, %dma_start3A_49] : memref<32x128x80xi32, #tpu.memory_space<hbm>> -> memref<1x16x80xi32, #tpu.memory_space<hbm>>
        %dma_start3A_51 = tpu.memref_squeeze %dma_start3A_50 : memref<1x16x80xi32, #tpu.memory_space<hbm>> -> memref<16x80xi32, #tpu.memory_space<hbm>>
        tpu.enqueue_dma source(%dma_start3A_51 : memref<16x80xi32, #tpu.memory_space<hbm>>) target(%arg6 : memref<16x80xi32, #tpu.memory_space<vmem>>) target_semaphore(%run_scoped3A : memref<!tpu.dma_semaphore, #tpu.memory_space<semaphore_mem>>)
        %dma_wait3A = arith.constant 0 : i32
        %dma_wait3A_52 = tpu.memref_slice %arg3[%add3A, %mul3A_32, %dma_wait3A] : memref<32x128x80xi32, #tpu.memory_space<hbm>> -> memref<1x16x80xi32, #tpu.memory_space<hbm>>
        %dma_wait3A_53 = tpu.memref_squeeze %dma_wait3A_52 : memref<1x16x80xi32, #tpu.memory_space<hbm>> -> memref<16x80xi32, #tpu.memory_space<hbm>>
        %dma_wait3A_54 = arith.constant 0 : i32
        %dma_wait3A_55 = tpu.memref_slice %arg3[%add3A, %mul3A_32, %dma_wait3A_54] : memref<32x128x80xi32, #tpu.memory_space<hbm>> -> memref<1x16x80xi32, #tpu.memory_space<hbm>>
        %dma_wait3A_56 = tpu.memref_squeeze %dma_wait3A_55 : memref<1x16x80xi32, #tpu.memory_space<hbm>> -> memref<16x80xi32, #tpu.memory_space<hbm>>
        tpu.wait_dma2 semaphore(%run_scoped3A : memref<!tpu.dma_semaphore, #tpu.memory_space<semaphore_mem>>) src(%dma_wait3A_56 : memref<16x80xi32, #tpu.memory_space<hbm>>) dst(%arg6 : memref<16x80xi32, #tpu.memory_space<vmem>>)
        tpu.yield
      }) : () -> ()
      %mul3A_33 = arith.constant 16 : i32
      %mul3A_34 = arith.muli %add3A_30, %mul3A_33 : i32
      "tpu.region"() ({
        %run_scoped3A = tpu.sem_alloc : memref<!tpu.dma_semaphore, #tpu.memory_space<semaphore_mem>>
        %dma_start3A_46 = arith.constant 0 : i32
        %dma_start3A_47 = tpu.memref_slice %arg4[%add3A, %mul3A_34, %dma_start3A_46] : memref<32x128x80xi32, #tpu.memory_space<hbm>> -> memref<1x16x80xi32, #tpu.memory_space<hbm>>
        %dma_start3A_48 = tpu.memref_squeeze %dma_start3A_47 : memref<1x16x80xi32, #tpu.memory_space<hbm>> -> memref<16x80xi32, #tpu.memory_space<hbm>>
        %dma_start3A_49 = arith.constant 0 : i32
        %dma_start3A_50 = tpu.memref_slice %arg4[%add3A, %mul3A_34, %dma_start3A_49] : memref<32x128x80xi32, #tpu.memory_space<hbm>> -> memref<1x16x80xi32, #tpu.memory_space<hbm>>
        %dma_start3A_51 = tpu.memref_squeeze %dma_start3A_50 : memref<1x16x80xi32, #tpu.memory_space<hbm>> -> memref<16x80xi32, #tpu.memory_space<hbm>>
        tpu.enqueue_dma source(%dma_start3A_51 : memref<16x80xi32, #tpu.memory_space<hbm>>) target(%arg7 : memref<16x80xi32, #tpu.memory_space<vmem>>) target_semaphore(%run_scoped3A : memref<!tpu.dma_semaphore, #tpu.memory_space<semaphore_mem>>)
        %dma_wait3A = arith.constant 0 : i32
        %dma_wait3A_52 = tpu.memref_slice %arg4[%add3A, %mul3A_34, %dma_wait3A] : memref<32x128x80xi32, #tpu.memory_space<hbm>> -> memref<1x16x80xi32, #tpu.memory_space<hbm>>
        %dma_wait3A_53 = tpu.memref_squeeze %dma_wait3A_52 : memref<1x16x80xi32, #tpu.memory_space<hbm>> -> memref<16x80xi32, #tpu.memory_space<hbm>>
        %dma_wait3A_54 = arith.constant 0 : i32
        %dma_wait3A_55 = tpu.memref_slice %arg4[%add3A, %mul3A_34, %dma_wait3A_54] : memref<32x128x80xi32, #tpu.memory_space<hbm>> -> memref<1x16x80xi32, #tpu.memory_space<hbm>>
        %dma_wait3A_56 = tpu.memref_squeeze %dma_wait3A_55 : memref<1x16x80xi32, #tpu.memory_space<hbm>> -> memref<16x80xi32, #tpu.memory_space<hbm>>
        tpu.wait_dma2 semaphore(%run_scoped3A : memref<!tpu.dma_semaphore, #tpu.memory_space<semaphore_mem>>) src(%dma_wait3A_56 : memref<16x80xi32, #tpu.memory_space<hbm>>) dst(%arg7 : memref<16x80xi32, #tpu.memory_space<vmem>>)
        tpu.yield
      }) : () -> ()
      %dma_start3A = arith.constant 0 : i32
      %dma_start3A_35 = arith.constant 0 : i32
      %dma_start3A_36 = tpu.memref_slice %arg6[%dma_start3A, %dma_start3A_35] : memref<16x80xi32, #tpu.memory_space<vmem>> -> memref<1x80xi32, #tpu.memory_space<vmem>>
      %dma_start3A_37 = tpu.memref_squeeze %dma_start3A_36 : memref<1x80xi32, #tpu.memory_space<vmem>> -> memref<80xi32, #tpu.memory_space<vmem>>
      %dma_start3A_38 = arith.constant 0 : i32
      %dma_start3A_39 = arith.constant 0 : i32
      %dma_start3A_40 = tpu.memref_slice %arg2[%dma_start3A_38, %dma_start3A_39] : memref<10000x128xf32, #tpu.memory_space<hbm>> -> memref<10000x128xf32, #tpu.memory_space<hbm>>
      tpu.enqueue_indirect_dma source(%dma_start3A_40 : memref<10000x128xf32, #tpu.memory_space<hbm>>) target(%arg8 : memref<80x128xf32, #tpu.memory_space<vmem>>) offsets(%dma_start3A_37 : memref<80xi32, #tpu.memory_space<vmem>>) semaphore(%arg13 : memref<!tpu.dma_semaphore, #tpu.memory_space<semaphore_mem>>)
      %scan3A_41 = arith.constant 0 : i32
      %scan3A_42 = arith.constant 8 : i32
      %scan3A_43 = arith.addi %scan3A_41, %scan3A_42 : i32
      %scan3A_44 = arith.constant 1 : i32
      scf.for %scan3A_46 = %scan3A_41 to %scan3A_43 step %scan3A_44  : i32 {
        %mul3A_47 = arith.constant 1 : i32
        %mul3A_48 = arith.muli %scan3A_46, %mul3A_47 : i32
        %add3A_49 = arith.constant 0 : i32
        %add3A_50 = arith.addi %add3A_49, %mul3A_48 : i32
        %mul3A_51 = arith.constant 2 : i32
        %mul3A_52 = arith.muli %mul3A_51, %add3A_50 : i32
        %mul3A_53 = arith.constant 2 : i32
        %mul3A_54 = arith.muli %mul3A_53, %add3A_50 : i32
        %add3A_55 = arith.constant 1 : i32
        %add3A_56 = arith.addi %mul3A_54, %add3A_55 : i32
        %dma_wait3A = arith.constant 0 : i32
        %dma_wait3A_57 = tpu.memref_slice %arg6[%mul3A_52, %dma_wait3A] : memref<16x80xi32, #tpu.memory_space<vmem>> -> memref<1x80xi32, #tpu.memory_space<vmem>>
        %dma_wait3A_58 = tpu.memref_squeeze %dma_wait3A_57 : memref<1x80xi32, #tpu.memory_space<vmem>> -> memref<80xi32, #tpu.memory_space<vmem>>
        %dma_wait3A_59 = arith.constant 0 : i32
        %dma_wait3A_60 = arith.constant 0 : i32
        %dma_wait3A_61 = tpu.memref_slice %arg2[%dma_wait3A_59, %dma_wait3A_60] : memref<10000x128xf32, #tpu.memory_space<hbm>> -> memref<10000x128xf32, #tpu.memory_space<hbm>>
        tpu.wait_indirect_dma semaphore(%arg13 : memref<!tpu.dma_semaphore, #tpu.memory_space<semaphore_mem>>) src(%dma_wait3A_61 : memref<10000x128xf32, #tpu.memory_space<hbm>>) dst(%arg8 : memref<80x128xf32, #tpu.memory_space<vmem>>)
        %dma_start3A_62 = arith.constant 0 : i32
        %dma_start3A_63 = tpu.memref_slice %arg6[%add3A_56, %dma_start3A_62] : memref<16x80xi32, #tpu.memory_space<vmem>> -> memref<1x80xi32, #tpu.memory_space<vmem>>
        %dma_start3A_64 = tpu.memref_squeeze %dma_start3A_63 : memref<1x80xi32, #tpu.memory_space<vmem>> -> memref<80xi32, #tpu.memory_space<vmem>>
        %dma_start3A_65 = arith.constant 0 : i32
        %dma_start3A_66 = arith.constant 0 : i32
        %dma_start3A_67 = tpu.memref_slice %arg2[%dma_start3A_65, %dma_start3A_66] : memref<10000x128xf32, #tpu.memory_space<hbm>> -> memref<10000x128xf32, #tpu.memory_space<hbm>>
        tpu.enqueue_indirect_dma source(%dma_start3A_67 : memref<10000x128xf32, #tpu.memory_space<hbm>>) target(%arg9 : memref<80x128xf32, #tpu.memory_space<vmem>>) offsets(%dma_start3A_64 : memref<80xi32, #tpu.memory_space<vmem>>) semaphore(%arg14 : memref<!tpu.dma_semaphore, #tpu.memory_space<semaphore_mem>>)
        "tpu.region"() ({
          %run_scoped3A = tpu.sem_alloc : memref<!tpu.dma_semaphore, #tpu.memory_space<semaphore_mem>>
          %dma_start3A_76 = arith.constant 0 : i32
          %dma_start3A_77 = tpu.memref_slice %arg7[%mul3A_52, %dma_start3A_76] : memref<16x80xi32, #tpu.memory_space<vmem>> -> memref<1x80xi32, #tpu.memory_space<vmem>>
          %dma_start3A_78 = tpu.memref_squeeze %dma_start3A_77 : memref<1x80xi32, #tpu.memory_space<vmem>> -> memref<80xi32, #tpu.memory_space<vmem>>
          %dma_start3A_79 = arith.constant 0 : i32
          %dma_start3A_80 = arith.constant 0 : i32
          %dma_start3A_81 = tpu.memref_slice %arg12[%dma_start3A_79, %dma_start3A_80] : memref<10240x128xf32, #tpu.memory_space<vmem_shared>> -> memref<10240x128xf32, #tpu.memory_space<vmem_shared>>
          tpu.enqueue_indirect_dma source(%arg8 : memref<80x128xf32, #tpu.memory_space<vmem>>) target(%dma_start3A_81 : memref<10240x128xf32, #tpu.memory_space<vmem_shared>>) offsets(%dma_start3A_78 : memref<80xi32, #tpu.memory_space<vmem>>) semaphore(%run_scoped3A : memref<!tpu.dma_semaphore, #tpu.memory_space<semaphore_mem>>) {add = true}
          %dma_wait3A_82 = arith.constant 0 : i32
          %dma_wait3A_83 = tpu.memref_slice %arg7[%mul3A_52, %dma_wait3A_82] : memref<16x80xi32, #tpu.memory_space<vmem>> -> memref<1x80xi32, #tpu.memory_space<vmem>>
          %dma_wait3A_84 = tpu.memref_squeeze %dma_wait3A_83 : memref<1x80xi32, #tpu.memory_space<vmem>> -> memref<80xi32, #tpu.memory_space<vmem>>
          %dma_wait3A_85 = arith.constant 0 : i32
          %dma_wait3A_86 = arith.constant 0 : i32
          %dma_wait3A_87 = tpu.memref_slice %arg12[%dma_wait3A_85, %dma_wait3A_86] : memref<10240x128xf32, #tpu.memory_space<vmem_shared>> -> memref<10240x128xf32, #tpu.memory_space<vmem_shared>>
          tpu.wait_indirect_dma semaphore(%run_scoped3A : memref<!tpu.dma_semaphore, #tpu.memory_space<semaphore_mem>>) src(%arg8 : memref<80x128xf32, #tpu.memory_space<vmem>>) dst(%dma_wait3A_87 : memref<10240x128xf32, #tpu.memory_space<vmem_shared>>)
          tpu.yield
        }) : () -> ()
        %dma_wait3A_68 = arith.constant 0 : i32
        %dma_wait3A_69 = tpu.memref_slice %arg6[%add3A_56, %dma_wait3A_68] : memref<16x80xi32, #tpu.memory_space<vmem>> -> memref<1x80xi32, #tpu.memory_space<vmem>>
        %dma_wait3A_70 = tpu.memref_squeeze %dma_wait3A_69 : memref<1x80xi32, #tpu.memory_space<vmem>> -> memref<80xi32, #tpu.memory_space<vmem>>
        %dma_wait3A_71 = arith.constant 0 : i32
        %dma_wait3A_72 = arith.constant 0 : i32
        %dma_wait3A_73 = tpu.memref_slice %arg2[%dma_wait3A_71, %dma_wait3A_72] : memref<10000x128xf32, #tpu.memory_space<hbm>> -> memref<10000x128xf32, #tpu.memory_space<hbm>>
        tpu.wait_indirect_dma semaphore(%arg14 : memref<!tpu.dma_semaphore, #tpu.memory_space<semaphore_mem>>) src(%dma_wait3A_73 : memref<10000x128xf32, #tpu.memory_space<hbm>>) dst(%arg9 : memref<80x128xf32, #tpu.memory_space<vmem>>)
        %lt3A = arith.constant 7 : i32
        %lt3A_74 = arith.cmpi slt, %add3A_50, %lt3A : i32
        %convert_element_type3A = arith.extui %lt3A_74 : i1 to i32
        %cond3A = arith.constant 0 : i32
        %cond3A_75 = arith.cmpi ne, %convert_element_type3A, %cond3A : i32
        scf.if %cond3A_75 {
          %add3A_76 = arith.constant 2 : i32
          %add3A_77 = arith.addi %mul3A_52, %add3A_76 : i32
          %dma_start3A_78 = arith.constant 0 : i32
          %dma_start3A_79 = tpu.memref_slice %arg6[%add3A_77, %dma_start3A_78] : memref<16x80xi32, #tpu.memory_space<vmem>> -> memref<1x80xi32, #tpu.memory_space<vmem>>
          %dma_start3A_80 = tpu.memref_squeeze %dma_start3A_79 : memref<1x80xi32, #tpu.memory_space<vmem>> -> memref<80xi32, #tpu.memory_space<vmem>>
          %dma_start3A_81 = arith.constant 0 : i32
          %dma_start3A_82 = arith.constant 0 : i32
          %dma_start3A_83 = tpu.memref_slice %arg2[%dma_start3A_81, %dma_start3A_82] : memref<10000x128xf32, #tpu.memory_space<hbm>> -> memref<10000x128xf32, #tpu.memory_space<hbm>>
          tpu.enqueue_indirect_dma source(%dma_start3A_83 : memref<10000x128xf32, #tpu.memory_space<hbm>>) target(%arg8 : memref<80x128xf32, #tpu.memory_space<vmem>>) offsets(%dma_start3A_80 : memref<80xi32, #tpu.memory_space<vmem>>) semaphore(%arg13 : memref<!tpu.dma_semaphore, #tpu.memory_space<semaphore_mem>>)
        } else {
        }
        "tpu.region"() ({
          %run_scoped3A = tpu.sem_alloc : memref<!tpu.dma_semaphore, #tpu.memory_space<semaphore_mem>>
          %dma_start3A_76 = arith.constant 0 : i32
          %dma_start3A_77 = tpu.memref_slice %arg7[%add3A_56, %dma_start3A_76] : memref<16x80xi32, #tpu.memory_space<vmem>> -> memref<1x80xi32, #tpu.memory_space<vmem>>
          %dma_start3A_78 = tpu.memref_squeeze %dma_start3A_77 : memref<1x80xi32, #tpu.memory_space<vmem>> -> memref<80xi32, #tpu.memory_space<vmem>>
          %dma_start3A_79 = arith.constant 0 : i32
          %dma_start3A_80 = arith.constant 0 : i32
          %dma_start3A_81 = tpu.memref_slice %arg12[%dma_start3A_79, %dma_start3A_80] : memref<10240x128xf32, #tpu.memory_space<vmem_shared>> -> memref<10240x128xf32, #tpu.memory_space<vmem_shared>>
          tpu.enqueue_indirect_dma source(%arg9 : memref<80x128xf32, #tpu.memory_space<vmem>>) target(%dma_start3A_81 : memref<10240x128xf32, #tpu.memory_space<vmem_shared>>) offsets(%dma_start3A_78 : memref<80xi32, #tpu.memory_space<vmem>>) semaphore(%run_scoped3A : memref<!tpu.dma_semaphore, #tpu.memory_space<semaphore_mem>>) {add = true}
          %dma_wait3A_82 = arith.constant 0 : i32
          %dma_wait3A_83 = tpu.memref_slice %arg7[%add3A_56, %dma_wait3A_82] : memref<16x80xi32, #tpu.memory_space<vmem>> -> memref<1x80xi32, #tpu.memory_space<vmem>>
          %dma_wait3A_84 = tpu.memref_squeeze %dma_wait3A_83 : memref<1x80xi32, #tpu.memory_space<vmem>> -> memref<80xi32, #tpu.memory_space<vmem>>
          %dma_wait3A_85 = arith.constant 0 : i32
          %dma_wait3A_86 = arith.constant 0 : i32
          %dma_wait3A_87 = tpu.memref_slice %arg12[%dma_wait3A_85, %dma_wait3A_86] : memref<10240x128xf32, #tpu.memory_space<vmem_shared>> -> memref<10240x128xf32, #tpu.memory_space<vmem_shared>>
          tpu.wait_indirect_dma semaphore(%run_scoped3A : memref<!tpu.dma_semaphore, #tpu.memory_space<semaphore_mem>>) src(%arg9 : memref<80x128xf32, #tpu.memory_space<vmem>>) dst(%dma_wait3A_87 : memref<10240x128xf32, #tpu.memory_space<vmem_shared>>)
          tpu.yield
        }) : () -> ()
      }
      %scan3A_45 = arith.constant 8 : i32
    }
    %scan3A_19 = arith.constant 8 : i32
    %barrier3A_20 = arith.constant 0 : index
    tpu.barrier barrier_id(%barrier3A_20)
    %scan3A_21 = arith.constant 0 : i32
    %scan3A_22 = arith.constant 5 : i32
    %scan3A_23 = arith.addi %scan3A_21, %scan3A_22 : i32
    %scan3A_24 = arith.constant 1 : i32
    scf.for %scan3A_26 = %scan3A_21 to %scan3A_23 step %scan3A_24  : i32 {
      %mul3A_27 = arith.constant 1 : i32
      %mul3A_28 = arith.muli %scan3A_26, %mul3A_27 : i32
      %add3A_29 = arith.constant 0 : i32
      %add3A_30 = arith.addi %add3A_29, %mul3A_28 : i32
      "tpu.region"() ({
        %run_scoped3A = tpu.sem_alloc : memref<!tpu.dma_semaphore, #tpu.memory_space<semaphore_mem>>
        %dma_start3A = arith.constant 0 : i32
        %dma_start3A_36 = tpu.memref_slice %arg10[%add3A_30, %dma_start3A] : memref<5x128xi32, #tpu.memory_space<vmem>> -> memref<1x128xi32, #tpu.memory_space<vmem>>
        %dma_start3A_37 = tpu.memref_squeeze %dma_start3A_36 : memref<1x128xi32, #tpu.memory_space<vmem>> -> memref<128xi32, #tpu.memory_space<vmem>>
        %dma_start3A_38 = arith.constant 0 : i32
        %dma_start3A_39 = arith.constant 0 : i32
        %dma_start3A_40 = tpu.memref_slice %arg12[%dma_start3A_38, %dma_start3A_39] : memref<10240x128xf32, #tpu.memory_space<vmem_shared>> -> memref<10240x128xf32, #tpu.memory_space<vmem_shared>>
        tpu.enqueue_indirect_dma source(%dma_start3A_40 : memref<10240x128xf32, #tpu.memory_space<vmem_shared>>) target(%arg11 : memref<128x128xf32, #tpu.memory_space<vmem>>) offsets(%dma_start3A_37 : memref<128xi32, #tpu.memory_space<vmem>>) semaphore(%run_scoped3A : memref<!tpu.dma_semaphore, #tpu.memory_space<semaphore_mem>>)
        %dma_wait3A = arith.constant 0 : i32
        %dma_wait3A_41 = tpu.memref_slice %arg10[%add3A_30, %dma_wait3A] : memref<5x128xi32, #tpu.memory_space<vmem>> -> memref<1x128xi32, #tpu.memory_space<vmem>>
        %dma_wait3A_42 = tpu.memref_squeeze %dma_wait3A_41 : memref<1x128xi32, #tpu.memory_space<vmem>> -> memref<128xi32, #tpu.memory_space<vmem>>
        %dma_wait3A_43 = arith.constant 0 : i32
        %dma_wait3A_44 = arith.constant 0 : i32
        %dma_wait3A_45 = tpu.memref_slice %arg12[%dma_wait3A_43, %dma_wait3A_44] : memref<10240x128xf32, #tpu.memory_space<vmem_shared>> -> memref<10240x128xf32, #tpu.memory_space<vmem_shared>>
        tpu.wait_indirect_dma semaphore(%run_scoped3A : memref<!tpu.dma_semaphore, #tpu.memory_space<semaphore_mem>>) src(%dma_wait3A_45 : memref<10240x128xf32, #tpu.memory_space<vmem_shared>>) dst(%arg11 : memref<128x128xf32, #tpu.memory_space<vmem>>)
        tpu.yield
      }) : () -> ()
      %mul3A_31 = arith.constant 640 : i32
      %mul3A_32 = arith.muli %arg1, %mul3A_31 : i32
      %mul3A_33 = arith.constant 128 : i32
      %mul3A_34 = arith.muli %add3A_30, %mul3A_33 : i32
      %add3A_35 = arith.addi %mul3A_32, %mul3A_34 : i32
      "tpu.region"() ({
        %run_scoped3A = tpu.sem_alloc : memref<!tpu.dma_semaphore, #tpu.memory_space<semaphore_mem>>
        %dma_start3A = arith.constant 0 : i32
        %dma_start3A_36 = tpu.memref_slice %arg5[%arg0, %add3A_35, %dma_start3A] : memref<2x10240x128xf32, #tpu.memory_space<hbm>> -> memref<1x128x128xf32, #tpu.memory_space<hbm>>
        %dma_start3A_37 = tpu.memref_squeeze %dma_start3A_36 : memref<1x128x128xf32, #tpu.memory_space<hbm>> -> memref<128x128xf32, #tpu.memory_space<hbm>>
        %dma_start3A_38 = arith.constant 0 : i32
        %dma_start3A_39 = tpu.memref_slice %arg5[%arg0, %add3A_35, %dma_start3A_38] : memref<2x10240x128xf32, #tpu.memory_space<hbm>> -> memref<1x128x128xf32, #tpu.memory_space<hbm>>
        %dma_start3A_40 = tpu.memref_squeeze %dma_start3A_39 : memref<1x128x128xf32, #tpu.memory_space<hbm>> -> memref<128x128xf32, #tpu.memory_space<hbm>>
        tpu.enqueue_dma source(%arg11 : memref<128x128xf32, #tpu.memory_space<vmem>>) target(%dma_start3A_40 : memref<128x128xf32, #tpu.memory_space<hbm>>) target_semaphore(%run_scoped3A : memref<!tpu.dma_semaphore, #tpu.memory_space<semaphore_mem>>)
        %dma_wait3A = arith.constant 0 : i32
        %dma_wait3A_41 = tpu.memref_slice %arg5[%arg0, %add3A_35, %dma_wait3A] : memref<2x10240x128xf32, #tpu.memory_space<hbm>> -> memref<1x128x128xf32, #tpu.memory_space<hbm>>
        %dma_wait3A_42 = tpu.memref_squeeze %dma_wait3A_41 : memref<1x128x128xf32, #tpu.memory_space<hbm>> -> memref<128x128xf32, #tpu.memory_space<hbm>>
        %dma_wait3A_43 = arith.constant 0 : i32
        %dma_wait3A_44 = tpu.memref_slice %arg5[%arg0, %add3A_35, %dma_wait3A_43] : memref<2x10240x128xf32, #tpu.memory_space<hbm>> -> memref<1x128x128xf32, #tpu.memory_space<hbm>>
        %dma_wait3A_45 = tpu.memref_squeeze %dma_wait3A_44 : memref<1x128x128xf32, #tpu.memory_space<hbm>> -> memref<128x128xf32, #tpu.memory_space<hbm>>
        tpu.wait_dma2 semaphore(%run_scoped3A : memref<!tpu.dma_semaphore, #tpu.memory_space<semaphore_mem>>) src(%arg11 : memref<128x128xf32, #tpu.memory_space<vmem>>) dst(%dma_wait3A_45 : memref<128x128xf32, #tpu.memory_space<hbm>>)
        tpu.yield
      }) : () -> ()
    }
    %scan3A_25 = arith.constant 5 : i32
    return
  }
}

#map = affine_map<(d0, d1) -> (0, 0, 0)>
module attributes {stable_mosaic.version = 14 : i64} {
  func.func @_deg_body(%arg0: i32, %arg1: i32, %arg2: memref<32x128x80xi32, #tpu.memory_space<hbm>>, %arg3: memref<2x10240x128xf32, #tpu.memory_space<hbm>>, %arg4: memref<16x80xi32, #tpu.memory_space<vmem>>, %arg5: memref<80x128xf32, #tpu.memory_space<vmem>>, %arg6: memref<5x128xi32, #tpu.memory_space<vmem>>, %arg7: memref<128x128xf32, #tpu.memory_space<vmem>>, %arg8: memref<10240x128xf32, #tpu.memory_space<vmem_shared>>, %arg9: memref<!tpu.dma_semaphore, #tpu.memory_space<semaphore_mem>>) attributes {dimension_semantics = [#tpu.dimension_semantics<core_parallel>, #tpu.dimension_semantics<subcore_parallel>], iteration_bounds = array<i64: 2, 16>, scalar_prefetch = 0 : i64, scratch_operands = 6 : i64, tpu.core_type = #tpu.core_type<sc_vector_subcore>, window_params = [{transform_indices = #map}, {transform_indices = #map}]} {
    %mul3A = arith.constant 16 : i32
    %mul3A_0 = arith.muli %arg0, %mul3A : i32
    %add3A = arith.addi %mul3A_0, %arg1 : i32
    %scan3A = arith.constant 0 : i32
    %scan3A_1 = arith.constant 5 : i32
    %scan3A_2 = arith.addi %scan3A, %scan3A_1 : i32
    %scan3A_3 = arith.constant 1 : i32
    scf.for %scan3A_31 = %scan3A to %scan3A_2 step %scan3A_3  : i32 {
      %mul3A_32 = arith.constant 1 : i32
      %mul3A_33 = arith.muli %scan3A_31, %mul3A_32 : i32
      %add3A_34 = arith.constant 0 : i32
      %add3A_35 = arith.addi %add3A_34, %mul3A_33 : i32
      %scan3A_36 = arith.constant 0 : i32
      %scan3A_37 = arith.constant 8 : i32
      %scan3A_38 = arith.addi %scan3A_36, %scan3A_37 : i32
      %scan3A_39 = arith.constant 1 : i32
      scf.for %scan3A_41 = %scan3A_36 to %scan3A_38 step %scan3A_39  : i32 {
        %mul3A_42 = arith.constant 1 : i32
        %mul3A_43 = arith.muli %scan3A_41, %mul3A_42 : i32
        %add3A_44 = arith.constant 0 : i32
        %add3A_45 = arith.addi %add3A_44, %mul3A_43 : i32
        %iota3A = tpu.iota {dimensions = array<i32: 0>} : vector<16xi32>
        %mul3A_46 = arith.constant 640 : i32
        %mul3A_47 = arith.muli %arg1, %mul3A_46 : i32
        %mul3A_48 = arith.constant 128 : i32
        %mul3A_49 = arith.muli %add3A_35, %mul3A_48 : i32
        %add3A_50 = arith.addi %mul3A_47, %mul3A_49 : i32
        %mul3A_51 = arith.constant 16 : i32
        %mul3A_52 = arith.muli %add3A_45, %mul3A_51 : i32
        %add3A_53 = arith.addi %add3A_50, %mul3A_52 : i32
        %add3A_54 = vector.broadcast %add3A_53 : i32 to vector<16xi32>
        %add3A_55 = arith.addi %iota3A, %add3A_54 : vector<16xi32>
        %mul3A_56 = arith.constant 16 : i32
        %mul3A_57 = arith.muli %add3A_45, %mul3A_56 : i32
        %swap3A = arith.index_cast %add3A_35 : i32 to index
        %swap3A_58 = arith.index_cast %mul3A_57 : i32 to index
        %swap3A_59 = tpu.vector_load %arg6[%swap3A, %swap3A_58] {strides = array<i32>} : memref<5x128xi32, #tpu.memory_space<vmem>>, vector<1x16xi32>,
        %swap3A_60 = vector.shape_cast %swap3A_59 : vector<1x16xi32> to vector<16xi32>
        %swap3A_61 = vector.shape_cast %add3A_55 : vector<16xi32> to vector<1x16xi32>
        tpu.vector_store %arg6[%swap3A, %swap3A_58], %swap3A_61 {strides = array<i32>} : memref<5x128xi32, #tpu.memory_space<vmem>>, vector<1x16xi32>,
      }
      %scan3A_40 = arith.constant 8 : i32
    }
    %scan3A_4 = arith.constant 5 : i32
    %scan3A_5 = arith.constant 0 : i32
    %scan3A_6 = arith.constant 80 : i32
    %scan3A_7 = arith.addi %scan3A_5, %scan3A_6 : i32
    %scan3A_8 = arith.constant 1 : i32
    scf.for %scan3A_31 = %scan3A_5 to %scan3A_7 step %scan3A_8  : i32 {
      %mul3A_32 = arith.constant 1 : i32
      %mul3A_33 = arith.muli %scan3A_31, %mul3A_32 : i32
      %add3A_34 = arith.constant 0 : i32
      %add3A_35 = arith.addi %add3A_34, %mul3A_33 : i32
      %scan3A_36 = arith.constant 0 : i32
      %scan3A_37 = arith.constant 8 : i32
      %scan3A_38 = arith.addi %scan3A_36, %scan3A_37 : i32
      %scan3A_39 = arith.constant 1 : i32
      scf.for %scan3A_41 = %scan3A_36 to %scan3A_38 step %scan3A_39  : i32 {
        %mul3A_42 = arith.constant 1 : i32
        %mul3A_43 = arith.muli %scan3A_41, %mul3A_42 : i32
        %add3A_44 = arith.constant 0 : i32
        %add3A_45 = arith.addi %add3A_44, %mul3A_43 : i32
        %broadcast_in_dim3A = arith.constant 1.000000e+00 : f32
        %broadcast_in_dim3A_46 = vector.broadcast %broadcast_in_dim3A : f32 to vector<16xf32>
        %mul3A_47 = arith.constant 16 : i32
        %mul3A_48 = arith.muli %add3A_45, %mul3A_47 : i32
        %swap3A = arith.index_cast %add3A_35 : i32 to index
        %swap3A_49 = arith.index_cast %mul3A_48 : i32 to index
        %swap3A_50 = tpu.vector_load %arg5[%swap3A, %swap3A_49] {strides = array<i32>} : memref<80x128xf32, #tpu.memory_space<vmem>>, vector<1x16xf32>,
        %swap3A_51 = vector.shape_cast %swap3A_50 : vector<1x16xf32> to vector<16xf32>
        %swap3A_52 = vector.shape_cast %broadcast_in_dim3A_46 : vector<16xf32> to vector<1x16xf32>
        tpu.vector_store %arg5[%swap3A, %swap3A_49], %swap3A_52 {strides = array<i32>} : memref<80x128xf32, #tpu.memory_space<vmem>>, vector<1x16xf32>,
      }
      %scan3A_40 = arith.constant 8 : i32
    }
    %scan3A_9 = arith.constant 80 : i32
    %scan3A_10 = arith.constant 0 : i32
    %scan3A_11 = arith.constant 128 : i32
    %scan3A_12 = arith.addi %scan3A_10, %scan3A_11 : i32
    %scan3A_13 = arith.constant 1 : i32
    scf.for %scan3A_31 = %scan3A_10 to %scan3A_12 step %scan3A_13  : i32 {
      %mul3A_32 = arith.constant 1 : i32
      %mul3A_33 = arith.muli %scan3A_31, %mul3A_32 : i32
      %add3A_34 = arith.constant 0 : i32
      %add3A_35 = arith.addi %add3A_34, %mul3A_33 : i32
      %scan3A_36 = arith.constant 0 : i32
      %scan3A_37 = arith.constant 8 : i32
      %scan3A_38 = arith.addi %scan3A_36, %scan3A_37 : i32
      %scan3A_39 = arith.constant 1 : i32
      scf.for %scan3A_41 = %scan3A_36 to %scan3A_38 step %scan3A_39  : i32 {
        %mul3A_42 = arith.constant 1 : i32
        %mul3A_43 = arith.muli %scan3A_41, %mul3A_42 : i32
        %add3A_44 = arith.constant 0 : i32
        %add3A_45 = arith.addi %add3A_44, %mul3A_43 : i32
        %broadcast_in_dim3A = arith.constant 0.000000e+00 : f32
        %broadcast_in_dim3A_46 = vector.broadcast %broadcast_in_dim3A : f32 to vector<16xf32>
        %mul3A_47 = arith.constant 16 : i32
        %mul3A_48 = arith.muli %add3A_45, %mul3A_47 : i32
        %swap3A = arith.index_cast %add3A_35 : i32 to index
        %swap3A_49 = arith.index_cast %mul3A_48 : i32 to index
        %swap3A_50 = tpu.vector_load %arg7[%swap3A, %swap3A_49] {strides = array<i32>} : memref<128x128xf32, #tpu.memory_space<vmem>>, vector<1x16xf32>,
        %swap3A_51 = vector.shape_cast %swap3A_50 : vector<1x16xf32> to vector<16xf32>
        %swap3A_52 = vector.shape_cast %broadcast_in_dim3A_46 : vector<16xf32> to vector<1x16xf32>
        tpu.vector_store %arg7[%swap3A, %swap3A_49], %swap3A_52 {strides = array<i32>} : memref<128x128xf32, #tpu.memory_space<vmem>>, vector<1x16xf32>,
      }
      %scan3A_40 = arith.constant 8 : i32
    }
    %scan3A_14 = arith.constant 128 : i32
    %scan3A_15 = arith.constant 0 : i32
    %scan3A_16 = arith.constant 5 : i32
    %scan3A_17 = arith.addi %scan3A_15, %scan3A_16 : i32
    %scan3A_18 = arith.constant 1 : i32
    scf.for %scan3A_31 = %scan3A_15 to %scan3A_17 step %scan3A_18  : i32 {
      %mul3A_32 = arith.constant 1 : i32
      %mul3A_33 = arith.muli %scan3A_31, %mul3A_32 : i32
      %add3A_34 = arith.constant 0 : i32
      %add3A_35 = arith.addi %add3A_34, %mul3A_33 : i32
      "tpu.region"() ({
        %run_scoped3A = tpu.sem_alloc : memref<!tpu.dma_semaphore, #tpu.memory_space<semaphore_mem>>
        %dma_start3A = arith.constant 0 : i32
        %dma_start3A_36 = tpu.memref_slice %arg6[%add3A_35, %dma_start3A] : memref<5x128xi32, #tpu.memory_space<vmem>> -> memref<1x128xi32, #tpu.memory_space<vmem>>
        %dma_start3A_37 = tpu.memref_squeeze %dma_start3A_36 : memref<1x128xi32, #tpu.memory_space<vmem>> -> memref<128xi32, #tpu.memory_space<vmem>>
        %dma_start3A_38 = arith.constant 0 : i32
        %dma_start3A_39 = arith.constant 0 : i32
        %dma_start3A_40 = tpu.memref_slice %arg8[%dma_start3A_38, %dma_start3A_39] : memref<10240x128xf32, #tpu.memory_space<vmem_shared>> -> memref<10240x128xf32, #tpu.memory_space<vmem_shared>>
        tpu.enqueue_indirect_dma source(%arg7 : memref<128x128xf32, #tpu.memory_space<vmem>>) target(%dma_start3A_40 : memref<10240x128xf32, #tpu.memory_space<vmem_shared>>) offsets(%dma_start3A_37 : memref<128xi32, #tpu.memory_space<vmem>>) semaphore(%run_scoped3A : memref<!tpu.dma_semaphore, #tpu.memory_space<semaphore_mem>>)
        %dma_wait3A = arith.constant 0 : i32
        %dma_wait3A_41 = tpu.memref_slice %arg6[%add3A_35, %dma_wait3A] : memref<5x128xi32, #tpu.memory_space<vmem>> -> memref<1x128xi32, #tpu.memory_space<vmem>>
        %dma_wait3A_42 = tpu.memref_squeeze %dma_wait3A_41 : memref<1x128xi32, #tpu.memory_space<vmem>> -> memref<128xi32, #tpu.memory_space<vmem>>
        %dma_wait3A_43 = arith.constant 0 : i32
        %dma_wait3A_44 = arith.constant 0 : i32
        %dma_wait3A_45 = tpu.memref_slice %arg8[%dma_wait3A_43, %dma_wait3A_44] : memref<10240x128xf32, #tpu.memory_space<vmem_shared>> -> memref<10240x128xf32, #tpu.memory_space<vmem_shared>>
        tpu.wait_indirect_dma semaphore(%run_scoped3A : memref<!tpu.dma_semaphore, #tpu.memory_space<semaphore_mem>>) src(%arg7 : memref<128x128xf32, #tpu.memory_space<vmem>>) dst(%dma_wait3A_45 : memref<10240x128xf32, #tpu.memory_space<vmem_shared>>)
        tpu.yield
      }) : () -> ()
    }
    %scan3A_19 = arith.constant 5 : i32
    %barrier3A = arith.constant 0 : index
    tpu.barrier barrier_id(%barrier3A)
    %scan3A_20 = arith.constant 0 : i32
    %scan3A_21 = arith.constant 8 : i32
    %scan3A_22 = arith.addi %scan3A_20, %scan3A_21 : i32
    %scan3A_23 = arith.constant 1 : i32
    scf.for %scan3A_31 = %scan3A_20 to %scan3A_22 step %scan3A_23  : i32 {
      %mul3A_32 = arith.constant 1 : i32
      %mul3A_33 = arith.muli %scan3A_31, %mul3A_32 : i32
      %add3A_34 = arith.constant 0 : i32
      %add3A_35 = arith.addi %add3A_34, %mul3A_33 : i32
      %mul3A_36 = arith.constant 16 : i32
      %mul3A_37 = arith.muli %add3A_35, %mul3A_36 : i32
      "tpu.region"() ({
        %run_scoped3A = tpu.sem_alloc : memref<!tpu.dma_semaphore, #tpu.memory_space<semaphore_mem>>
        %dma_start3A = arith.constant 0 : i32
        %dma_start3A_43 = tpu.memref_slice %arg2[%add3A, %mul3A_37, %dma_start3A] : memref<32x128x80xi32, #tpu.memory_space<hbm>> -> memref<1x16x80xi32, #tpu.memory_space<hbm>>
        %dma_start3A_44 = tpu.memref_squeeze %dma_start3A_43 : memref<1x16x80xi32, #tpu.memory_space<hbm>> -> memref<16x80xi32, #tpu.memory_space<hbm>>
        %dma_start3A_45 = arith.constant 0 : i32
        %dma_start3A_46 = tpu.memref_slice %arg2[%add3A, %mul3A_37, %dma_start3A_45] : memref<32x128x80xi32, #tpu.memory_space<hbm>> -> memref<1x16x80xi32, #tpu.memory_space<hbm>>
        %dma_start3A_47 = tpu.memref_squeeze %dma_start3A_46 : memref<1x16x80xi32, #tpu.memory_space<hbm>> -> memref<16x80xi32, #tpu.memory_space<hbm>>
        tpu.enqueue_dma source(%dma_start3A_47 : memref<16x80xi32, #tpu.memory_space<hbm>>) target(%arg4 : memref<16x80xi32, #tpu.memory_space<vmem>>) target_semaphore(%run_scoped3A : memref<!tpu.dma_semaphore, #tpu.memory_space<semaphore_mem>>)
        %dma_wait3A = arith.constant 0 : i32
        %dma_wait3A_48 = tpu.memref_slice %arg2[%add3A, %mul3A_37, %dma_wait3A] : memref<32x128x80xi32, #tpu.memory_space<hbm>> -> memref<1x16x80xi32, #tpu.memory_space<hbm>>
        %dma_wait3A_49 = tpu.memref_squeeze %dma_wait3A_48 : memref<1x16x80xi32, #tpu.memory_space<hbm>> -> memref<16x80xi32, #tpu.memory_space<hbm>>
        %dma_wait3A_50 = arith.constant 0 : i32
        %dma_wait3A_51 = tpu.memref_slice %arg2[%add3A, %mul3A_37, %dma_wait3A_50] : memref<32x128x80xi32, #tpu.memory_space<hbm>> -> memref<1x16x80xi32, #tpu.memory_space<hbm>>
        %dma_wait3A_52 = tpu.memref_squeeze %dma_wait3A_51 : memref<1x16x80xi32, #tpu.memory_space<hbm>> -> memref<16x80xi32, #tpu.memory_space<hbm>>
        tpu.wait_dma2 semaphore(%run_scoped3A : memref<!tpu.dma_semaphore, #tpu.memory_space<semaphore_mem>>) src(%dma_wait3A_52 : memref<16x80xi32, #tpu.memory_space<hbm>>) dst(%arg4 : memref<16x80xi32, #tpu.memory_space<vmem>>)
        tpu.yield
      }) : () -> ()
      %scan3A_38 = arith.constant 0 : i32
      %scan3A_39 = arith.constant 16 : i32
      %scan3A_40 = arith.addi %scan3A_38, %scan3A_39 : i32
      %scan3A_41 = arith.constant 1 : i32
      scf.for %scan3A_43 = %scan3A_38 to %scan3A_40 step %scan3A_41  : i32 {
        %mul3A_44 = arith.constant 1 : i32
        %mul3A_45 = arith.muli %scan3A_43, %mul3A_44 : i32
        %add3A_46 = arith.constant 0 : i32
        %add3A_47 = arith.addi %add3A_46, %mul3A_45 : i32
        "tpu.region"() ({
          %run_scoped3A = tpu.sem_alloc : memref<!tpu.dma_semaphore, #tpu.memory_space<semaphore_mem>>
          %dma_start3A = arith.constant 0 : i32
          %dma_start3A_48 = tpu.memref_slice %arg4[%add3A_47, %dma_start3A] : memref<16x80xi32, #tpu.memory_space<vmem>> -> memref<1x80xi32, #tpu.memory_space<vmem>>
          %dma_start3A_49 = tpu.memref_squeeze %dma_start3A_48 : memref<1x80xi32, #tpu.memory_space<vmem>> -> memref<80xi32, #tpu.memory_space<vmem>>
          %dma_start3A_50 = arith.constant 0 : i32
          %dma_start3A_51 = arith.constant 0 : i32
          %dma_start3A_52 = tpu.memref_slice %arg8[%dma_start3A_50, %dma_start3A_51] : memref<10240x128xf32, #tpu.memory_space<vmem_shared>> -> memref<10240x128xf32, #tpu.memory_space<vmem_shared>>
          tpu.enqueue_indirect_dma source(%arg5 : memref<80x128xf32, #tpu.memory_space<vmem>>) target(%dma_start3A_52 : memref<10240x128xf32, #tpu.memory_space<vmem_shared>>) offsets(%dma_start3A_49 : memref<80xi32, #tpu.memory_space<vmem>>) semaphore(%run_scoped3A : memref<!tpu.dma_semaphore, #tpu.memory_space<semaphore_mem>>) {add = true}
          %dma_wait3A = arith.constant 0 : i32
          %dma_wait3A_53 = tpu.memref_slice %arg4[%add3A_47, %dma_wait3A] : memref<16x80xi32, #tpu.memory_space<vmem>> -> memref<1x80xi32, #tpu.memory_space<vmem>>
          %dma_wait3A_54 = tpu.memref_squeeze %dma_wait3A_53 : memref<1x80xi32, #tpu.memory_space<vmem>> -> memref<80xi32, #tpu.memory_space<vmem>>
          %dma_wait3A_55 = arith.constant 0 : i32
          %dma_wait3A_56 = arith.constant 0 : i32
          %dma_wait3A_57 = tpu.memref_slice %arg8[%dma_wait3A_55, %dma_wait3A_56] : memref<10240x128xf32, #tpu.memory_space<vmem_shared>> -> memref<10240x128xf32, #tpu.memory_space<vmem_shared>>
          tpu.wait_indirect_dma semaphore(%run_scoped3A : memref<!tpu.dma_semaphore, #tpu.memory_space<semaphore_mem>>) src(%arg5 : memref<80x128xf32, #tpu.memory_space<vmem>>) dst(%dma_wait3A_57 : memref<10240x128xf32, #tpu.memory_space<vmem_shared>>)
          tpu.yield
        }) : () -> ()
      }
      %scan3A_42 = arith.constant 16 : i32
    }
    %scan3A_24 = arith.constant 8 : i32
    %barrier3A_25 = arith.constant 0 : index
    tpu.barrier barrier_id(%barrier3A_25)
    %scan3A_26 = arith.constant 0 : i32
    %scan3A_27 = arith.constant 5 : i32
    %scan3A_28 = arith.addi %scan3A_26, %scan3A_27 : i32
    %scan3A_29 = arith.constant 1 : i32
    scf.for %scan3A_31 = %scan3A_26 to %scan3A_28 step %scan3A_29  : i32 {
      %mul3A_32 = arith.constant 1 : i32
      %mul3A_33 = arith.muli %scan3A_31, %mul3A_32 : i32
      %add3A_34 = arith.constant 0 : i32
      %add3A_35 = arith.addi %add3A_34, %mul3A_33 : i32
      "tpu.region"() ({
        %run_scoped3A = tpu.sem_alloc : memref<!tpu.dma_semaphore, #tpu.memory_space<semaphore_mem>>
        %dma_start3A = arith.constant 0 : i32
        %dma_start3A_41 = tpu.memref_slice %arg6[%add3A_35, %dma_start3A] : memref<5x128xi32, #tpu.memory_space<vmem>> -> memref<1x128xi32, #tpu.memory_space<vmem>>
        %dma_start3A_42 = tpu.memref_squeeze %dma_start3A_41 : memref<1x128xi32, #tpu.memory_space<vmem>> -> memref<128xi32, #tpu.memory_space<vmem>>
        %dma_start3A_43 = arith.constant 0 : i32
        %dma_start3A_44 = arith.constant 0 : i32
        %dma_start3A_45 = tpu.memref_slice %arg8[%dma_start3A_43, %dma_start3A_44] : memref<10240x128xf32, #tpu.memory_space<vmem_shared>> -> memref<10240x128xf32, #tpu.memory_space<vmem_shared>>
        tpu.enqueue_indirect_dma source(%dma_start3A_45 : memref<10240x128xf32, #tpu.memory_space<vmem_shared>>) target(%arg7 : memref<128x128xf32, #tpu.memory_space<vmem>>) offsets(%dma_start3A_42 : memref<128xi32, #tpu.memory_space<vmem>>) semaphore(%run_scoped3A : memref<!tpu.dma_semaphore, #tpu.memory_space<semaphore_mem>>)
        %dma_wait3A = arith.constant 0 : i32
        %dma_wait3A_46 = tpu.memref_slice %arg6[%add3A_35, %dma_wait3A] : memref<5x128xi32, #tpu.memory_space<vmem>> -> memref<1x128xi32, #tpu.memory_space<vmem>>
        %dma_wait3A_47 = tpu.memref_squeeze %dma_wait3A_46 : memref<1x128xi32, #tpu.memory_space<vmem>> -> memref<128xi32, #tpu.memory_space<vmem>>
        %dma_wait3A_48 = arith.constant 0 : i32
        %dma_wait3A_49 = arith.constant 0 : i32
        %dma_wait3A_50 = tpu.memref_slice %arg8[%dma_wait3A_48, %dma_wait3A_49] : memref<10240x128xf32, #tpu.memory_space<vmem_shared>> -> memref<10240x128xf32, #tpu.memory_space<vmem_shared>>
        tpu.wait_indirect_dma semaphore(%run_scoped3A : memref<!tpu.dma_semaphore, #tpu.memory_space<semaphore_mem>>) src(%dma_wait3A_50 : memref<10240x128xf32, #tpu.memory_space<vmem_shared>>) dst(%arg7 : memref<128x128xf32, #tpu.memory_space<vmem>>)
        tpu.yield
      }) : () -> ()
      %mul3A_36 = arith.constant 640 : i32
      %mul3A_37 = arith.muli %arg1, %mul3A_36 : i32
      %mul3A_38 = arith.constant 128 : i32
      %mul3A_39 = arith.muli %add3A_35, %mul3A_38 : i32
      %add3A_40 = arith.addi %mul3A_37, %mul3A_39 : i32
      "tpu.region"() ({
        %run_scoped3A = tpu.sem_alloc : memref<!tpu.dma_semaphore, #tpu.memory_space<semaphore_mem>>
        %dma_start3A = arith.constant 0 : i32
        %dma_start3A_41 = tpu.memref_slice %arg3[%arg0, %add3A_40, %dma_start3A] : memref<2x10240x128xf32, #tpu.memory_space<hbm>> -> memref<1x128x128xf32, #tpu.memory_space<hbm>>
        %dma_start3A_42 = tpu.memref_squeeze %dma_start3A_41 : memref<1x128x128xf32, #tpu.memory_space<hbm>> -> memref<128x128xf32, #tpu.memory_space<hbm>>
        %dma_start3A_43 = arith.constant 0 : i32
        %dma_start3A_44 = tpu.memref_slice %arg3[%arg0, %add3A_40, %dma_start3A_43] : memref<2x10240x128xf32, #tpu.memory_space<hbm>> -> memref<1x128x128xf32, #tpu.memory_space<hbm>>
        %dma_start3A_45 = tpu.memref_squeeze %dma_start3A_44 : memref<1x128x128xf32, #tpu.memory_space<hbm>> -> memref<128x128xf32, #tpu.memory_space<hbm>>
        tpu.enqueue_dma source(%arg7 : memref<128x128xf32, #tpu.memory_space<vmem>>) target(%dma_start3A_45 : memref<128x128xf32, #tpu.memory_space<hbm>>) target_semaphore(%run_scoped3A : memref<!tpu.dma_semaphore, #tpu.memory_space<semaphore_mem>>)
        %dma_wait3A = arith.constant 0 : i32
        %dma_wait3A_46 = tpu.memref_slice %arg3[%arg0, %add3A_40, %dma_wait3A] : memref<2x10240x128xf32, #tpu.memory_space<hbm>> -> memref<1x128x128xf32, #tpu.memory_space<hbm>>
        %dma_wait3A_47 = tpu.memref_squeeze %dma_wait3A_46 : memref<1x128x128xf32, #tpu.memory_space<hbm>> -> memref<128x128xf32, #tpu.memory_space<hbm>>
        %dma_wait3A_48 = arith.constant 0 : i32
        %dma_wait3A_49 = tpu.memref_slice %arg3[%arg0, %add3A_40, %dma_wait3A_48] : memref<2x10240x128xf32, #tpu.memory_space<hbm>> -> memref<1x128x128xf32, #tpu.memory_space<hbm>>
        %dma_wait3A_50 = tpu.memref_squeeze %dma_wait3A_49 : memref<1x128x128xf32, #tpu.memory_space<hbm>> -> memref<128x128xf32, #tpu.memory_space<hbm>>
        tpu.wait_dma2 semaphore(%run_scoped3A : memref<!tpu.dma_semaphore, #tpu.memory_space<semaphore_mem>>) src(%arg7 : memref<128x128xf32, #tpu.memory_space<vmem>>) dst(%dma_wait3A_50 : memref<128x128xf32, #tpu.memory_space<hbm>>)
        tpu.yield
      }) : () -> ()
    }
    %scan3A_30 = arith.constant 5 : i32
    return
  }
}

module attributes {stable_mosaic.version = 14 : i64} {
  func.func @_mm_body(%arg0: memref<10000x128xf32, #tpu.memory_space<vmem>>, %arg1: memref<128x128xf32, #tpu.memory_space<vmem>>, %arg2: memref<10000x128xf32, #tpu.memory_space<vmem>>) attributes {dimension_semantics = [], scalar_prefetch = 0 : i64, scratch_operands = 0 : i64, tpu.core_type = #tpu.core_type<tc>} {
    %get3A = arith.constant 0 : index
    %get3A_0 = arith.constant 0 : index
    %get3A_1 = vector.load %arg0[%get3A, %get3A_0] : memref<10000x128xf32, #tpu.memory_space<vmem>>, vector<10000x128xf32>
    %get3A_2 = arith.constant 0 : index
    %get3A_3 = arith.constant 0 : index
    %get3A_4 = vector.load %arg1[%get3A_2, %get3A_3] : memref<128x128xf32, #tpu.memory_space<vmem>>, vector<128x128xf32>
    %dot_general3A = arith.constant dense<0.000000e+00> : vector<10000x128xf32>
    %dot_general3A_5 = tpu.matmul %get3A_1, %get3A_4, %dot_general3A {dimension_numbers = #tpu.dot_dimension_numbers<[1], [0], [0], [1], [0, 0, 1, 1], [], []>, precision = #tpu.contract_precision<fp32>, transpose_lhs_hint = false} : vector<10000x128xf32>, vector<128x128xf32>, vector<10000x128xf32> -> vector<10000x128xf32>
    %swap3A = arith.constant 0 : index
    %swap3A_6 = arith.constant 0 : index
    %swap3A_7 = vector.load %arg2[%swap3A, %swap3A_6] : memref<10000x128xf32, #tpu.memory_space<vmem>>, vector<10000x128xf32>
    tpu.vector_store %arg2[%swap3A, %swap3A_6], %dot_general3A_5 {strides = array<i32>} : memref<10000x128xf32, #tpu.memory_space<vmem>>, vector<10000x128xf32>,
    return
  }
}

module attributes {stable_mosaic.version = 14 : i64} {
  func.func @_norm_u_body(%arg0: memref<2x10240x128xf32, #tpu.memory_space<vmem>>, %arg1: memref<10000x128xf32, #tpu.memory_space<vmem>>, %arg2: memref<10000x128xf32, #tpu.memory_space<vmem>>, %arg3: memref<10000x128xf32, #tpu.memory_space<vmem>>) attributes {dimension_semantics = [], scalar_prefetch = 0 : i64, scratch_operands = 0 : i64, tpu.core_type = #tpu.core_type<tc>} {
    %get3A = arith.constant 0 : index
    %get3A_0 = arith.constant 0 : index
    %get3A_1 = arith.constant 0 : index
    %get3A_2 = vector.load %arg0[%get3A, %get3A_0, %get3A_1] : memref<2x10240x128xf32, #tpu.memory_space<vmem>>, vector<1x10000x128xf32>
    %get3A_3 = vector.shape_cast %get3A_2 : vector<1x10000x128xf32> to vector<10000x128xf32>
    %get3A_4 = arith.constant 1 : index
    %get3A_5 = arith.constant 0 : index
    %get3A_6 = arith.constant 0 : index
    %get3A_7 = vector.load %arg0[%get3A_4, %get3A_5, %get3A_6] : memref<2x10240x128xf32, #tpu.memory_space<vmem>>, vector<1x10000x128xf32>
    %get3A_8 = vector.shape_cast %get3A_7 : vector<1x10000x128xf32> to vector<10000x128xf32>
    %add3A = arith.addf %get3A_3, %get3A_8 : vector<10000x128xf32>
    %add3A_9 = arith.constant 1.000000e+00 : f32
    %add3A_10 = vector.broadcast %add3A_9 : f32 to vector<10000x128xf32>
    %add3A_11 = arith.addf %add3A, %add3A_10 : vector<10000x128xf32>
    %max3A = arith.constant 1.000000e+00 : f32
    %max3A_12 = vector.broadcast %max3A : f32 to vector<10000x128xf32>
    %max3A_13 = arith.maximumf %add3A_11, %max3A_12 : vector<10000x128xf32>
    %rsqrt3A = math.rsqrt %max3A_13 : vector<10000x128xf32>
    %swap3A = arith.constant 0 : index
    %swap3A_14 = arith.constant 0 : index
    %swap3A_15 = vector.load %arg2[%swap3A, %swap3A_14] : memref<10000x128xf32, #tpu.memory_space<vmem>>, vector<10000x128xf32>
    tpu.vector_store %arg2[%swap3A, %swap3A_14], %rsqrt3A {strides = array<i32>} : memref<10000x128xf32, #tpu.memory_space<vmem>>, vector<10000x128xf32>,
    %get3A_16 = arith.constant 0 : index
    %get3A_17 = arith.constant 0 : index
    %get3A_18 = vector.load %arg1[%get3A_16, %get3A_17] : memref<10000x128xf32, #tpu.memory_space<vmem>>, vector<10000x128xf32>
    %mul3A = arith.mulf %get3A_18, %rsqrt3A : vector<10000x128xf32>
    %swap3A_19 = arith.constant 0 : index
    %swap3A_20 = arith.constant 0 : index
    %swap3A_21 = vector.load %arg3[%swap3A_19, %swap3A_20] : memref<10000x128xf32, #tpu.memory_space<vmem>>, vector<10000x128xf32>
    tpu.vector_store %arg3[%swap3A_19, %swap3A_20], %mul3A {strides = array<i32>} : memref<10000x128xf32, #tpu.memory_space<vmem>>, vector<10000x128xf32>,
    return
  }
}

module attributes {stable_mosaic.version = 14 : i64} {
  func.func @_mid_body(%arg0: memref<10000x128xf32, #tpu.memory_space<vmem>>, %arg1: memref<2x10240x128xf32, #tpu.memory_space<vmem>>, %arg2: memref<10000x128xf32, #tpu.memory_space<vmem>>, %arg3: memref<1x128xf32, #tpu.memory_space<vmem>>, %arg4: memref<128x128xf32, #tpu.memory_space<vmem>>, %arg5: memref<10000x128xf32, #tpu.memory_space<vmem>>) attributes {dimension_semantics = [], scalar_prefetch = 0 : i64, scratch_operands = 0 : i64, tpu.core_type = #tpu.core_type<tc>} {
    %get3A = arith.constant 0 : index
    %get3A_0 = arith.constant 0 : index
    %get3A_1 = arith.constant 0 : index
    %get3A_2 = vector.load %arg1[%get3A, %get3A_0, %get3A_1] : memref<2x10240x128xf32, #tpu.memory_space<vmem>>, vector<1x10000x128xf32>
    %get3A_3 = vector.shape_cast %get3A_2 : vector<1x10000x128xf32> to vector<10000x128xf32>
    %get3A_4 = arith.constant 1 : index
    %get3A_5 = arith.constant 0 : index
    %get3A_6 = arith.constant 0 : index
    %get3A_7 = vector.load %arg1[%get3A_4, %get3A_5, %get3A_6] : memref<2x10240x128xf32, #tpu.memory_space<vmem>>, vector<1x10000x128xf32>
    %get3A_8 = vector.shape_cast %get3A_7 : vector<1x10000x128xf32> to vector<10000x128xf32>
    %add3A = arith.addf %get3A_3, %get3A_8 : vector<10000x128xf32>
    %get3A_9 = arith.constant 0 : index
    %get3A_10 = arith.constant 0 : index
    %get3A_11 = vector.load %arg2[%get3A_9, %get3A_10] : memref<10000x128xf32, #tpu.memory_space<vmem>>, vector<10000x128xf32>
    %add3A_12 = arith.addf %add3A, %get3A_11 : vector<10000x128xf32>
    %get3A_13 = arith.constant 0 : index
    %get3A_14 = arith.constant 0 : index
    %get3A_15 = vector.load %arg0[%get3A_13, %get3A_14] : memref<10000x128xf32, #tpu.memory_space<vmem>>, vector<10000x128xf32>
    %mul3A = arith.mulf %add3A_12, %get3A_15 : vector<10000x128xf32>
    %get3A_16 = arith.constant 0 : index
    %get3A_17 = arith.constant 0 : index
    %get3A_18 = vector.load %arg3[%get3A_16, %get3A_17] : memref<1x128xf32, #tpu.memory_space<vmem>>, vector<1x128xf32>
    %add3A_19 = vector.broadcast %get3A_18 : vector<1x128xf32> to vector<10000x128xf32>
    %add3A_20 = arith.addf %mul3A, %add3A_19 : vector<10000x128xf32>
    %max3A = arith.constant 0.000000e+00 : f32
    %max3A_21 = vector.broadcast %max3A : f32 to vector<10000x128xf32>
    %max3A_22 = arith.maximumf %add3A_20, %max3A_21 : vector<10000x128xf32>
    %get3A_23 = arith.constant 0 : index
    %get3A_24 = arith.constant 0 : index
    %get3A_25 = vector.load %arg4[%get3A_23, %get3A_24] : memref<128x128xf32, #tpu.memory_space<vmem>>, vector<128x128xf32>
    %dot_general3A = arith.constant dense<0.000000e+00> : vector<10000x128xf32>
    %dot_general3A_26 = tpu.matmul %max3A_22, %get3A_25, %dot_general3A {dimension_numbers = #tpu.dot_dimension_numbers<[1], [0], [0], [1], [0, 0, 1, 1], [], []>, precision = #tpu.contract_precision<fp32>, transpose_lhs_hint = false} : vector<10000x128xf32>, vector<128x128xf32>, vector<10000x128xf32> -> vector<10000x128xf32>
    %get3A_27 = arith.constant 0 : index
    %get3A_28 = arith.constant 0 : index
    %get3A_29 = vector.load %arg0[%get3A_27, %get3A_28] : memref<10000x128xf32, #tpu.memory_space<vmem>>, vector<10000x128xf32>
    %mul3A_30 = arith.mulf %dot_general3A_26, %get3A_29 : vector<10000x128xf32>
    %swap3A = arith.constant 0 : index
    %swap3A_31 = arith.constant 0 : index
    %swap3A_32 = vector.load %arg5[%swap3A, %swap3A_31] : memref<10000x128xf32, #tpu.memory_space<vmem>>, vector<10000x128xf32>
    tpu.vector_store %arg5[%swap3A, %swap3A_31], %mul3A_30 {strides = array<i32>} : memref<10000x128xf32, #tpu.memory_space<vmem>>, vector<10000x128xf32>,
    return
  }
}

module attributes {stable_mosaic.version = 14 : i64} {
  func.func @_final_body(%arg0: memref<10000x128xf32, #tpu.memory_space<vmem>>, %arg1: memref<2x10240x128xf32, #tpu.memory_space<vmem>>, %arg2: memref<10000x128xf32, #tpu.memory_space<vmem>>, %arg3: memref<1x128xf32, #tpu.memory_space<vmem>>, %arg4: memref<10000x128xf32, #tpu.memory_space<vmem>>) attributes {dimension_semantics = [], scalar_prefetch = 0 : i64, scratch_operands = 0 : i64, tpu.core_type = #tpu.core_type<tc>} {
    %get3A = arith.constant 0 : index
    %get3A_0 = arith.constant 0 : index
    %get3A_1 = arith.constant 0 : index
    %get3A_2 = vector.load %arg1[%get3A, %get3A_0, %get3A_1] : memref<2x10240x128xf32, #tpu.memory_space<vmem>>, vector<1x10000x128xf32>
    %get3A_3 = vector.shape_cast %get3A_2 : vector<1x10000x128xf32> to vector<10000x128xf32>
    %get3A_4 = arith.constant 1 : index
    %get3A_5 = arith.constant 0 : index
    %get3A_6 = arith.constant 0 : index
    %get3A_7 = vector.load %arg1[%get3A_4, %get3A_5, %get3A_6] : memref<2x10240x128xf32, #tpu.memory_space<vmem>>, vector<1x10000x128xf32>
    %get3A_8 = vector.shape_cast %get3A_7 : vector<1x10000x128xf32> to vector<10000x128xf32>
    %add3A = arith.addf %get3A_3, %get3A_8 : vector<10000x128xf32>
    %get3A_9 = arith.constant 0 : index
    %get3A_10 = arith.constant 0 : index
    %get3A_11 = vector.load %arg2[%get3A_9, %get3A_10] : memref<10000x128xf32, #tpu.memory_space<vmem>>, vector<10000x128xf32>
    %add3A_12 = arith.addf %add3A, %get3A_11 : vector<10000x128xf32>
    %get3A_13 = arith.constant 0 : index
    %get3A_14 = arith.constant 0 : index
    %get3A_15 = vector.load %arg0[%get3A_13, %get3A_14] : memref<10000x128xf32, #tpu.memory_space<vmem>>, vector<10000x128xf32>
    %mul3A = arith.mulf %add3A_12, %get3A_15 : vector<10000x128xf32>
    %get3A_16 = arith.constant 0 : index
    %get3A_17 = arith.constant 0 : index
    %get3A_18 = vector.load %arg3[%get3A_16, %get3A_17] : memref<1x128xf32, #tpu.memory_space<vmem>>, vector<1x128xf32>
    %add3A_19 = vector.broadcast %get3A_18 : vector<1x128xf32> to vector<10000x128xf32>
    %add3A_20 = arith.addf %mul3A, %add3A_19 : vector<10000x128xf32>
    %swap3A = arith.constant 0 : index
    %swap3A_21 = arith.constant 0 : index
    %swap3A_22 = vector.load %arg4[%swap3A, %swap3A_21] : memref<10000x128xf32, #tpu.memory_space<vmem>>, vector<10000x128xf32>
    tpu.vector_store %arg4[%swap3A, %swap3A_21], %add3A_20 {strides = array<i32>} : memref<10000x128xf32, #tpu.memory_space<vmem>>, vector<10000x128xf32>,
    return
  }
}

</mosaic_0001>

<sc_bundles>
// kernel: kernel.12.cloned.1.call-start
scs
__scs_entry_jumppad:
0x0: {  	(pc) =	sbr.rel $0x88, $3  }
0x1: {  	(tag) =	ssettag $0x0;
	lr =	simm.s32 $0x1  }
0x2: {  	[smem:$0x3F9B] =	sst lr;
	_ =	strace $0xD0000000  }
0x3: {  	_ = 	snop  }
0x4: {  	_ = 	snop  }
0x5: {  	_ = 	snop  }
0x6: {  	_ = 	snop  }
0x7: {  	_ = 	snop  }
__scs_overlays_trampoline_lowered:
0x8: {  	[smem:$0x3FAA] =	sst s0  }
0x9: {  	[smem:$0x3FAB] =	sst s1  }
0xa: {  	[smem:$0x3FAC] =	sst s2  }
0xb: {  	[smem:$0x3FAD] =	sst s3  }
0xc: {  	[smem:$0x3FAE] =	sst s4  }
0xd: {  	[smem:$0x3FAF] =	sst s5  }
0xe: {  	[smem:$0x3FB0] =	sst s6  }
0xf: {  	[smem:$0x3FB1] =	sst s7  }
0x10: {  	[smem:$0x3FB2] =	sst s8  }
0x11: {  	[smem:$0x3FB3] =	sst s9;
	s0 =	simm.s32 @!p0 $0x0  }
0x12: {  	s1 =	sld [smem:$0x3F99];
	s0 =	simm.s32 @p0 $0x1  }
0x13: {  	[smem:$0x3FB4] =	sst s0;
	s0 =	simm.s32 @!p1 $0x0  }
0x14: {  	s2 =	sld [smem:$0x3F98];
	s0 =	simm.s32 @p1 $0x1  }
0x15: {  	[smem:$0x3FB5] =	sst s0;
	s0 =	simm.s32 @!p2 $0x0  }
0x16: {  	s3 =	sld [smem:$0x3FDB];
	s0 =	simm.s32 @p2 $0x1  }
0x17: {  	s4 =	simm.s32 $0x1BF5;
	[smem:$0x3FB7] =	sst s0  }
0x18: {  	s0 =	sld [smem:$0x3F9A];
	_ =	swait.ge [sflag:s4], $0x0  }
0x19: {  	s7 =	sld [smem:$0x3F9B]  }
0x1a: {  	s8 =	sadd.s32 $0xFFFFE003, lr  }
0x1b: {  	s9 =	sadd.s32 $0xFFFFFEF7, lr;
	s5 =	simm.s32 $0xFFFFFFFF;
	p2 =	slt.u32 s8, $0xFFFFF086  }
0x1c: {  	p1 =	slt.u32 s9, $0xF7A;
	s5 =	simm.s32 @!p2 $0x0  }
0x1d: {  	s5 =	simm.s32 @p1 $0x1;
	p0 =	seq.s32 s7, s2  }
0x1e: {  	s7 =	smul.u32 @!p0 $0xF7A, s2;
	p2 =	seq.s32 @!p0 s5, $0x0  }
0x1f: {  	s9 =	smul.u32 $0xF7A, s1;
	s8 =	simm.s32 @!p0 $0x1BF5;
	p2 =	por !p2, p0  }
0x20: {  	[sflag:s8] =	ssyncset.s32 @!p0 $0xFFFFF086;
	s6 =	sadd.s32 @!p0 s3, s7;
	s7 =	simm.s32 @!p0 $0x108  }
0x21: {  	s3 =	sadd.s32 s3, s9;
	s6 =	sadd.s32 @!p0 $0x88, s6;
	s7 =	simm.s32 @p2 $0x1082  }
0x22: {  	[simem:s7], [sflag:s8] =	dma.local @!p0 [hbm:s6], $0xF7A  }
0x23: {  	s9 =	sor.u32 $0xD0000000, s2;
	s6 =	simm.s32 $0x108;
	_ =	swait.ge @!p0 [sflag:s8], $0x0  }
0x24: {  	s3 =	sadd.s32 $0x88, s3;
	s6 =	simm.s32 @!p1 $0x1082;
	[sflag:s4] =	ssyncset.s32 $0xFFFFF086  }
0x25: {  	[simem:s6], [sflag:s4] =	dma.local [hbm:s3], $0xF7A  }
0x26: {  	[smem:$0x3F9B] =	sst s1;
	(tag) =	ssettag s2;
	_ =	strace s9  }
0x27: {  	s1 =	sld [smem:$0x3FAB]  }
0x28: {  	s2 =	sld [smem:$0x3FAC]  }
0x29: {  	s4 =	sld [smem:$0x3FAE]  }
0x2a: {  	p0 =	seq.s32 s5, $0x0;
	s5 =	sld [smem:$0x3FAF]  }
0x2b: {  	s6 =	sld [smem:$0x3FB0]  }
0x2c: {  	s7 =	sld [smem:$0x3FB1]  }
0x2d: {  	s3 =	simm.s32 $0x108;
	s8 =	sld [smem:$0x3FB2]  }
0x2e: {  	s3 =	simm.s32 @!p0 $0x1082;
	s9 =	sld [smem:$0x3FB3]  }
0x2f: {  	lr =	sadd.s32 s0, s3;
	s0 =	sld [smem:$0x3FAA]  }
0x30: {  	s3 =	sld [smem:$0x3FAD]  }
0x31: {  	[smem:$0x3FB6] =	sst s10  }
0x32: {  	s10 =	sld [smem:$0x3FB4];
	_ =	sdelay $0x3  }
0x33: {  	p0 =	seq.s32 s10, $0x1;
	s10 =	sld [smem:$0x3FB6];
	_ =	sdelay $0x3  }
0x34: {  	[smem:$0x3FB6] =	sst s10  }
0x35: {  	s10 =	sld [smem:$0x3FB5];
	_ =	sdelay $0x3  }
0x36: {  	p1 =	seq.s32 s10, $0x1;
	s10 =	sld [smem:$0x3FB6];
	_ =	sdelay $0x3  }
0x37: {  	[smem:$0x3FB6] =	sst s10  }
0x38: {  	s10 =	sld [smem:$0x3FB7]  }
0x39: {  	_ = 	snop;
	(pc) =	sbr.ind lr, $3  }
0x3a: {  	_ = 	snop  }
0x3b: {  	_ = 	snop  }
0x3c: {  	p2 =	seq.s32 s10, $0x1;
	s10 =	sld [smem:$0x3FB6]  }
0x3d: {  	_ =	shalt  }
0x3e: {  	_ =	shalt  }
0x3f: {  	_ =	shalt  }
0x40: {  	_ =	shalt  }
0x41: {  	_ =	shalt  }
0x42: {  	_ =	shalt  }
0x43: {  	_ =	shalt  }
0x44: {  	_ =	shalt  }
0x45: {  	_ =	shalt  }
0x46: {  	_ =	shalt  }
0x47: {  	_ =	shalt  }
0x48: {  	_ =	shalt  }
0x49: {  	_ =	shalt  }
0x4a: {  	_ =	shalt  }
0x4b: {  	_ =	shalt  }
0x4c: {  	_ =	shalt  }
0x4d: {  	_ =	shalt  }
0x4e: {  	_ =	shalt  }
0x4f: {  	_ =	shalt  }
0x50: {  	_ =	shalt  }
0x51: {  	_ =	shalt  }
0x52: {  	_ =	shalt  }
0x53: {  	_ =	shalt  }
0x54: {  	_ =	shalt  }
0x55: {  	_ =	shalt  }
0x56: {  	_ =	shalt  }
0x57: {  	_ =	shalt  }
0x58: {  	_ =	shalt  }
0x59: {  	_ =	shalt  }
0x5a: {  	_ =	shalt  }
0x5b: {  	_ =	shalt  }
0x5c: {  	_ =	shalt  }
0x5d: {  	_ =	shalt  }
0x5e: {  	_ =	shalt  }
0x5f: {  	_ =	shalt  }
0x60: {  	_ =	shalt  }
0x61: {  	_ =	shalt  }
0x62: {  	_ =	shalt  }
0x63: {  	_ =	shalt  }
0x64: {  	_ =	shalt  }
0x65: {  	_ =	shalt  }
0x66: {  	_ =	shalt  }
0x67: {  	_ =	shalt  }
0x68: {  	_ =	shalt  }
0x69: {  	_ =	shalt  }
0x6a: {  	_ =	shalt  }
0x6b: {  	_ =	shalt  }
0x6c: {  	_ =	shalt  }
0x6d: {  	_ =	shalt  }
0x6e: {  	_ =	shalt  }
0x6f: {  	_ =	shalt  }
0x70: {  	_ =	shalt  }
0x71: {  	_ =	shalt  }
0x72: {  	_ =	shalt  }
0x73: {  	_ =	shalt  }
0x74: {  	_ =	shalt  }
0x75: {  	_ =	shalt  }
0x76: {  	_ =	shalt  }
0x77: {  	_ =	shalt  }
0x78: {  	_ =	shalt  }
0x79: {  	_ =	shalt  }
0x7a: {  	_ =	shalt  }
0x7b: {  	_ =	shalt  }
0x7c: {  	_ =	shalt  }
0x7d: {  	_ =	shalt  }
0x7e: {  	_ =	shalt  }
0x7f: {  	_ =	shalt  }
0x80: {  	_ =	shalt  }
0x81: {  	_ =	shalt  }
0x82: {  	_ =	shalt  }
0x83: {  	_ =	shalt  }
0x84: {  	_ =	shalt  }
0x85: {  	_ =	shalt  }
0x86: {  	_ =	shalt  }
0x87: {  	_ =	shalt  }
.Lfunc_end0:
.L_simem_size_0:
called_computation.1_lowered:
.L_overlay_start_0:
0x88: {  	s2 =	sld [smem:$0x3FD9]  }
0x89: {  	s3 =	sld [smem:$0x3FFE];
	_ =	sdelay $0x1  }
0x8a: {  	s1 =	srdreg.scid  }
0x8b: {  	s0 =	sand.u32 $0x1, s1  }
0x8c: {  	s17 =	sshll.u32 s0, $0xA;
	s2 =	sadd.s32 s3, s2  }
0x8d: {  	s2 =	sadd.s32 s2, s17  }
0x8e: {  	[smem:$0x3FC2] =	sst s2  }
0x8f: {  	_ = 	snop  }
0x90: {  	s2 =	sld [smem:$0x3FD0];
	(tm) =	ssettm $0x1  }
0x91: {  	s18 =	sld [smem:$0x3FFB];
	_ =	sdelay $0x3  }
0x92: {  	_ =	strace s18  }
0x93: {  	s3 =	sld [smem:$0x3FFC];
	_ =	sdelay $0x3  }
0x94: {  	_ =	strace s3  }
0x95: {  	s3 =	sld [smem:$0x3FFD];
	_ =	sdelay $0x3  }
0x96: {  	_ =	strace s3  }
0x97: {  	_ =	strace $0x8FFFFFFF  }
0x98: {  	s19 =	sld [smem:$0x3FDB];
	_ =	sdelay $0x1  }
0x99: {  	s4 =	simm.s32 $_scs_section_size  }
0x9a: {  	s5 =	simm.s32 $_size__tile_overlayer_lowered;
	s6 =	simm.s32 $_tile_overlayer_lowered  }
0x9b: {  	s22 =	simm.s32 $0x1BFF;
	s21 =	sshll.u32 s6, $0x1;
	s3 =	sadd.s32 s4, s19  }
0x9c: {  	s7 =	simm.s32 $0x0;
	s20 =	sshll.u32 s5, $0x1;
	s5 =	sadd.s32 s21, s3  }
0x9d: {  	[timem:s7], [sflag:s22] =	dma.local [hbm:s5], s20  }
0x9e: {  	_ =	swait.ge [sflag:s22], s20  }
0x9f: {  	s4 =	ssub.s32 $0x0, s20;
	[sflag:s22] =	ssyncset.done $0x0  }
0xa0: {  	[sflag:s22] =	ssyncadd.s32 s4;
	_ =	sdelay $0x1  }
0xa1: {  	s23 =	simm.s32 $0x1B8B  }
0xa2: {  	_ =	swait.ge [sflag:s23], $0x1  }
0xa3: {  	[sflag:s23] =	ssyncset.done $0x0  }
0xa4: {  	s25 =	simm.s32 $0x1B8E;
	s24 =	sld [smem:$0x3FFE];
	[sflag:s23] =	ssyncadd.s32 $0xFFFFFFFF  }
0xa5: {  	s26 =	simm.s32 $execute0_lowered;
	[smem:$0x3FD2] =	sst s25  }
0xa6: {  	s5 =	sshll.u32 s26, $0x1;
	_ =	strace $0x80000049;
	[dreg:$0x1] =	wrdreg $0xFFFFFFFF  }
0xa7: {  	s28 =	simm.s32 $_size_execute0_lowered;
	s3 =	sadd.s32 s3, s5;
	[dreg:$0x0] =	wrdreg $0x0  }
0xa8: {  	s5 =	sshll.u32 s28, $0x1;
	[dreg:$0x2] =	wrdreg s3  }
0xa9: {  	[dreg:$0x3] =	wrdreg s5  }
0xaa: {  	[dreg:$0x4] =	wrdreg $0xC0  }
0xab: {  	_ =	task [dreg:s7], $0x5FFFF  }
0xac: {  	[dreg:$0x1] =	wrdreg $0xFFFFFFFF  }
0xad: {  	[dreg:$0x0] =	wrdreg $0x60  }
0xae: {  	[dreg:$0x2] =	wrdreg s2  }
0xaf: {  	[dreg:$0x3] =	wrdreg s24  }
0xb0: {  	[dreg:$0x4] =	wrdreg $0xA4000  }
0xb1: {  	[dreg:$0x5] =	wrdreg $0x9  }
0xb2: {  	_ =	task.clear_ibuf [dreg:s7], $0x6FFFF;
	_ =	strace $0x90000049  }
0xb3: {  	s29 =	simm.s32 $0x9;
	_ =	strace $0x8000004B  }
0xb4: {  	_ =	swait.ge [sflag:s29], $0x1  }
0xb5: {  	[sflag:s29] =	ssyncadd.s32 $0xFFFFFFFF  }
0xb6: {  	_ =	strace $0x9000004B  }
0xb7: {  	_ =	sfence  }
0xb8: {  	s30 =	sld [smem:$0x0];
	_ =	sdelay $0x2  }
0xb9: {  	s31 =	sshll.u32 s1, $0xD;
	s1 =	sshrl.u32 s1, $0x2  }
0xba: {  	s3 =	sand.u32 $0x4000, s31;
	s1 =	sadd.s32 s1, s30  }
0xbb: {  	s0 =	sor.u32 s3, s0;
	s1 =	sshll.u32 s1, $0x11  }
0xbc: {  	s0 =	sor.u32 s1, s0  }
0xbd: {  	s0 =	sadd.s32 $0x8F2B, s0  }
0xbe: {  	[sflag:s0] =	ssyncadd.remote.s32 $0x1  }
0xbf: {  	_ =	sfence.sel $0xFFFF  }
0xc0: {  	[dreg:$0x0] =	wrdreg $0xFFFFFFFF;
	(pc) =	sbr.abs _section_cstart, $3  }
0xc1: {  	[dreg:$0x1] =	wrdreg $0xFFFFFFFF  }
0xc2: {  	_ =	task.clear_ibuf [dreg:s7], $0x2FFFF;
	_ =	strace $0x9FFFFFFF  }
0xc3: {  	(tm) =	ssettm $0x7FFFFFFF  }
tec
execute0_lowered:
.L_overlay_start_1:
0x0: {  	(tag) =	ssettag $0x1  }
0x1: {  	s1 =	rddreg [dreg:$0x0]  }
0x2: {  	s0 =	rddreg [dreg:$0x1]  }
0x3: {  	s2 =	rddreg [dreg:$0x2]  }
0x4: {  	s3 =	srdreg.scid;
	s4 =	simm.s32 $0x0;
	s8 =	stileid.u32  }
0x5: {  	s15 =	simm.s32 $0x100;
	s16 =	simm.s32 $0x880;
	[smem:$0x7FF] =	sst s4  }
0x6: {  	s17 =	simm.s32 $0x180;
	_ =	strace $0x8000004A;
	[dreg:$0x6] =	wrdreg s15  }
0x7: {  	s18 =	simm.s32 $0x900;
	s19 =	simm.s32 $0x200;
	[dreg:$0x7] =	wrdreg s16  }
0x8: {  	s20 =	simm.s32 $0x980;
	s21 =	simm.s32 $0x280;
	[dreg:$0x8] =	wrdreg s17  }
0x9: {  	s22 =	simm.s32 $0xA00;
	s23 =	simm.s32 $0x300;
	[dreg:$0x9] =	wrdreg s18  }
0xa: {  	s24 =	simm.s32 $0xA80;
	s29 =	simm.s32 $0x480;
	[dreg:$0xa] =	wrdreg s19  }
0xb: {  	s30 =	simm.s32 $0xC00;
	s31 =	simm.s32 $0x500;
	[dreg:$0xb] =	wrdreg s20  }
0xc: {  	s3 =	sand.u32 $0x1, s3;
	s6 =	smul.u32 $0x14000, s8;
	[dreg:$0xc] =	wrdreg s21  }
0xd: {  	s28 =	sshll.u32 s8, $0xB;
	s5 =	smul.u32 $0x140000, s3;
	[dreg:$0xd] =	wrdreg s22  }
0xe: {  	s7 =	sshll.u32 s3, $0xF;
	s3 =	ssub.s32 $0x2, s3;
	[dreg:$0xe] =	wrdreg s23  }
0xf: {  	s15 =	simm.s32 $0x3;
	s20 =	simm.s32 $0x800;
	[dreg:$0xf] =	wrdreg s24  }
0x10: {  	s21 =	simm.s32 $0x50;
	s22 =	simm.s32 $0x1000;
	s23 =	simm.s32 $0x1  }
0x11: {  	s24 =	simm.s32 $0x3800;
	s16 =	simm.s32 $0x780;
	s25 =	sadd.s32 s7, s0  }
0x12: {  	s26 =	sshrl.u32 s3, $0x1;
	s9 =	sadd.s32 s28, s25;
	s25 =	simm.s32 $0x380  }
0x13: {  	s3 =	ssub.s32 s3, s26;
	s26 =	simm.s32 $0xB00;
	[dreg:$0x10] =	wrdreg s25  }
0x14: {  	s17 =	simm.s32 $0xF00;
	s28 =	simm.s32 $0x400;
	[dreg:$0x11] =	wrdreg s26  }
0x15: {  	s5 =	sadd.s32 s5, s6;
	s3 =	smax.u32 s3, $0x1;
	[dreg:$0x12] =	wrdreg s28  }
0x16: {  	s5 =	sshrl.u32 s5, $0x3;
	s12 =	sadd.s32 $0x2600, s9;
	[dreg:$0x13] =	wrdreg s3  }
0x17: {  	s0 =	sadd.s32 s5, s0;
	[dreg:$0x4] =	wrdreg s12;
	s3 =	sadd.s32 $0x62600, s9  }
0x18: {  	s7 =	simm.s32 $0x600;
	s10 =	sadd.s32 $0x12600, s0;
	[dreg:$0x5] =	wrdreg s3  }
0x19: {  	s6 =	simm.s32 $0xD00;
	s11 =	sadd.s32 $0x12E00, s0;
	[dreg:$0x14] =	wrdreg s10  }
0x1a: {  	s25 =	simm.s32 $0x2;
	s13 =	sadd.s32 $0x13600, s0;
	[dreg:$0x15] =	wrdreg s11  }
0x1b: {  	s5 =	smul.u32 $0x280, s8;
	s14 =	sadd.s32 $0x13E00, s0;
	[dreg:$0x16] =	wrdreg s13  }
0x1c: {  	s8 =	simm.s32 $0xD80;
	s0 =	sadd.s32 $0x14600, s0;
	[dreg:$0x17] =	wrdreg s14  }
0x1d: {  	s9 =	simm.s32 $0xE00;
	[dreg:$0x18] =	wrdreg s0;
	s0 =	simm.s32 $0x0  }
0x1e: {  	v0 =	vlaneseq.u32;
	v1 =	vimm.f32 $0.0e+00;
	s13 =	simm.s32 $0x680;
	s10 =	simm.s32 $0x700;
	s11 =	simm.s32 $0xE80  }
.LBB2_1:
0x1f: {  	s14 =	sadd.s32 $0x0, s5  }
0x20: {  	s3 =	sadd.s32 $0x70, s14  }
0x21: {  	s18 =	simm.s32 $0x6040;
	s19 =	sadd.s32 $0x10, s14;
	v2 =	vor.u32 s3, v0  }
0x22: {  	s26 =	sadd.s32 $0x20, s14;
	v3 =	vor.u32 s19, v0;
	[tilespmem:s18+$0x30] =	vst v2  }
0x23: {  	s28 =	sadd.s32 $0x30, s14;
	v2 =	vor.u32 s26, v0;
	[tilespmem:s18+$0xFFFFFFD0] =	vst v3  }
0x24: {  	s12 =	sadd.s32 $0x40, s14;
	v3 =	vor.u32 s28, v0;
	[tilespmem:s18+$0xFFFFFFE0] =	vst v2  }
0x25: {  	s26 =	sadd.s32 $0x50, s14;
	v2 =	vor.u32 s12, v0;
	[tilespmem:s18+$0xFFFFFFF0] =	vst v3  }
0x26: {  	s28 =	sadd.s32 $0x60, s14;
	v4 =	vor.u32 s26, v0;
	[tilespmem:s18+$0x0] =	vst v2  }
0x27: {  	s19 =	sadd.s32 $0x80, s5;
	v3 =	vor.u32 s28, v0;
	v2 =	vor.u32 s14, v0;
	s14 =	simm.s32 $0x100;
	[tilespmem:s18+$0x10] =	vst v4  }
.LBB2_2:
0x28: {  	p0 =	sne.s32 s14, $0x200;
	v4 =	vor.u32 s19, v0;
	s12 =	sadd.s32 $0x10, s19;
	s26 =	sadd.s32 $0x70, s19;
	[tilespmem:s18+$0x20] =	vst v3  }
0x29: {  	s28 =	sadd.s32 $0x30, s19;
	v3 =	vor.u32 s12, v0;
	s12 =	sadd.s32 $0x20, s19;
	v5 =	vor.u32 s26, v0;
	[tilespmem:s18+$0xFFFFFFC0] =	vst v2;
	s18 =	sadd.s32 $0x80, s18;
	v2 =	vmov v4  }
0x2a: {  	v6 =	vor.u32 s28, v0;
	s26 =	sadd.s32 $0x50, s19;
	v4 =	vor.u32 s12, v0;
	s12 =	sadd.s32 $0x40, s19;
	s19 =	sadd.s32 $0x60, s19;
	[tilespmem:s18+$0x30] =	vst v5  }
.Ltmp0:
0x2b: {  	v7 =	vor.u32 s26, v0;
	[tilespmem:s18+$0xFFFFFFD0] =	vst v3;
	v5 =	vor.u32 s12, v0;
	v3 =	vor.u32 s19, v0;
	(pc) =	sbr.rel @p0 .LBB2_2-.Ltmp0, $4  }
0x2c: {  	[tilespmem:s18+$0xFFFFFFE0] =	vst v4  }
0x2d: {  	[tilespmem:s18+$0xFFFFFFF0] =	vst v6  }
0x2e: {  	[tilespmem:s18+$0x0] =	vst v5  }
0x2f: {  	s19 =	sadd.s32 s14, s5;
	s14 =	sadd.s32 $0x80, s14;
	[tilespmem:s18+$0x10] =	vst v7  }
0x30: {  	s12 =	sadd.s32 $0x70, s19;
	[tilespmem:s18+$0x20] =	vst v3  }
0x31: {  	s14 =	sadd.s32 $0x10, s19;
	[tilespmem:s18+$0xFFFFFFC0] =	vst v2;
	v3 =	vor.u32 s12, v0;
	s12 =	sadd.s32 $0x80, s18  }
0x32: {  	[dreg:$0x19] =	wrdreg s0;
	s0 =	sadd.s32 $0x20, s19;
	v2 =	vor.u32 s14, v0;
	[tilespmem:s12+$0x30] =	vst v3  }
0x33: {  	s3 =	sadd.s32 $0x30, s19;
	v3 =	vor.u32 s0, v0;
	[tilespmem:s12+$0xFFFFFFD0] =	vst v2  }
0x34: {  	s18 =	sadd.s32 $0x40, s19;
	v2 =	vor.u32 s3, v0;
	[tilespmem:s12+$0xFFFFFFE0] =	vst v3  }
0x35: {  	s26 =	sadd.s32 $0x50, s19;
	v3 =	vor.u32 s18, v0;
	[tilespmem:s12+$0xFFFFFFF0] =	vst v2  }
0x36: {  	s28 =	sadd.s32 $0x60, s19;
	v2 =	vor.u32 s26, v0;
	[tilespmem:s12+$0x0] =	vst v3  }
0x37: {  	v3 =	vor.u32 s28, v0;
	[tilespmem:s12+$0x10] =	vst v2  }
0x38: {  	v2 =	vor.u32 s19, v0;
	[tilespmem:s12+$0x20] =	vst v3  }
0x39: {  	s14 =	simm.s32 $0x0;
	s18 =	simm.s32 $0x200;
	[tilespmem:s12+$0xFFFFFFC0] =	vst v2  }
.LBB2_4:
0x3a: {  	p0 =	sne.s32 s18, $0xFE00;
	[tilespmem:s14+$0x6470] =	vst v1  }
0x3b: {  	[tilespmem:s14+$0x6400] =	vst v1  }
0x3c: {  	[tilespmem:s14+$0x6410] =	vst v1  }
.Ltmp1:
0x3d: {  	[tilespmem:s14+$0x6420] =	vst v1;
	(pc) =	sbr.rel @p0 .LBB2_4-.Ltmp1, $4  }
0x3e: {  	[tilespmem:s14+$0x6430] =	vst v1  }
0x3f: {  	[tilespmem:s14+$0x6440] =	vst v1  }
0x40: {  	[tilespmem:s14+$0x6450] =	vst v1  }
0x41: {  	[tilespmem:s14+$0x6460] =	vst v1;
	s14 =	sshra.s32 s18, $0x2;
	s18 =	sadd.s32 $0x200, s18  }
0x42: {  	[tilespmem:s14+$0x6470] =	vst v1  }
0x43: {  	[tilespmem:s14+$0x6400] =	vst v1  }
0x44: {  	[tilespmem:s14+$0x6410] =	vst v1  }
0x45: {  	[tilespmem:s14+$0x6420] =	vst v1  }
0x46: {  	[tilespmem:s14+$0x6430] =	vst v1  }
0x47: {  	[tilespmem:s14+$0x6440] =	vst v1  }
0x48: {  	[tilespmem:s14+$0x6450] =	vst v1  }
0x49: {  	[tilespmem:s14+$0x6460] =	vst v1;
	s3 =	simm.s32 $0x80;
	s0 =	simm.s32 $0x6000;
	s12 =	simm.s32 $0x6400  }
0x4a: {  	[spmem:s2] =	stream.indirect.scatter [tilespmem:s12], [sflag:$0x3], $0x80, s0, s3, $0xb8;
	[tilespmem:$0x1E400] =	vst v63  }
0x4b: {  	_ =	swait.ge [sflag:s15], $0x4000  }
0x4c: {  	[sflag:s15] =	ssyncset.done $0x0  }
0x4d: {  	s18 =	simm.s32 $0x6080;
	[sflag:s15] =	ssyncadd.s32 $0xFFFFC000  }
0x4e: {  	[spmem:s2] =	stream.indirect.scatter [tilespmem:s12], [sflag:$0x3], $0x80, s18, s3, $0xb8;
	[tilespmem:$0x1E400] =	vst v63  }
0x4f: {  	_ =	swait.ge [sflag:s15], $0x4000  }
0x50: {  	[sflag:s15] =	ssyncset.done $0x0  }
0x51: {  	s19 =	simm.s32 $0x6100;
	[sflag:s15] =	ssyncadd.s32 $0xFFFFC000  }
0x52: {  	[spmem:s2] =	stream.indirect.scatter [tilespmem:s12], [sflag:$0x3], $0x80, s19, s3, $0xb8;
	[tilespmem:$0x1E400] =	vst v63  }
0x53: {  	_ =	swait.ge [sflag:s15], $0x4000  }
0x54: {  	[sflag:s15] =	ssyncset.done $0x0  }
0x55: {  	s26 =	simm.s32 $0x6180;
	[sflag:s15] =	ssyncadd.s32 $0xFFFFC000  }
0x56: {  	[spmem:s2] =	stream.indirect.scatter [tilespmem:s12], [sflag:$0x3], $0x80, s26, s3, $0xb8;
	[tilespmem:$0x1E400] =	vst v63  }
0x57: {  	_ =	swait.ge [sflag:s15], $0x4000  }
0x58: {  	[sflag:s15] =	ssyncset.done $0x0  }
0x59: {  	s0 =	simm.s32 $0x6200;
	[sflag:s15] =	ssyncadd.s32 $0xFFFFC000  }
0x5a: {  	[spmem:s2] =	stream.indirect.scatter [tilespmem:s12], [sflag:$0x3], $0x80, s0, s3, $0xb8;
	[tilespmem:$0x1E400] =	vst v63  }
0x5b: {  	_ =	swait.ge [sflag:s15], $0x4000  }
0x5c: {  	[sflag:s15] =	ssyncset.done $0x0  }
0x5d: {  	[sflag:s15] =	ssyncadd.s32 $0xFFFFC000  }
0x5e: {  	[bflag:$0x0] =	sbarrier.arrive $0xFFFF  }
0x5f: {  	s18 =	rddreg [dreg:$0x5]  }
0x60: {  	s12 =	sadd.s32 $0x0, s18  }
0x61: {  	[tilespmem:s4], [sflag:$0x3] =	stream.linear.gather [hbm4b:s12+s4], $0x800, $0x38;
	[tilespmem:$0x1E400] =	vst v63  }
0x62: {  	_ =	swait.ge [sflag:s15], $0x800  }
0x63: {  	s19 =	rddreg [dreg:$0x4];
	[sflag:s15] =	ssyncset.done $0x0  }
0x64: {  	[sflag:s15] =	ssyncadd.s32 $0xFFFFF800;
	s12 =	sadd.s32 $0x0, s19  }
0x65: {  	[tilespmem:s20], [sflag:$0x3] =	stream.linear.gather [hbm4b:s12+s4], $0x800, $0x38;
	[tilespmem:$0x1E400] =	vst v63  }
0x66: {  	_ =	swait.ge [sflag:s15], $0x800  }
0x67: {  	[sflag:s15] =	ssyncset.done $0x0  }
0x68: {  	[sflag:s15] =	ssyncadd.s32 $0xFFFFF800  }
0x69: {  	[tilespmem:s22], [sflag:$0x1] =	stream.indirect.gather [hbm4b:s1+s21], $0x80, s4, s21, $0xb8;
	[tilespmem:$0x1E400] =	vst v63  }
0x6a: {  	_ =	swait.ge [sflag:s23], $0x2800  }
0x6b: {  	[sflag:s23] =	ssyncset.done $0x0  }
0x6c: {  	[sflag:s23] =	ssyncadd.s32 $0xFFFFD800  }
0x6d: {  	[tilespmem:s24], [sflag:$0x2] =	stream.indirect.gather [hbm4b:s1+s21], $0x80, s3, s21, $0xb8;
	[tilespmem:$0x1E400] =	vst v63  }
0x6e: {  	_ = 	snop  }
0x6f: {  	[spmem:s2] =	stream.indirect.scatter.add.f32 [tilespmem:s22], [sflag:$0x3], $0x80, s20, s21, $0xb8;
	[tilespmem:$0x1E400] =	vst v63  }
0x70: {  	_ =	swait.ge [sflag:s15], $0x2800  }
0x71: {  	[sflag:s15] =	ssyncset.done $0x0  }
0x72: {  	[sflag:s15] =	ssyncadd.s32 $0xFFFFD800  }
0x73: {  	_ =	swait.ge [sflag:s25], $0x2800  }
0x74: {  	[sflag:s25] =	ssyncset.done $0x0  }
0x75: {  	s26 =	rddreg [dreg:$0x6];
	[sflag:s25] =	ssyncadd.s32 $0xFFFFD800  }
0x76: {  	[tilespmem:s22], [sflag:$0x1] =	stream.indirect.gather [hbm4b:s1+s21], $0x80, s26, s21, $0xb8;
	[tilespmem:$0x1E400] =	vst v63  }
0x77: {  	s3 =	rddreg [dreg:$0x7]  }
0x78: {  	[spmem:s2] =	stream.indirect.scatter.add.f32 [tilespmem:s24], [sflag:$0x3], $0x80, s3, s21, $0xb8;
	[tilespmem:$0x1E400] =	vst v63  }
0x79: {  	_ =	swait.ge [sflag:s15], $0x2800  }
0x7a: {  	[sflag:s15] =	ssyncset.done $0x0  }
0x7b: {  	[sflag:s15] =	ssyncadd.s32 $0xFFFFD800  }
0x7c: {  	_ =	swait.ge [sflag:s23], $0x2800  }
0x7d: {  	[sflag:s23] =	ssyncset.done $0x0  }
0x7e: {  	s18 =	rddreg [dreg:$0x8];
	[sflag:s23] =	ssyncadd.s32 $0xFFFFD800  }
0x7f: {  	[tilespmem:s24], [sflag:$0x2] =	stream.indirect.gather [hbm4b:s1+s21], $0x80, s18, s21, $0xb8;
	[tilespmem:$0x1E400] =	vst v63  }
0x80: {  	s19 =	rddreg [dreg:$0x9]  }
0x81: {  	[spmem:s2] =	stream.indirect.scatter.add.f32 [tilespmem:s22], [sflag:$0x3], $0x80, s19, s21, $0xb8;
	[tilespmem:$0x1E400] =	vst v63  }
0x82: {  	_ =	swait.ge [sflag:s15], $0x2800  }
0x83: {  	[sflag:s15] =	ssyncset.done $0x0  }
0x84: {  	[sflag:s15] =	ssyncadd.s32 $0xFFFFD800  }
0x85: {  	_ =	swait.ge [sflag:s25], $0x2800  }
0x86: {  	[sflag:s25] =	ssyncset.done $0x0  }
0x87: {  	s26 =	rddreg [dreg:$0xa];
	[sflag:s25] =	ssyncadd.s32 $0xFFFFD800  }
0x88: {  	[tilespmem:s22], [sflag:$0x1] =	stream.indirect.gather [hbm4b:s1+s21], $0x80, s26, s21, $0xb8;
	[tilespmem:$0x1E400] =	vst v63  }
0x89: {  	s3 =	rddreg [dreg:$0xb]  }
0x8a: {  	[spmem:s2] =	stream.indirect.scatter.add.f32 [tilespmem:s24], [sflag:$0x3], $0x80, s3, s21, $0xb8;
	[tilespmem:$0x1E400] =	vst v63  }
0x8b: {  	_ =	swait.ge [sflag:s15], $0x2800  }
0x8c: {  	[sflag:s15] =	ssyncset.done $0x0  }
0x8d: {  	[sflag:s15] =	ssyncadd.s32 $0xFFFFD800  }
0x8e: {  	_ =	swait.ge [sflag:s23], $0x2800  }
0x8f: {  	[sflag:s23] =	ssyncset.done $0x0  }
0x90: {  	s18 =	rddreg [dreg:$0xc];
	[sflag:s23] =	ssyncadd.s32 $0xFFFFD800  }
0x91: {  	[tilespmem:s24], [sflag:$0x2] =	stream.indirect.gather [hbm4b:s1+s21], $0x80, s18, s21, $0xb8;
	[tilespmem:$0x1E400] =	vst v63  }
0x92: {  	s19 =	rddreg [dreg:$0xd]  }
0x93: {  	[spmem:s2] =	stream.indirect.scatter.add.f32 [tilespmem:s22], [sflag:$0x3], $0x80, s19, s21, $0xb8;
	[tilespmem:$0x1E400] =	vst v63  }
0x94: {  	_ =	swait.ge [sflag:s15], $0x2800  }
0x95: {  	[sflag:s15] =	ssyncset.done $0x0  }
0x96: {  	[sflag:s15] =	ssyncadd.s32 $0xFFFFD800  }
0x97: {  	_ =	swait.ge [sflag:s25], $0x2800  }
0x98: {  	[sflag:s25] =	ssyncset.done $0x0  }
0x99: {  	s26 =	rddreg [dreg:$0xe];
	[sflag:s25] =	ssyncadd.s32 $0xFFFFD800  }
0x9a: {  	[tilespmem:s22], [sflag:$0x1] =	stream.indirect.gather [hbm4b:s1+s21], $0x80, s26, s21, $0xb8;
	[tilespmem:$0x1E400] =	vst v63  }
0x9b: {  	s3 =	rddreg [dreg:$0xf]  }
0x9c: {  	[spmem:s2] =	stream.indirect.scatter.add.f32 [tilespmem:s24], [sflag:$0x3], $0x80, s3, s21, $0xb8;
	[tilespmem:$0x1E400] =	vst v63  }
0x9d: {  	_ =	swait.ge [sflag:s15], $0x2800  }
0x9e: {  	[sflag:s15] =	ssyncset.done $0x0  }
0x9f: {  	[sflag:s15] =	ssyncadd.s32 $0xFFFFD800  }
0xa0: {  	_ =	swait.ge [sflag:s23], $0x2800  }
0xa1: {  	[sflag:s23] =	ssyncset.done $0x0  }
0xa2: {  	s14 =	rddreg [dreg:$0x10];
	[sflag:s23] =	ssyncadd.s32 $0xFFFFD800  }
0xa3: {  	[tilespmem:s24], [sflag:$0x2] =	stream.indirect.gather [hbm4b:s1+s21], $0x80, s14, s21, $0xb8;
	[tilespmem:$0x1E400] =	vst v63  }
0xa4: {  	s18 =	rddreg [dreg:$0x11]  }
0xa5: {  	[spmem:s2] =	stream.indirect.scatter.add.f32 [tilespmem:s22], [sflag:$0x3], $0x80, s18, s21, $0xb8;
	[tilespmem:$0x1E400] =	vst v63  }
0xa6: {  	_ =	swait.ge [sflag:s15], $0x2800  }
0xa7: {  	[sflag:s15] =	ssyncset.done $0x0  }
0xa8: {  	[sflag:s15] =	ssyncadd.s32 $0xFFFFD800  }
0xa9: {  	_ =	swait.ge [sflag:s25], $0x2800  }
0xaa: {  	[sflag:s25] =	ssyncset.done $0x0  }
0xab: {  	s19 =	rddreg [dreg:$0x12];
	[sflag:s25] =	ssyncadd.s32 $0xFFFFD800  }
0xac: {  	[tilespmem:s22], [sflag:$0x1] =	stream.indirect.gather [hbm4b:s1+s21], $0x80, s19, s21, $0xb8;
	[tilespmem:$0x1E400] =	vst v63  }
0xad: {  	s28 =	simm.s32 $0xB80  }
0xae: {  	[spmem:s2] =	stream.indirect.scatter.add.f32 [tilespmem:s24], [sflag:$0x3], $0x80, s28, s21, $0xb8;
	[tilespmem:$0x1E400] =	vst v63  }
0xaf: {  	_ =	swait.ge [sflag:s15], $0x2800  }
0xb0: {  	[sflag:s15] =	ssyncset.done $0x0  }
0xb1: {  	[sflag:s15] =	ssyncadd.s32 $0xFFFFD800  }
0xb2: {  	_ =	swait.ge [sflag:s23], $0x2800  }
0xb3: {  	[sflag:s23] =	ssyncset.done $0x0  }
0xb4: {  	[sflag:s23] =	ssyncadd.s32 $0xFFFFD800  }
0xb5: {  	[tilespmem:s24], [sflag:$0x2] =	stream.indirect.gather [hbm4b:s1+s21], $0x80, s29, s21, $0xb8;
	[tilespmem:$0x1E400] =	vst v63  }
0xb6: {  	_ = 	snop  }
0xb7: {  	[spmem:s2] =	stream.indirect.scatter.add.f32 [tilespmem:s22], [sflag:$0x3], $0x80, s30, s21, $0xb8;
	[tilespmem:$0x1E400] =	vst v63  }
0xb8: {  	_ =	swait.ge [sflag:s15], $0x2800  }
0xb9: {  	[sflag:s15] =	ssyncset.done $0x0  }
0xba: {  	[sflag:s15] =	ssyncadd.s32 $0xFFFFD800  }
0xbb: {  	_ =	swait.ge [sflag:s25], $0x2800  }
0xbc: {  	[sflag:s25] =	ssyncset.done $0x0  }
0xbd: {  	[sflag:s25] =	ssyncadd.s32 $0xFFFFD800  }
0xbe: {  	[tilespmem:s22], [sflag:$0x1] =	stream.indirect.gather [hbm4b:s1+s21], $0x80, s31, s21, $0xb8;
	[tilespmem:$0x1E400] =	vst v63  }
0xbf: {  	s26 =	simm.s32 $0xC80  }
0xc0: {  	[spmem:s2] =	stream.indirect.scatter.add.f32 [tilespmem:s24], [sflag:$0x3], $0x80, s26, s21, $0xb8;
	[tilespmem:$0x1E400] =	vst v63  }
0xc1: {  	_ =	swait.ge [sflag:s15], $0x2800  }
0xc2: {  	[sflag:s15] =	ssyncset.done $0x0  }
0xc3: {  	[sflag:s15] =	ssyncadd.s32 $0xFFFFD800  }
0xc4: {  	_ =	swait.ge [sflag:s23], $0x2800  }
0xc5: {  	[sflag:s23] =	ssyncset.done $0x0  }
0xc6: {  	s3 =	simm.s32 $0x580;
	[sflag:s23] =	ssyncadd.s32 $0xFFFFD800  }
0xc7: {  	[tilespmem:s24], [sflag:$0x2] =	stream.indirect.gather [hbm4b:s1+s21], $0x80, s3, s21, $0xb8;
	[tilespmem:$0x1E400] =	vst v63  }
0xc8: {  	_ = 	snop  }
0xc9: {  	[spmem:s2] =	stream.indirect.scatter.add.f32 [tilespmem:s22], [sflag:$0x3], $0x80, s6, s21, $0xb8;
	[tilespmem:$0x1E400] =	vst v63  }
0xca: {  	_ =	swait.ge [sflag:s15], $0x2800  }
0xcb: {  	[sflag:s15] =	ssyncset.done $0x0  }
0xcc: {  	[sflag:s15] =	ssyncadd.s32 $0xFFFFD800  }
0xcd: {  	_ =	swait.ge [sflag:s25], $0x2800  }
0xce: {  	[sflag:s25] =	ssyncset.done $0x0  }
0xcf: {  	[sflag:s25] =	ssyncadd.s32 $0xFFFFD800  }
0xd0: {  	[tilespmem:s22], [sflag:$0x1] =	stream.indirect.gather [hbm4b:s1+s21], $0x80, s7, s21, $0xb8;
	[tilespmem:$0x1E400] =	vst v63  }
0xd1: {  	_ = 	snop  }
0xd2: {  	[spmem:s2] =	stream.indirect.scatter.add.f32 [tilespmem:s24], [sflag:$0x3], $0x80, s8, s21, $0xb8;
	[tilespmem:$0x1E400] =	vst v63  }
0xd3: {  	_ =	swait.ge [sflag:s15], $0x2800  }
0xd4: {  	[sflag:s15] =	ssyncset.done $0x0  }
0xd5: {  	[sflag:s15] =	ssyncadd.s32 $0xFFFFD800  }
0xd6: {  	_ =	swait.ge [sflag:s23], $0x2800  }
0xd7: {  	[sflag:s23] =	ssyncset.done $0x0  }
0xd8: {  	[sflag:s23] =	ssyncadd.s32 $0xFFFFD800  }
0xd9: {  	[tilespmem:s24], [sflag:$0x2] =	stream.indirect.gather [hbm4b:s1+s21], $0x80, s13, s21, $0xb8;
	[tilespmem:$0x1E400] =	vst v63  }
0xda: {  	_ = 	snop  }
0xdb: {  	[spmem:s2] =	stream.indirect.scatter.add.f32 [tilespmem:s22], [sflag:$0x3], $0x80, s9, s21, $0xb8;
	[tilespmem:$0x1E400] =	vst v63  }
0xdc: {  	_ =	swait.ge [sflag:s15], $0x2800  }
0xdd: {  	[sflag:s15] =	ssyncset.done $0x0  }
0xde: {  	[sflag:s15] =	ssyncadd.s32 $0xFFFFD800  }
0xdf: {  	_ =	swait.ge [sflag:s25], $0x2800  }
0xe0: {  	[sflag:s25] =	ssyncset.done $0x0  }
0xe1: {  	[sflag:s25] =	ssyncadd.s32 $0xFFFFD800  }
0xe2: {  	[tilespmem:s22], [sflag:$0x1] =	stream.indirect.gather [hbm4b:s1+s21], $0x80, s10, s21, $0xb8;
	[tilespmem:$0x1E400] =	vst v63  }
0xe3: {  	_ = 	snop  }
0xe4: {  	[spmem:s2] =	stream.indirect.scatter.add.f32 [tilespmem:s24], [sflag:$0x3], $0x80, s11, s21, $0xb8;
	[tilespmem:$0x1E400] =	vst v63  }
0xe5: {  	_ =	swait.ge [sflag:s15], $0x2800  }
0xe6: {  	[sflag:s15] =	ssyncset.done $0x0  }
0xe7: {  	[sflag:s15] =	ssyncadd.s32 $0xFFFFD800  }
0xe8: {  	_ =	swait.ge [sflag:s23], $0x2800  }
0xe9: {  	[sflag:s23] =	ssyncset.done $0x0  }
0xea: {  	[sflag:s23] =	ssyncadd.s32 $0xFFFFD800  }
0xeb: {  	[tilespmem:s24], [sflag:$0x2] =	stream.indirect.gather [hbm4b:s1+s21], $0x80, s16, s21, $0xb8;
	[tilespmem:$0x1E400] =	vst v63  }
0xec: {  	_ = 	snop  }
0xed: {  	[spmem:s2] =	stream.indirect.scatter.add.f32 [tilespmem:s22], [sflag:$0x3], $0x80, s17, s21, $0xb8;
	[tilespmem:$0x1E400] =	vst v63  }
0xee: {  	_ =	swait.ge [sflag:s15], $0x2800  }
0xef: {  	[sflag:s15] =	ssyncset.done $0x0  }
0xf0: {  	[sflag:s15] =	ssyncadd.s32 $0xFFFFD800  }
0xf1: {  	_ =	swait.ge [sflag:s25], $0x2800  }
0xf2: {  	[sflag:s25] =	ssyncset.done $0x0  }
0xf3: {  	s26 =	simm.s32 $0xF80;
	[sflag:s25] =	ssyncadd.s32 $0xFFFFD800  }
0xf4: {  	[spmem:s2] =	stream.indirect.scatter.add.f32 [tilespmem:s24], [sflag:$0x3], $0x80, s26, s21, $0xb8;
	[tilespmem:$0x1E400] =	vst v63  }
0xf5: {  	s0 =	simm.s32 $0x80;
	s18 =	simm.s32 $0x200;
	_ =	swait.ge [sflag:s15], $0x2800  }
0xf6: {  	s19 =	simm.s32 $0x100;
	s14 =	rddreg [dreg:$0x5];
	[sflag:s15] =	ssyncset.done $0x0  }
.LBB2_6:
0xf7: {  	[sflag:s15] =	ssyncadd.s32 $0xFFFFD800;
	s14 =	sadd.s32 s19, s14  }
0xf8: {  	[tilespmem:s4], [sflag:$0x3] =	stream.linear.gather [hbm4b:s14+s4], $0x800, $0x38;
	[tilespmem:$0x1E400] =	vst v63  }
0xf9: {  	_ =	swait.ge [sflag:s15], $0x800  }
0xfa: {  	s14 =	rddreg [dreg:$0x4];
	[sflag:s15] =	ssyncset.done $0x0  }
0xfb: {  	[sflag:s15] =	ssyncadd.s32 $0xFFFFF800;
	s14 =	sadd.s32 s19, s14  }
0xfc: {  	[tilespmem:s20], [sflag:$0x3] =	stream.linear.gather [hbm4b:s14+s4], $0x800, $0x38;
	[tilespmem:$0x1E400] =	vst v63  }
0xfd: {  	_ =	swait.ge [sflag:s15], $0x800  }
0xfe: {  	[sflag:s15] =	ssyncset.done $0x0  }
0xff: {  	[sflag:s15] =	ssyncadd.s32 $0xFFFFF800  }
0x100: {  	[tilespmem:s22], [sflag:$0x1] =	stream.indirect.gather [hbm4b:s1+s21], $0x80, s4, s21, $0xb8;
	[tilespmem:$0x1E400] =	vst v63  }
0x101: {  	_ =	swait.ge [sflag:s23], $0x2800  }
0x102: {  	[sflag:s23] =	ssyncset.done $0x0  }
0x103: {  	[sflag:s23] =	ssyncadd.s32 $0xFFFFD800  }
0x104: {  	[tilespmem:s24], [sflag:$0x2] =	stream.indirect.gather [hbm4b:s1+s21], $0x80, s0, s21, $0xb8;
	[tilespmem:$0x1E400] =	vst v63  }
0x105: {  	_ = 	snop  }
0x106: {  	[spmem:s2] =	stream.indirect.scatter.add.f32 [tilespmem:s22], [sflag:$0x3], $0x80, s20, s21, $0xb8;
	[tilespmem:$0x1E400] =	vst v63  }
0x107: {  	_ =	swait.ge [sflag:s15], $0x2800  }
0x108: {  	[sflag:s15] =	ssyncset.done $0x0  }
0x109: {  	[sflag:s15] =	ssyncadd.s32 $0xFFFFD800  }
0x10a: {  	_ =	swait.ge [sflag:s25], $0x2800  }
0x10b: {  	s12 =	smov.u32 s18;
	[sflag:s25] =	ssyncset.done $0x0  }
0x10c: {  	s19 =	smov.u32 s12;
	s12 =	rddreg [dreg:$0x6];
	[sflag:s25] =	ssyncadd.s32 $0xFFFFD800  }
0x10d: {  	[tilespmem:s22], [sflag:$0x1] =	stream.indirect.gather [hbm4b:s1+s21], $0x80, s12, s21, $0xb8;
	[tilespmem:$0x1E400] =	vst v63  }
0x10e: {  	s14 =	rddreg [dreg:$0x7]  }
0x10f: {  	[spmem:s2] =	stream.indirect.scatter.add.f32 [tilespmem:s24], [sflag:$0x3], $0x80, s14, s21, $0xb8;
	[tilespmem:$0x1E400] =	vst v63  }
0x110: {  	_ =	swait.ge [sflag:s15], $0x2800  }
0x111: {  	[sflag:s15] =	ssyncset.done $0x0  }
0x112: {  	[sflag:s15] =	ssyncadd.s32 $0xFFFFD800  }
0x113: {  	_ =	swait.ge [sflag:s23], $0x2800  }
0x114: {  	[sflag:s23] =	ssyncset.done $0x0  }
0x115: {  	s12 =	rddreg [dreg:$0x8];
	[sflag:s23] =	ssyncadd.s32 $0xFFFFD800  }
0x116: {  	[tilespmem:s24], [sflag:$0x2] =	stream.indirect.gather [hbm4b:s1+s21], $0x80, s12, s21, $0xb8;
	[tilespmem:$0x1E400] =	vst v63  }
0x117: {  	s14 =	rddreg [dreg:$0x9]  }
0x118: {  	[spmem:s2] =	stream.indirect.scatter.add.f32 [tilespmem:s22], [sflag:$0x3], $0x80, s14, s21, $0xb8;
	[tilespmem:$0x1E400] =	vst v63  }
0x119: {  	_ =	swait.ge [sflag:s15], $0x2800  }
0x11a: {  	[sflag:s15] =	ssyncset.done $0x0  }
0x11b: {  	[sflag:s15] =	ssyncadd.s32 $0xFFFFD800  }
0x11c: {  	_ =	swait.ge [sflag:s25], $0x2800  }
0x11d: {  	[sflag:s25] =	ssyncset.done $0x0  }
0x11e: {  	s12 =	rddreg [dreg:$0xa];
	[sflag:s25] =	ssyncadd.s32 $0xFFFFD800  }
0x11f: {  	[tilespmem:s22], [sflag:$0x1] =	stream.indirect.gather [hbm4b:s1+s21], $0x80, s12, s21, $0xb8;
	[tilespmem:$0x1E400] =	vst v63  }
0x120: {  	s14 =	rddreg [dreg:$0xb]  }
0x121: {  	[spmem:s2] =	stream.indirect.scatter.add.f32 [tilespmem:s24], [sflag:$0x3], $0x80, s14, s21, $0xb8;
	[tilespmem:$0x1E400] =	vst v63  }
0x122: {  	_ =	swait.ge [sflag:s15], $0x2800  }
0x123: {  	[sflag:s15] =	ssyncset.done $0x0  }
0x124: {  	[sflag:s15] =	ssyncadd.s32 $0xFFFFD800  }
0x125: {  	_ =	swait.ge [sflag:s23], $0x2800  }
0x126: {  	[sflag:s23] =	ssyncset.done $0x0  }
0x127: {  	s12 =	rddreg [dreg:$0xc];
	[sflag:s23] =	ssyncadd.s32 $0xFFFFD800  }
0x128: {  	[tilespmem:s24], [sflag:$0x2] =	stream.indirect.gather [hbm4b:s1+s21], $0x80, s12, s21, $0xb8;
	[tilespmem:$0x1E400] =	vst v63  }
0x129: {  	s14 =	rddreg [dreg:$0xd]  }
0x12a: {  	[spmem:s2] =	stream.indirect.scatter.add.f32 [tilespmem:s22], [sflag:$0x3], $0x80, s14, s21, $0xb8;
	[tilespmem:$0x1E400] =	vst v63  }
0x12b: {  	_ =	swait.ge [sflag:s15], $0x2800  }
0x12c: {  	[sflag:s15] =	ssyncset.done $0x0  }
0x12d: {  	[sflag:s15] =	ssyncadd.s32 $0xFFFFD800  }
0x12e: {  	_ =	swait.ge [sflag:s25], $0x2800  }
0x12f: {  	[sflag:s25] =	ssyncset.done $0x0  }
0x130: {  	s12 =	rddreg [dreg:$0xe];
	[sflag:s25] =	ssyncadd.s32 $0xFFFFD800  }
0x131: {  	[tilespmem:s22], [sflag:$0x1] =	stream.indirect.gather [hbm4b:s1+s21], $0x80, s12, s21, $0xb8;
	[tilespmem:$0x1E400] =	vst v63  }
0x132: {  	s14 =	rddreg [dreg:$0xf]  }
0x133: {  	[spmem:s2] =	stream.indirect.scatter.add.f32 [tilespmem:s24], [sflag:$0x3], $0x80, s14, s21, $0xb8;
	[tilespmem:$0x1E400] =	vst v63  }
0x134: {  	_ =	swait.ge [sflag:s15], $0x2800  }
0x135: {  	[sflag:s15] =	ssyncset.done $0x0  }
0x136: {  	[sflag:s15] =	ssyncadd.s32 $0xFFFFD800  }
0x137: {  	_ =	swait.ge [sflag:s23], $0x2800  }
0x138: {  	[sflag:s23] =	ssyncset.done $0x0  }
0x139: {  	s12 =	rddreg [dreg:$0x10];
	[sflag:s23] =	ssyncadd.s32 $0xFFFFD800  }
0x13a: {  	[tilespmem:s24], [sflag:$0x2] =	stream.indirect.gather [hbm4b:s1+s21], $0x80, s12, s21, $0xb8;
	[tilespmem:$0x1E400] =	vst v63  }
0x13b: {  	s14 =	rddreg [dreg:$0x11]  }
0x13c: {  	[spmem:s2] =	stream.indirect.scatter.add.f32 [tilespmem:s22], [sflag:$0x3], $0x80, s14, s21, $0xb8;
	[tilespmem:$0x1E400] =	vst v63  }
0x13d: {  	_ =	swait.ge [sflag:s15], $0x2800  }
0x13e: {  	[sflag:s15] =	ssyncset.done $0x0  }
0x13f: {  	[sflag:s15] =	ssyncadd.s32 $0xFFFFD800  }
0x140: {  	_ =	swait.ge [sflag:s25], $0x2800  }
0x141: {  	[sflag:s25] =	ssyncset.done $0x0  }
0x142: {  	s14 =	rddreg [dreg:$0x12];
	[sflag:s25] =	ssyncadd.s32 $0xFFFFD800  }
0x143: {  	[tilespmem:s22], [sflag:$0x1] =	stream.indirect.gather [hbm4b:s1+s21], $0x80, s14, s21, $0xb8;
	[tilespmem:$0x1E400] =	vst v63  }
0x144: {  	_ = 	snop  }
0x145: {  	[spmem:s2] =	stream.indirect.scatter.add.f32 [tilespmem:s24], [sflag:$0x3], $0x80, s28, s21, $0xb8;
	[tilespmem:$0x1E400] =	vst v63  }
0x146: {  	_ =	swait.ge [sflag:s15], $0x2800  }
0x147: {  	[sflag:s15] =	ssyncset.done $0x0  }
0x148: {  	[sflag:s15] =	ssyncadd.s32 $0xFFFFD800  }
0x149: {  	_ =	swait.ge [sflag:s23], $0x2800  }
0x14a: {  	[sflag:s23] =	ssyncset.done $0x0  }
0x14b: {  	[sflag:s23] =	ssyncadd.s32 $0xFFFFD800  }
0x14c: {  	[tilespmem:s24], [sflag:$0x2] =	stream.indirect.gather [hbm4b:s1+s21], $0x80, s29, s21, $0xb8;
	[tilespmem:$0x1E400] =	vst v63  }
0x14d: {  	_ = 	snop  }
0x14e: {  	[spmem:s2] =	stream.indirect.scatter.add.f32 [tilespmem:s22], [sflag:$0x3], $0x80, s30, s21, $0xb8;
	[tilespmem:$0x1E400] =	vst v63  }
0x14f: {  	_ =	swait.ge [sflag:s15], $0x2800  }
0x150: {  	[sflag:s15] =	ssyncset.done $0x0  }
0x151: {  	[sflag:s15] =	ssyncadd.s32 $0xFFFFD800  }
0x152: {  	_ =	swait.ge [sflag:s25], $0x2800  }
0x153: {  	[sflag:s25] =	ssyncset.done $0x0  }
0x154: {  	[sflag:s25] =	ssyncadd.s32 $0xFFFFD800  }
0x155: {  	[tilespmem:s22], [sflag:$0x1] =	stream.indirect.gather [hbm4b:s1+s21], $0x80, s31, s21, $0xb8;
	[tilespmem:$0x1E400] =	vst v63  }
0x156: {  	s14 =	simm.s32 $0xC80  }
0x157: {  	[spmem:s2] =	stream.indirect.scatter.add.f32 [tilespmem:s24], [sflag:$0x3], $0x80, s14, s21, $0xb8;
	[tilespmem:$0x1E400] =	vst v63  }
0x158: {  	_ =	swait.ge [sflag:s15], $0x2800  }
0x159: {  	[sflag:s15] =	ssyncset.done $0x0  }
0x15a: {  	[sflag:s15] =	ssyncadd.s32 $0xFFFFD800  }
0x15b: {  	_ =	swait.ge [sflag:s23], $0x2800  }
0x15c: {  	[sflag:s23] =	ssyncset.done $0x0  }
0x15d: {  	[sflag:s23] =	ssyncadd.s32 $0xFFFFD800  }
0x15e: {  	[tilespmem:s24], [sflag:$0x2] =	stream.indirect.gather [hbm4b:s1+s21], $0x80, s3, s21, $0xb8;
	[tilespmem:$0x1E400] =	vst v63  }
0x15f: {  	_ = 	snop  }
0x160: {  	[spmem:s2] =	stream.indirect.scatter.add.f32 [tilespmem:s22], [sflag:$0x3], $0x80, s6, s21, $0xb8;
	[tilespmem:$0x1E400] =	vst v63  }
0x161: {  	_ =	swait.ge [sflag:s15], $0x2800  }
0x162: {  	[sflag:s15] =	ssyncset.done $0x0  }
0x163: {  	[sflag:s15] =	ssyncadd.s32 $0xFFFFD800  }
0x164: {  	_ =	swait.ge [sflag:s25], $0x2800  }
0x165: {  	[sflag:s25] =	ssyncset.done $0x0  }
0x166: {  	[sflag:s25] =	ssyncadd.s32 $0xFFFFD800  }
0x167: {  	[tilespmem:s22], [sflag:$0x1] =	stream.indirect.gather [hbm4b:s1+s21], $0x80, s7, s21, $0xb8;
	[tilespmem:$0x1E400] =	vst v63  }
0x168: {  	_ = 	snop  }
0x169: {  	[spmem:s2] =	stream.indirect.scatter.add.f32 [tilespmem:s24], [sflag:$0x3], $0x80, s8, s21, $0xb8;
	[tilespmem:$0x1E400] =	vst v63  }
0x16a: {  	_ =	swait.ge [sflag:s15], $0x2800  }
0x16b: {  	[sflag:s15] =	ssyncset.done $0x0  }
0x16c: {  	[sflag:s15] =	ssyncadd.s32 $0xFFFFD800  }
0x16d: {  	_ =	swait.ge [sflag:s23], $0x2800  }
0x16e: {  	[sflag:s23] =	ssyncset.done $0x0  }
0x16f: {  	[sflag:s23] =	ssyncadd.s32 $0xFFFFD800  }
0x170: {  	[tilespmem:s24], [sflag:$0x2] =	stream.indirect.gather [hbm4b:s1+s21], $0x80, s13, s21, $0xb8;
	[tilespmem:$0x1E400] =	vst v63  }
0x171: {  	_ = 	snop  }
0x172: {  	[spmem:s2] =	stream.indirect.scatter.add.f32 [tilespmem:s22], [sflag:$0x3], $0x80, s9, s21, $0xb8;
	[tilespmem:$0x1E400] =	vst v63  }
0x173: {  	_ =	swait.ge [sflag:s15], $0x2800  }
0x174: {  	[sflag:s15] =	ssyncset.done $0x0  }
0x175: {  	[sflag:s15] =	ssyncadd.s32 $0xFFFFD800  }
0x176: {  	_ =	swait.ge [sflag:s25], $0x2800  }
0x177: {  	[sflag:s25] =	ssyncset.done $0x0  }
0x178: {  	[sflag:s25] =	ssyncadd.s32 $0xFFFFD800  }
0x179: {  	[tilespmem:s22], [sflag:$0x1] =	stream.indirect.gather [hbm4b:s1+s21], $0x80, s10, s21, $0xb8;
	[tilespmem:$0x1E400] =	vst v63  }
0x17a: {  	_ = 	snop  }
0x17b: {  	[spmem:s2] =	stream.indirect.scatter.add.f32 [tilespmem:s24], [sflag:$0x3], $0x80, s11, s21, $0xb8;
	[tilespmem:$0x1E400] =	vst v63  }
0x17c: {  	_ =	swait.ge [sflag:s15], $0x2800  }
0x17d: {  	[sflag:s15] =	ssyncset.done $0x0  }
0x17e: {  	[sflag:s15] =	ssyncadd.s32 $0xFFFFD800  }
0x17f: {  	_ =	swait.ge [sflag:s23], $0x2800  }
0x180: {  	[sflag:s23] =	ssyncset.done $0x0  }
0x181: {  	[sflag:s23] =	ssyncadd.s32 $0xFFFFD800  }
0x182: {  	[tilespmem:s24], [sflag:$0x2] =	stream.indirect.gather [hbm4b:s1+s21], $0x80, s16, s21, $0xb8;
	[tilespmem:$0x1E400] =	vst v63  }
0x183: {  	_ = 	snop  }
0x184: {  	[spmem:s2] =	stream.indirect.scatter.add.f32 [tilespmem:s22], [sflag:$0x3], $0x80, s17, s21, $0xb8;
	[tilespmem:$0x1E400] =	vst v63  }
0x185: {  	_ =	swait.ge [sflag:s15], $0x2800  }
0x186: {  	[sflag:s15] =	ssyncset.done $0x0  }
0x187: {  	[sflag:s15] =	ssyncadd.s32 $0xFFFFD800  }
0x188: {  	p0 =	sne.s32 s18, $0x700;
	_ =	swait.ge [sflag:s25], $0x2800  }
.Ltmp2:
0x189: {  	[sflag:s25] =	ssyncset.done $0x0;
	(pc) =	sbr.rel @p0 .LBB2_6-.Ltmp2, $4  }
0x18a: {  	[sflag:s25] =	ssyncadd.s32 $0xFFFFD800  }
0x18b: {  	[spmem:s2] =	stream.indirect.scatter.add.f32 [tilespmem:s24], [sflag:$0x3], $0x80, s26, s21, $0xb8;
	[tilespmem:$0x1E400] =	vst v63  }
0x18c: {  	_ =	swait.ge [sflag:s15], $0x2800  }
0x18d: {  	s18 =	sadd.s32 $0x100, s18;
	s14 =	rddreg [dreg:$0x5];
	[sflag:s15] =	ssyncset.done $0x0  }
0x18e: {  	[sflag:s15] =	ssyncadd.s32 $0xFFFFD800;
	s12 =	sadd.s32 s19, s14  }
0x18f: {  	[tilespmem:s4], [sflag:$0x3] =	stream.linear.gather [hbm4b:s12+s4], $0x800, $0x38;
	[tilespmem:$0x1E400] =	vst v63  }
0x190: {  	_ =	swait.ge [sflag:s15], $0x800  }
0x191: {  	s14 =	rddreg [dreg:$0x4];
	[sflag:s15] =	ssyncset.done $0x0  }
0x192: {  	[sflag:s15] =	ssyncadd.s32 $0xFFFFF800;
	s12 =	sadd.s32 s19, s14  }
0x193: {  	[tilespmem:s20], [sflag:$0x3] =	stream.linear.gather [hbm4b:s12+s4], $0x800, $0x38;
	[tilespmem:$0x1E400] =	vst v63  }
0x194: {  	_ =	swait.ge [sflag:s15], $0x800  }
0x195: {  	[sflag:s15] =	ssyncset.done $0x0  }
0x196: {  	[sflag:s15] =	ssyncadd.s32 $0xFFFFF800  }
0x197: {  	[tilespmem:s22], [sflag:$0x1] =	stream.indirect.gather [hbm4b:s1+s21], $0x80, s4, s21, $0xb8;
	[tilespmem:$0x1E400] =	vst v63  }
0x198: {  	_ =	swait.ge [sflag:s23], $0x2800  }
0x199: {  	[sflag:s23] =	ssyncset.done $0x0  }
0x19a: {  	s0 =	simm.s32 $0x80;
	[sflag:s23] =	ssyncadd.s32 $0xFFFFD800  }
0x19b: {  	[tilespmem:s24], [sflag:$0x2] =	stream.indirect.gather [hbm4b:s1+s21], $0x80, s0, s21, $0xb8;
	[tilespmem:$0x1E400] =	vst v63  }
0x19c: {  	_ = 	snop  }
0x19d: {  	[spmem:s2] =	stream.indirect.scatter.add.f32 [tilespmem:s22], [sflag:$0x3], $0x80, s20, s21, $0xb8;
	[tilespmem:$0x1E400] =	vst v63  }
0x19e: {  	_ =	swait.ge [sflag:s15], $0x2800  }
0x19f: {  	[sflag:s15] =	ssyncset.done $0x0  }
0x1a0: {  	[sflag:s15] =	ssyncadd.s32 $0xFFFFD800  }
0x1a1: {  	_ =	swait.ge [sflag:s25], $0x2800  }
0x1a2: {  	[sflag:s25] =	ssyncset.done $0x0  }
0x1a3: {  	s18 =	rddreg [dreg:$0x6];
	[sflag:s25] =	ssyncadd.s32 $0xFFFFD800  }
0x1a4: {  	[tilespmem:s22], [sflag:$0x1] =	stream.indirect.gather [hbm4b:s1+s21], $0x80, s18, s21, $0xb8;
	[tilespmem:$0x1E400] =	vst v63  }
0x1a5: {  	s19 =	rddreg [dreg:$0x7]  }
0x1a6: {  	[spmem:s2] =	stream.indirect.scatter.add.f32 [tilespmem:s24], [sflag:$0x3], $0x80, s19, s21, $0xb8;
	[tilespmem:$0x1E400] =	vst v63  }
0x1a7: {  	_ =	swait.ge [sflag:s15], $0x2800  }
0x1a8: {  	[sflag:s15] =	ssyncset.done $0x0  }
0x1a9: {  	[sflag:s15] =	ssyncadd.s32 $0xFFFFD800  }
0x1aa: {  	_ =	swait.ge [sflag:s23], $0x2800  }
0x1ab: {  	[sflag:s23] =	ssyncset.done $0x0  }
0x1ac: {  	s18 =	rddreg [dreg:$0x8];
	[sflag:s23] =	ssyncadd.s32 $0xFFFFD800  }
0x1ad: {  	[tilespmem:s24], [sflag:$0x2] =	stream.indirect.gather [hbm4b:s1+s21], $0x80, s18, s21, $0xb8;
	[tilespmem:$0x1E400] =	vst v63  }
0x1ae: {  	s19 =	rddreg [dreg:$0x9]  }
0x1af: {  	[spmem:s2] =	stream.indirect.scatter.add.f32 [tilespmem:s22], [sflag:$0x3], $0x80, s19, s21, $0xb8;
	[tilespmem:$0x1E400] =	vst v63  }
0x1b0: {  	_ =	swait.ge [sflag:s15], $0x2800  }
0x1b1: {  	[sflag:s15] =	ssyncset.done $0x0  }
0x1b2: {  	[sflag:s15] =	ssyncadd.s32 $0xFFFFD800  }
0x1b3: {  	_ =	swait.ge [sflag:s25], $0x2800  }
0x1b4: {  	[sflag:s25] =	ssyncset.done $0x0  }
0x1b5: {  	s18 =	rddreg [dreg:$0xa];
	[sflag:s25] =	ssyncadd.s32 $0xFFFFD800  }
0x1b6: {  	[tilespmem:s22], [sflag:$0x1] =	stream.indirect.gather [hbm4b:s1+s21], $0x80, s18, s21, $0xb8;
	[tilespmem:$0x1E400] =	vst v63  }
0x1b7: {  	s19 =	rddreg [dreg:$0xb]  }
0x1b8: {  	[spmem:s2] =	stream.indirect.scatter.add.f32 [tilespmem:s24], [sflag:$0x3], $0x80, s19, s21, $0xb8;
	[tilespmem:$0x1E400] =	vst v63  }
0x1b9: {  	_ =	swait.ge [sflag:s15], $0x2800  }
0x1ba: {  	[sflag:s15] =	ssyncset.done $0x0  }
0x1bb: {  	[sflag:s15] =	ssyncadd.s32 $0xFFFFD800  }
0x1bc: {  	_ =	swait.ge [sflag:s23], $0x2800  }
0x1bd: {  	[sflag:s23] =	ssyncset.done $0x0  }
0x1be: {  	s18 =	rddreg [dreg:$0xc];
	[sflag:s23] =	ssyncadd.s32 $0xFFFFD800  }
0x1bf: {  	[tilespmem:s24], [sflag:$0x2] =	stream.indirect.gather [hbm4b:s1+s21], $0x80, s18, s21, $0xb8;
	[tilespmem:$0x1E400] =	vst v63  }
0x1c0: {  	s19 =	rddreg [dreg:$0xd]  }
0x1c1: {  	[spmem:s2] =	stream.indirect.scatter.add.f32 [tilespmem:s22], [sflag:$0x3], $0x80, s19, s21, $0xb8;
	[tilespmem:$0x1E400] =	vst v63  }
0x1c2: {  	_ =	swait.ge [sflag:s15], $0x2800  }
0x1c3: {  	[sflag:s15] =	ssyncset.done $0x0  }
0x1c4: {  	[sflag:s15] =	ssyncadd.s32 $0xFFFFD800  }
0x1c5: {  	_ =	swait.ge [sflag:s25], $0x2800  }
0x1c6: {  	[sflag:s25] =	ssyncset.done $0x0  }
0x1c7: {  	s18 =	rddreg [dreg:$0xe];
	[sflag:s25] =	ssyncadd.s32 $0xFFFFD800  }
0x1c8: {  	[tilespmem:s22], [sflag:$0x1] =	stream.indirect.gather [hbm4b:s1+s21], $0x80, s18, s21, $0xb8;
	[tilespmem:$0x1E400] =	vst v63  }
0x1c9: {  	s19 =	rddreg [dreg:$0xf]  }
0x1ca: {  	[spmem:s2] =	stream.indirect.scatter.add.f32 [tilespmem:s24], [sflag:$0x3], $0x80, s19, s21, $0xb8;
	[tilespmem:$0x1E400] =	vst v63  }
0x1cb: {  	_ =	swait.ge [sflag:s15], $0x2800  }
0x1cc: {  	[sflag:s15] =	ssyncset.done $0x0  }
0x1cd: {  	[sflag:s15] =	ssyncadd.s32 $0xFFFFD800  }
0x1ce: {  	_ =	swait.ge [sflag:s23], $0x2800  }
0x1cf: {  	[sflag:s23] =	ssyncset.done $0x0  }
0x1d0: {  	s18 =	rddreg [dreg:$0x10];
	[sflag:s23] =	ssyncadd.s32 $0xFFFFD800  }
0x1d1: {  	[tilespmem:s24], [sflag:$0x2] =	stream.indirect.gather [hbm4b:s1+s21], $0x80, s18, s21, $0xb8;
	[tilespmem:$0x1E400] =	vst v63  }
0x1d2: {  	s19 =	rddreg [dreg:$0x11]  }
0x1d3: {  	[spmem:s2] =	stream.indirect.scatter.add.f32 [tilespmem:s22], [sflag:$0x3], $0x80, s19, s21, $0xb8;
	[tilespmem:$0x1E400] =	vst v63  }
0x1d4: {  	_ =	swait.ge [sflag:s15], $0x2800  }
0x1d5: {  	[sflag:s15] =	ssyncset.done $0x0  }
0x1d6: {  	[sflag:s15] =	ssyncadd.s32 $0xFFFFD800  }
0x1d7: {  	_ =	swait.ge [sflag:s25], $0x2800  }
0x1d8: {  	[sflag:s25] =	ssyncset.done $0x0  }
0x1d9: {  	s18 =	rddreg [dreg:$0x12];
	[sflag:s25] =	ssyncadd.s32 $0xFFFFD800  }
0x1da: {  	[tilespmem:s22], [sflag:$0x1] =	stream.indirect.gather [hbm4b:s1+s21], $0x80, s18, s21, $0xb8;
	[tilespmem:$0x1E400] =	vst v63  }
0x1db: {  	_ = 	snop  }
0x1dc: {  	[spmem:s2] =	stream.indirect.scatter.add.f32 [tilespmem:s24], [sflag:$0x3], $0x80, s28, s21, $0xb8;
	[tilespmem:$0x1E400] =	vst v63  }
0x1dd: {  	_ =	swait.ge [sflag:s15], $0x2800  }
0x1de: {  	[sflag:s15] =	ssyncset.done $0x0  }
0x1df: {  	[sflag:s15] =	ssyncadd.s32 $0xFFFFD800  }
0x1e0: {  	_ =	swait.ge [sflag:s23], $0x2800  }
0x1e1: {  	[sflag:s23] =	ssyncset.done $0x0  }
0x1e2: {  	[sflag:s23] =	ssyncadd.s32 $0xFFFFD800  }
0x1e3: {  	[tilespmem:s24], [sflag:$0x2] =	stream.indirect.gather [hbm4b:s1+s21], $0x80, s29, s21, $0xb8;
	[tilespmem:$0x1E400] =	vst v63  }
0x1e4: {  	_ = 	snop  }
0x1e5: {  	[spmem:s2] =	stream.indirect.scatter.add.f32 [tilespmem:s22], [sflag:$0x3], $0x80, s30, s21, $0xb8;
	[tilespmem:$0x1E400] =	vst v63  }
0x1e6: {  	_ =	swait.ge [sflag:s15], $0x2800  }
0x1e7: {  	[sflag:s15] =	ssyncset.done $0x0  }
0x1e8: {  	[sflag:s15] =	ssyncadd.s32 $0xFFFFD800  }
0x1e9: {  	_ =	swait.ge [sflag:s25], $0x2800  }
0x1ea: {  	[sflag:s25] =	ssyncset.done $0x0  }
0x1eb: {  	[sflag:s25] =	ssyncadd.s32 $0xFFFFD800  }
0x1ec: {  	[tilespmem:s22], [sflag:$0x1] =	stream.indirect.gather [hbm4b:s1+s21], $0x80, s31, s21, $0xb8;
	[tilespmem:$0x1E400] =	vst v63  }
0x1ed: {  	s19 =	simm.s32 $0xC80  }
0x1ee: {  	[spmem:s2] =	stream.indirect.scatter.add.f32 [tilespmem:s24], [sflag:$0x3], $0x80, s19, s21, $0xb8;
	[tilespmem:$0x1E400] =	vst v63  }
0x1ef: {  	_ =	swait.ge [sflag:s15], $0x2800  }
0x1f0: {  	[sflag:s15] =	ssyncset.done $0x0  }
0x1f1: {  	[sflag:s15] =	ssyncadd.s32 $0xFFFFD800  }
0x1f2: {  	_ =	swait.ge [sflag:s23], $0x2800  }
0x1f3: {  	[sflag:s23] =	ssyncset.done $0x0  }
0x1f4: {  	[sflag:s23] =	ssyncadd.s32 $0xFFFFD800  }
0x1f5: {  	[tilespmem:s24], [sflag:$0x2] =	stream.indirect.gather [hbm4b:s1+s21], $0x80, s3, s21, $0xb8;
	[tilespmem:$0x1E400] =	vst v63  }
0x1f6: {  	_ = 	snop  }
0x1f7: {  	[spmem:s2] =	stream.indirect.scatter.add.f32 [tilespmem:s22], [sflag:$0x3], $0x80, s6, s21, $0xb8;
	[tilespmem:$0x1E400] =	vst v63  }
0x1f8: {  	_ =	swait.ge [sflag:s15], $0x2800  }
0x1f9: {  	[sflag:s15] =	ssyncset.done $0x0  }
0x1fa: {  	[sflag:s15] =	ssyncadd.s32 $0xFFFFD800  }
0x1fb: {  	_ =	swait.ge [sflag:s25], $0x2800  }
0x1fc: {  	[sflag:s25] =	ssyncset.done $0x0  }
0x1fd: {  	[sflag:s25] =	ssyncadd.s32 $0xFFFFD800  }
0x1fe: {  	[tilespmem:s22], [sflag:$0x1] =	stream.indirect.gather [hbm4b:s1+s21], $0x80, s7, s21, $0xb8;
	[tilespmem:$0x1E400] =	vst v63  }
0x1ff: {  	_ = 	snop  }
0x200: {  	[spmem:s2] =	stream.indirect.scatter.add.f32 [tilespmem:s24], [sflag:$0x3], $0x80, s8, s21, $0xb8;
	[tilespmem:$0x1E400] =	vst v63  }
0x201: {  	_ =	swait.ge [sflag:s15], $0x2800  }
0x202: {  	[sflag:s15] =	ssyncset.done $0x0  }
0x203: {  	[sflag:s15] =	ssyncadd.s32 $0xFFFFD800  }
0x204: {  	_ =	swait.ge [sflag:s23], $0x2800  }
0x205: {  	[sflag:s23] =	ssyncset.done $0x0  }
0x206: {  	[sflag:s23] =	ssyncadd.s32 $0xFFFFD800  }
0x207: {  	[tilespmem:s24], [sflag:$0x2] =	stream.indirect.gather [hbm4b:s1+s21], $0x80, s13, s21, $0xb8;
	[tilespmem:$0x1E400] =	vst v63  }
0x208: {  	_ = 	snop  }
0x209: {  	[spmem:s2] =	stream.indirect.scatter.add.f32 [tilespmem:s22], [sflag:$0x3], $0x80, s9, s21, $0xb8;
	[tilespmem:$0x1E400] =	vst v63  }
0x20a: {  	_ =	swait.ge [sflag:s15], $0x2800  }
0x20b: {  	[sflag:s15] =	ssyncset.done $0x0  }
0x20c: {  	[sflag:s15] =	ssyncadd.s32 $0xFFFFD800  }
0x20d: {  	_ =	swait.ge [sflag:s25], $0x2800  }
0x20e: {  	[sflag:s25] =	ssyncset.done $0x0  }
0x20f: {  	[sflag:s25] =	ssyncadd.s32 $0xFFFFD800  }
0x210: {  	[tilespmem:s22], [sflag:$0x1] =	stream.indirect.gather [hbm4b:s1+s21], $0x80, s10, s21, $0xb8;
	[tilespmem:$0x1E400] =	vst v63  }
0x211: {  	_ = 	snop  }
0x212: {  	[spmem:s2] =	stream.indirect.scatter.add.f32 [tilespmem:s24], [sflag:$0x3], $0x80, s11, s21, $0xb8;
	[tilespmem:$0x1E400] =	vst v63  }
0x213: {  	_ =	swait.ge [sflag:s15], $0x2800  }
0x214: {  	[sflag:s15] =	ssyncset.done $0x0  }
0x215: {  	[sflag:s15] =	ssyncadd.s32 $0xFFFFD800  }
0x216: {  	_ =	swait.ge [sflag:s23], $0x2800  }
0x217: {  	[sflag:s23] =	ssyncset.done $0x0  }
0x218: {  	[sflag:s23] =	ssyncadd.s32 $0xFFFFD800  }
0x219: {  	[tilespmem:s24], [sflag:$0x2] =	stream.indirect.gather [hbm4b:s1+s21], $0x80, s16, s21, $0xb8;
	[tilespmem:$0x1E400] =	vst v63  }
0x21a: {  	_ = 	snop  }
0x21b: {  	[spmem:s2] =	stream.indirect.scatter.add.f32 [tilespmem:s22], [sflag:$0x3], $0x80, s17, s21, $0xb8;
	[tilespmem:$0x1E400] =	vst v63  }
0x21c: {  	_ =	swait.ge [sflag:s15], $0x2800  }
0x21d: {  	[sflag:s15] =	ssyncset.done $0x0  }
0x21e: {  	[sflag:s15] =	ssyncadd.s32 $0xFFFFD800  }
0x21f: {  	_ =	swait.ge [sflag:s25], $0x2800  }
0x220: {  	[sflag:s25] =	ssyncset.done $0x0  }
0x221: {  	[sflag:s25] =	ssyncadd.s32 $0xFFFFD800  }
0x222: {  	[spmem:s2] =	stream.indirect.scatter.add.f32 [tilespmem:s24], [sflag:$0x3], $0x80, s26, s21, $0xb8;
	[tilespmem:$0x1E400] =	vst v63  }
0x223: {  	_ =	swait.ge [sflag:s15], $0x2800  }
0x224: {  	[sflag:s15] =	ssyncset.done $0x0  }
0x225: {  	[sflag:s15] =	ssyncadd.s32 $0xFFFFD800  }
0x226: {  	s14 =	simm.s32 $0x6400;
	s26 =	simm.s32 $0x6000;
	[bflag:$0x0] =	sbarrier.arrive $0xFFFF  }
0x227: {  	[tilespmem:s14], [sflag:$0x3] =	stream.indirect.gather [spmem:s2], $0x80, s26, s0, $0xb8;
	[tilespmem:$0x1E400] =	vst v63  }
0x228: {  	_ =	swait.ge [sflag:s15], $0x4000  }
0x229: {  	[sflag:s15] =	ssyncset.done $0x0  }
0x22a: {  	s28 =	rddreg [dreg:$0x14];
	[sflag:s15] =	ssyncadd.s32 $0xFFFFC000  }
0x22b: {  	[hbm4b:s28+s4] =	stream.linear.scatter [tilespmem:s14], [sflag:$0x3], $0x4000, $0x38;
	[tilespmem:$0x1E400] =	vst v63  }
0x22c: {  	_ =	swait.ge [sflag:s15], $0x4000  }
0x22d: {  	[sflag:s15] =	ssyncset.done $0x0  }
0x22e: {  	s3 =	simm.s32 $0x6080;
	[sflag:s15] =	ssyncadd.s32 $0xFFFFC000  }
0x22f: {  	[tilespmem:s14], [sflag:$0x3] =	stream.indirect.gather [spmem:s2], $0x80, s3, s0, $0xb8;
	[tilespmem:$0x1E400] =	vst v63  }
0x230: {  	_ =	swait.ge [sflag:s15], $0x4000  }
0x231: {  	[sflag:s15] =	ssyncset.done $0x0  }
0x232: {  	s18 =	rddreg [dreg:$0x15];
	[sflag:s15] =	ssyncadd.s32 $0xFFFFC000  }
0x233: {  	[hbm4b:s18+s4] =	stream.linear.scatter [tilespmem:s14], [sflag:$0x3], $0x4000, $0x38;
	[tilespmem:$0x1E400] =	vst v63  }
0x234: {  	_ =	swait.ge [sflag:s15], $0x4000  }
0x235: {  	[sflag:s15] =	ssyncset.done $0x0  }
0x236: {  	s19 =	simm.s32 $0x6100;
	[sflag:s15] =	ssyncadd.s32 $0xFFFFC000  }
0x237: {  	[tilespmem:s14], [sflag:$0x3] =	stream.indirect.gather [spmem:s2], $0x80, s19, s0, $0xb8;
	[tilespmem:$0x1E400] =	vst v63  }
0x238: {  	_ =	swait.ge [sflag:s15], $0x4000  }
0x239: {  	[sflag:s15] =	ssyncset.done $0x0  }
0x23a: {  	s26 =	rddreg [dreg:$0x16];
	[sflag:s15] =	ssyncadd.s32 $0xFFFFC000  }
0x23b: {  	[hbm4b:s26+s4] =	stream.linear.scatter [tilespmem:s14], [sflag:$0x3], $0x4000, $0x38;
	[tilespmem:$0x1E400] =	vst v63  }
0x23c: {  	_ =	swait.ge [sflag:s15], $0x4000  }
0x23d: {  	[sflag:s15] =	ssyncset.done $0x0  }
0x23e: {  	s28 =	simm.s32 $0x6180;
	[sflag:s15] =	ssyncadd.s32 $0xFFFFC000  }
0x23f: {  	[tilespmem:s14], [sflag:$0x3] =	stream.indirect.gather [spmem:s2], $0x80, s28, s0, $0xb8;
	[tilespmem:$0x1E400] =	vst v63  }
0x240: {  	_ =	swait.ge [sflag:s15], $0x4000  }
0x241: {  	[sflag:s15] =	ssyncset.done $0x0  }
0x242: {  	s3 =	rddreg [dreg:$0x17];
	[sflag:s15] =	ssyncadd.s32 $0xFFFFC000  }
0x243: {  	[hbm4b:s3+s4] =	stream.linear.scatter [tilespmem:s14], [sflag:$0x3], $0x4000, $0x38;
	[tilespmem:$0x1E400] =	vst v63  }
0x244: {  	_ =	swait.ge [sflag:s15], $0x4000  }
0x245: {  	[sflag:s15] =	ssyncset.done $0x0  }
0x246: {  	s18 =	simm.s32 $0x6200;
	[sflag:s15] =	ssyncadd.s32 $0xFFFFC000  }
0x247: {  	[tilespmem:s14], [sflag:$0x3] =	stream.indirect.gather [spmem:s2], $0x80, s18, s0, $0xb8;
	[tilespmem:$0x1E400] =	vst v63  }
0x248: {  	_ =	swait.ge [sflag:s15], $0x4000  }
0x249: {  	[sflag:s15] =	ssyncset.done $0x0  }
0x24a: {  	s19 =	rddreg [dreg:$0x18];
	[sflag:s15] =	ssyncadd.s32 $0xFFFFC000  }
0x24b: {  	[hbm4b:s19+s4] =	stream.linear.scatter [tilespmem:s14], [sflag:$0x3], $0x4000, $0x38;
	[tilespmem:$0x1E400] =	vst v63  }
0x24c: {  	_ =	swait.ge [sflag:s15], $0x4000  }
0x24d: {  	s26 =	rddreg [dreg:$0x19]  }
0x24e: {  	s28 =	rddreg [dreg:$0x13];
	s0 =	sadd.s32 $0x1, s26  }
0x24f: {  	p0 =	sne.s32 s0, s28  }
.Ltmp3:
0x250: {  	_ = 	snop;
	(pc) =	sbr.rel @p0 .LBB2_1-.Ltmp3, $3  }
0x251: {  	_ =	sdelay $0x1  }
0x252: {  	[sflag:s15] =	ssyncset.done $0x0  }
0x253: {  	[sflag:s15] =	ssyncadd.s32 $0xFFFFC000  }
0x254: {  	_ =	sfence.sel $0x180000  }
0x255: {  	[bflag:$0x0] =	sbarrier.arrive $0xFFFF  }
0x256: {  	_ =	strace $0x9000004A  }
0x257: {  	s0 =	stileid.u32;
	[bflag:$0x2] =	sbarrier.arrive $0xFFFF  }
0x258: {  	p0 =	sne.s32 s0, $0x0;
	s0 =	rddreg [dreg:$0x3]  }
0x259: {  	s0 =	sadd.s32 @!p0 $0x100000, s0  }
0x25a: {  	[sflag:s0] =	ssyncadd.tile.s32 @!p0 $0x1;
	_ =	shalt  }
.Lfunc_end2:
_tile_overlayer_lowered:
.L_overlay_start_2:
0x25b: {  	(tag) =	ssettag $0x2  }
0x25c: {  	s0 =	rddreg [dreg:$0x0];
	s2 =	stileid.u32  }
0x25d: {  	s1 =	rddreg [dreg:$0x1];
	p0 =	sne.s32 s2, $0x0  }
0x25e: {  	s3 =	rddreg [dreg:$0x2];
	[bflag:$0x3] =	sbarrier.arrive $0xFFFF;
	s2 =	simm.s32 @!p0 $0x1C03  }
0x25f: {  	[timem:s3], [sflag:s2] =	dma.local @!p0 [hbm:s0], s1  }
0x260: {  	s0 =	simm.s32 @!p0 $0x3  }
0x261: {  	_ =	swait.ge @!p0 [sflag:s0], s1  }
0x262: {  	s1 =	ssub.s32 @!p0 $0x0, s1;
	[sflag:s0] =	ssyncset.done @!p0 $0x0  }
0x263: {  	[sflag:s0] =	ssyncadd.s32 @!p0 s1  }
0x264: {  	[bflag:$0x3] =	sbarrier.arrive $0xFFFF  }
0x265: {  	_ =	shalt  }

// kernel: kernel.15.cloned.1.call-start
scs
__scs_entry_jumppad:
0x0: {  	(pc) =	sbr.rel $0x88, $3  }
0x1: {  	(tag) =	ssettag $0x0;
	lr =	simm.s32 $0x1  }
0x2: {  	[smem:$0x3F9B] =	sst lr;
	_ =	strace $0xD0000000  }
0x3: {  	_ = 	snop  }
0x4: {  	_ = 	snop  }
0x5: {  	_ = 	snop  }
0x6: {  	_ = 	snop  }
0x7: {  	_ = 	snop  }
__scs_overlays_trampoline_lowered:
0x8: {  	[smem:$0x3FAA] =	sst s0  }
0x9: {  	[smem:$0x3FAB] =	sst s1  }
0xa: {  	[smem:$0x3FAC] =	sst s2  }
0xb: {  	[smem:$0x3FAD] =	sst s3  }
0xc: {  	[smem:$0x3FAE] =	sst s4  }
0xd: {  	[smem:$0x3FAF] =	sst s5  }
0xe: {  	[smem:$0x3FB0] =	sst s6  }
0xf: {  	[smem:$0x3FB1] =	sst s7  }
0x10: {  	[smem:$0x3FB2] =	sst s8  }
0x11: {  	[smem:$0x3FB3] =	sst s9;
	s0 =	simm.s32 @!p0 $0x0  }
0x12: {  	s1 =	sld [smem:$0x3F99];
	s0 =	simm.s32 @p0 $0x1  }
0x13: {  	[smem:$0x3FB4] =	sst s0;
	s0 =	simm.s32 @!p1 $0x0  }
0x14: {  	s2 =	sld [smem:$0x3F98];
	s0 =	simm.s32 @p1 $0x1  }
0x15: {  	[smem:$0x3FB5] =	sst s0;
	s0 =	simm.s32 @!p2 $0x0  }
0x16: {  	s3 =	sld [smem:$0x3FDB];
	s0 =	simm.s32 @p2 $0x1  }
0x17: {  	s4 =	simm.s32 $0x1BF5;
	[smem:$0x3FB7] =	sst s0  }
0x18: {  	s0 =	sld [smem:$0x3F9A];
	_ =	swait.ge [sflag:s4], $0x0  }
0x19: {  	s7 =	sld [smem:$0x3F9B]  }
0x1a: {  	s8 =	sadd.s32 $0xFFFFE003, lr  }
0x1b: {  	s9 =	sadd.s32 $0xFFFFFEF7, lr;
	s5 =	simm.s32 $0xFFFFFFFF;
	p2 =	slt.u32 s8, $0xFFFFF086  }
0x1c: {  	p1 =	slt.u32 s9, $0xF7A;
	s5 =	simm.s32 @!p2 $0x0  }
0x1d: {  	s5 =	simm.s32 @p1 $0x1;
	p0 =	seq.s32 s7, s2  }
0x1e: {  	s7 =	smul.u32 @!p0 $0xF7A, s2;
	p2 =	seq.s32 @!p0 s5, $0x0  }
0x1f: {  	s9 =	smul.u32 $0xF7A, s1;
	s8 =	simm.s32 @!p0 $0x1BF5;
	p2 =	por !p2, p0  }
0x20: {  	[sflag:s8] =	ssyncset.s32 @!p0 $0xFFFFF086;
	s6 =	sadd.s32 @!p0 s3, s7;
	s7 =	simm.s32 @!p0 $0x108  }
0x21: {  	s3 =	sadd.s32 s3, s9;
	s6 =	sadd.s32 @!p0 $0x88, s6;
	s7 =	simm.s32 @p2 $0x1082  }
0x22: {  	[simem:s7], [sflag:s8] =	dma.local @!p0 [hbm:s6], $0xF7A  }
0x23: {  	s9 =	sor.u32 $0xD0000000, s2;
	s6 =	simm.s32 $0x108;
	_ =	swait.ge @!p0 [sflag:s8], $0x0  }
0x24: {  	s3 =	sadd.s32 $0x88, s3;
	s6 =	simm.s32 @!p1 $0x1082;
	[sflag:s4] =	ssyncset.s32 $0xFFFFF086  }
0x25: {  	[simem:s6], [sflag:s4] =	dma.local [hbm:s3], $0xF7A  }
0x26: {  	[smem:$0x3F9B] =	sst s1;
	(tag) =	ssettag s2;
	_ =	strace s9  }
0x27: {  	s1 =	sld [smem:$0x3FAB]  }
0x28: {  	s2 =	sld [smem:$0x3FAC]  }
0x29: {  	s4 =	sld [smem:$0x3FAE]  }
0x2a: {  	p0 =	seq.s32 s5, $0x0;
	s5 =	sld [smem:$0x3FAF]  }
0x2b: {  	s6 =	sld [smem:$0x3FB0]  }
0x2c: {  	s7 =	sld [smem:$0x3FB1]  }
0x2d: {  	s3 =	simm.s32 $0x108;
	s8 =	sld [smem:$0x3FB2]  }
0x2e: {  	s3 =	simm.s32 @!p0 $0x1082;
	s9 =	sld [smem:$0x3FB3]  }
0x2f: {  	lr =	sadd.s32 s0, s3;
	s0 =	sld [smem:$0x3FAA]  }
0x30: {  	s3 =	sld [smem:$0x3FAD]  }
0x31: {  	[smem:$0x3FB6] =	sst s10  }
0x32: {  	s10 =	sld [smem:$0x3FB4];
	_ =	sdelay $0x3  }
0x33: {  	p0 =	seq.s32 s10, $0x1;
	s10 =	sld [smem:$0x3FB6];
	_ =	sdelay $0x3  }
0x34: {  	[smem:$0x3FB6] =	sst s10  }
0x35: {  	s10 =	sld [smem:$0x3FB5];
	_ =	sdelay $0x3  }
0x36: {  	p1 =	seq.s32 s10, $0x1;
	s10 =	sld [smem:$0x3FB6];
	_ =	sdelay $0x3  }
0x37: {  	[smem:$0x3FB6] =	sst s10  }
0x38: {  	s10 =	sld [smem:$0x3FB7]  }
0x39: {  	_ = 	snop;
	(pc) =	sbr.ind lr, $3  }
0x3a: {  	_ = 	snop  }
0x3b: {  	_ = 	snop  }
0x3c: {  	p2 =	seq.s32 s10, $0x1;
	s10 =	sld [smem:$0x3FB6]  }
0x3d: {  	_ =	shalt  }
0x3e: {  	_ =	shalt  }
0x3f: {  	_ =	shalt  }
0x40: {  	_ =	shalt  }
0x41: {  	_ =	shalt  }
0x42: {  	_ =	shalt  }
0x43: {  	_ =	shalt  }
0x44: {  	_ =	shalt  }
0x45: {  	_ =	shalt  }
0x46: {  	_ =	shalt  }
0x47: {  	_ =	shalt  }
0x48: {  	_ =	shalt  }
0x49: {  	_ =	shalt  }
0x4a: {  	_ =	shalt  }
0x4b: {  	_ =	shalt  }
0x4c: {  	_ =	shalt  }
0x4d: {  	_ =	shalt  }
0x4e: {  	_ =	shalt  }
0x4f: {  	_ =	shalt  }
0x50: {  	_ =	shalt  }
0x51: {  	_ =	shalt  }
0x52: {  	_ =	shalt  }
0x53: {  	_ =	shalt  }
0x54: {  	_ =	shalt  }
0x55: {  	_ =	shalt  }
0x56: {  	_ =	shalt  }
0x57: {  	_ =	shalt  }
0x58: {  	_ =	shalt  }
0x59: {  	_ =	shalt  }
0x5a: {  	_ =	shalt  }
0x5b: {  	_ =	shalt  }
0x5c: {  	_ =	shalt  }
0x5d: {  	_ =	shalt  }
0x5e: {  	_ =	shalt  }
0x5f: {  	_ =	shalt  }
0x60: {  	_ =	shalt  }
0x61: {  	_ =	shalt  }
0x62: {  	_ =	shalt  }
0x63: {  	_ =	shalt  }
0x64: {  	_ =	shalt  }
0x65: {  	_ =	shalt  }
0x66: {  	_ =	shalt  }
0x67: {  	_ =	shalt  }
0x68: {  	_ =	shalt  }
0x69: {  	_ =	shalt  }
0x6a: {  	_ =	shalt  }
0x6b: {  	_ =	shalt  }
0x6c: {  	_ =	shalt  }
0x6d: {  	_ =	shalt  }
0x6e: {  	_ =	shalt  }
0x6f: {  	_ =	shalt  }
0x70: {  	_ =	shalt  }
0x71: {  	_ =	shalt  }
0x72: {  	_ =	shalt  }
0x73: {  	_ =	shalt  }
0x74: {  	_ =	shalt  }
0x75: {  	_ =	shalt  }
0x76: {  	_ =	shalt  }
0x77: {  	_ =	shalt  }
0x78: {  	_ =	shalt  }
0x79: {  	_ =	shalt  }
0x7a: {  	_ =	shalt  }
0x7b: {  	_ =	shalt  }
0x7c: {  	_ =	shalt  }
0x7d: {  	_ =	shalt  }
0x7e: {  	_ =	shalt  }
0x7f: {  	_ =	shalt  }
0x80: {  	_ =	shalt  }
0x81: {  	_ =	shalt  }
0x82: {  	_ =	shalt  }
0x83: {  	_ =	shalt  }
0x84: {  	_ =	shalt  }
0x85: {  	_ =	shalt  }
0x86: {  	_ =	shalt  }
0x87: {  	_ =	shalt  }
.Lfunc_end0:
.L_simem_size_0:
called_computation.2_lowered:
.L_overlay_start_0:
0x88: {  	s2 =	sld [smem:$0x3FD9]  }
0x89: {  	s3 =	sld [smem:$0x3FFE];
	_ =	sdelay $0x1  }
0x8a: {  	s1 =	srdreg.scid  }
0x8b: {  	s0 =	sand.u32 $0x1, s1  }
0x8c: {  	s17 =	sshll.u32 s0, $0xA;
	s2 =	sadd.s32 s3, s2  }
0x8d: {  	s2 =	sadd.s32 s2, s17  }
0x8e: {  	[smem:$0x3FC2] =	sst s2  }
0x8f: {  	_ = 	snop  }
0x90: {  	s2 =	sld [smem:$0x3FD0];
	(tm) =	ssettm $0x1  }
0x91: {  	s18 =	sld [smem:$0x3FFB];
	_ =	sdelay $0x3  }
0x92: {  	_ =	strace s18  }
0x93: {  	s3 =	sld [smem:$0x3FFC];
	_ =	sdelay $0x3  }
0x94: {  	_ =	strace s3  }
0x95: {  	s3 =	sld [smem:$0x3FFD];
	_ =	sdelay $0x3  }
0x96: {  	_ =	strace s3  }
0x97: {  	_ =	strace $0x8FFFFFFF  }
0x98: {  	s19 =	sld [smem:$0x3FDB];
	_ =	sdelay $0x1  }
0x99: {  	s4 =	simm.s32 $_scs_section_size  }
0x9a: {  	s5 =	simm.s32 $_size__tile_overlayer_lowered;
	s6 =	simm.s32 $_tile_overlayer_lowered  }
0x9b: {  	s22 =	simm.s32 $0x1BFF;
	s21 =	sshll.u32 s6, $0x1;
	s3 =	sadd.s32 s4, s19  }
0x9c: {  	s7 =	simm.s32 $0x0;
	s20 =	sshll.u32 s5, $0x1;
	s5 =	sadd.s32 s21, s3  }
0x9d: {  	[timem:s7], [sflag:s22] =	dma.local [hbm:s5], s20  }
0x9e: {  	_ =	swait.ge [sflag:s22], s20  }
0x9f: {  	s4 =	ssub.s32 $0x0, s20;
	[sflag:s22] =	ssyncset.done $0x0  }
0xa0: {  	[sflag:s22] =	ssyncadd.s32 s4;
	_ =	sdelay $0x1  }
0xa1: {  	s23 =	simm.s32 $0x1B8B  }
0xa2: {  	_ =	swait.ge [sflag:s23], $0x1  }
0xa3: {  	[sflag:s23] =	ssyncset.done $0x0  }
0xa4: {  	s25 =	simm.s32 $0x1B8E;
	s24 =	sld [smem:$0x3FFE];
	[sflag:s23] =	ssyncadd.s32 $0xFFFFFFFF  }
0xa5: {  	s26 =	simm.s32 $execute0_lowered;
	[smem:$0x3FD2] =	sst s25  }
0xa6: {  	s5 =	sshll.u32 s26, $0x1;
	_ =	strace $0x8000004C;
	[dreg:$0x1] =	wrdreg $0xFFFFFFFF  }
0xa7: {  	s28 =	simm.s32 $_size_execute0_lowered;
	s3 =	sadd.s32 s3, s5;
	[dreg:$0x0] =	wrdreg $0x0  }
0xa8: {  	s5 =	sshll.u32 s28, $0x1;
	[dreg:$0x2] =	wrdreg s3  }
0xa9: {  	[dreg:$0x3] =	wrdreg s5  }
0xaa: {  	[dreg:$0x4] =	wrdreg $0xC0  }
0xab: {  	_ =	task [dreg:s7], $0x5FFFF  }
0xac: {  	[dreg:$0x1] =	wrdreg $0xFFFFFFFF  }
0xad: {  	[dreg:$0x0] =	wrdreg $0x60  }
0xae: {  	[dreg:$0x2] =	wrdreg s2  }
0xaf: {  	[dreg:$0x3] =	wrdreg s24  }
0xb0: {  	[dreg:$0x4] =	wrdreg $0xA4000  }
0xb1: {  	[dreg:$0x5] =	wrdreg $0x9  }
0xb2: {  	_ =	task.clear_ibuf [dreg:s7], $0x6FFFF;
	_ =	strace $0x9000004C  }
0xb3: {  	s29 =	simm.s32 $0x9;
	_ =	strace $0x8000004E  }
0xb4: {  	_ =	swait.ge [sflag:s29], $0x1  }
0xb5: {  	[sflag:s29] =	ssyncadd.s32 $0xFFFFFFFF  }
0xb6: {  	_ =	strace $0x9000004E  }
0xb7: {  	_ =	sfence  }
0xb8: {  	s30 =	sld [smem:$0x0];
	_ =	sdelay $0x2  }
0xb9: {  	s31 =	sshll.u32 s1, $0xD;
	s1 =	sshrl.u32 s1, $0x2  }
0xba: {  	s3 =	sand.u32 $0x4000, s31;
	s1 =	sadd.s32 s1, s30  }
0xbb: {  	s0 =	sor.u32 s3, s0;
	s1 =	sshll.u32 s1, $0x11  }
0xbc: {  	s0 =	sor.u32 s1, s0  }
0xbd: {  	s0 =	sadd.s32 $0x8F2B, s0  }
0xbe: {  	[sflag:s0] =	ssyncadd.remote.s32 $0x1  }
0xbf: {  	_ =	sfence.sel $0xFFFF  }
0xc0: {  	[dreg:$0x0] =	wrdreg $0xFFFFFFFF;
	(pc) =	sbr.abs _section_cstart, $3  }
0xc1: {  	[dreg:$0x1] =	wrdreg $0xFFFFFFFF  }
0xc2: {  	_ =	task.clear_ibuf [dreg:s7], $0x2FFFF;
	_ =	strace $0x9FFFFFFF  }
0xc3: {  	(tm) =	ssettm $0x7FFFFFFF  }
tec
execute0_lowered:
.L_overlay_start_1:
0x0: {  	(tag) =	ssettag $0x1  }
0x1: {  	s1 =	rddreg [dreg:$0x0]  }
0x2: {  	s0 =	rddreg [dreg:$0x1]  }
0x3: {  	s2 =	rddreg [dreg:$0x2]  }
0x4: {  	s3 =	srdreg.scid;
	s4 =	simm.s32 $0x0;
	s8 =	stileid.u32  }
0x5: {  	s15 =	simm.s32 $0x100;
	s16 =	simm.s32 $0x880;
	[smem:$0x7FF] =	sst s4  }
0x6: {  	s17 =	simm.s32 $0x180;
	_ =	strace $0x8000004D;
	[dreg:$0x6] =	wrdreg s15  }
0x7: {  	s18 =	simm.s32 $0x900;
	s19 =	simm.s32 $0x200;
	[dreg:$0x7] =	wrdreg s16  }
0x8: {  	s20 =	simm.s32 $0x980;
	s21 =	simm.s32 $0x280;
	[dreg:$0x8] =	wrdreg s17  }
0x9: {  	s22 =	simm.s32 $0xA00;
	s23 =	simm.s32 $0x300;
	[dreg:$0x9] =	wrdreg s18  }
0xa: {  	s24 =	simm.s32 $0xA80;
	s29 =	simm.s32 $0x480;
	[dreg:$0xa] =	wrdreg s19  }
0xb: {  	s30 =	simm.s32 $0xC00;
	s31 =	simm.s32 $0x500;
	[dreg:$0xb] =	wrdreg s20  }
0xc: {  	s3 =	sand.u32 $0x1, s3;
	s6 =	smul.u32 $0x14000, s8;
	[dreg:$0xc] =	wrdreg s21  }
0xd: {  	s28 =	sshll.u32 s8, $0xB;
	s5 =	smul.u32 $0x140000, s3;
	[dreg:$0xd] =	wrdreg s22  }
0xe: {  	s7 =	sshll.u32 s3, $0xF;
	s3 =	ssub.s32 $0x2, s3;
	[dreg:$0xe] =	wrdreg s23  }
0xf: {  	s15 =	simm.s32 $0x3;
	s20 =	simm.s32 $0x800;
	[dreg:$0xf] =	wrdreg s24  }
0x10: {  	s21 =	simm.s32 $0x50;
	s22 =	simm.s32 $0x1000;
	s23 =	simm.s32 $0x1  }
0x11: {  	s24 =	simm.s32 $0x3800;
	s16 =	simm.s32 $0x780;
	s25 =	sadd.s32 s7, s0  }
0x12: {  	s26 =	sshrl.u32 s3, $0x1;
	s9 =	sadd.s32 s28, s25;
	s25 =	simm.s32 $0x380  }
0x13: {  	s3 =	ssub.s32 s3, s26;
	s26 =	simm.s32 $0xB00;
	[dreg:$0x10] =	wrdreg s25  }
0x14: {  	s17 =	simm.s32 $0xF00;
	s28 =	simm.s32 $0x400;
	[dreg:$0x11] =	wrdreg s26  }
0x15: {  	s5 =	sadd.s32 s5, s6;
	s3 =	smax.u32 s3, $0x1;
	[dreg:$0x12] =	wrdreg s28  }
0x16: {  	s5 =	sshrl.u32 s5, $0x3;
	s12 =	sadd.s32 $0x2600, s9;
	[dreg:$0x13] =	wrdreg s3  }
0x17: {  	s0 =	sadd.s32 s5, s0;
	[dreg:$0x4] =	wrdreg s12;
	s3 =	sadd.s32 $0x62600, s9  }
0x18: {  	s7 =	simm.s32 $0x600;
	s10 =	sadd.s32 $0x12600, s0;
	[dreg:$0x5] =	wrdreg s3  }
0x19: {  	s6 =	simm.s32 $0xD00;
	s11 =	sadd.s32 $0x12E00, s0;
	[dreg:$0x14] =	wrdreg s10  }
0x1a: {  	s25 =	simm.s32 $0x2;
	s13 =	sadd.s32 $0x13600, s0;
	[dreg:$0x15] =	wrdreg s11  }
0x1b: {  	s5 =	smul.u32 $0x280, s8;
	s14 =	sadd.s32 $0x13E00, s0;
	[dreg:$0x16] =	wrdreg s13  }
0x1c: {  	s8 =	simm.s32 $0xD80;
	s0 =	sadd.s32 $0x14600, s0;
	[dreg:$0x17] =	wrdreg s14  }
0x1d: {  	s9 =	simm.s32 $0xE00;
	[dreg:$0x18] =	wrdreg s0;
	s0 =	simm.s32 $0x0  }
0x1e: {  	v0 =	vlaneseq.u32;
	v1 =	vimm.f32 $0.0e+00;
	s13 =	simm.s32 $0x680;
	s10 =	simm.s32 $0x700;
	s11 =	simm.s32 $0xE80  }
.LBB2_1:
0x1f: {  	s14 =	sadd.s32 $0x0, s5  }
0x20: {  	s3 =	sadd.s32 $0x70, s14  }
0x21: {  	s18 =	simm.s32 $0x6040;
	s19 =	sadd.s32 $0x10, s14;
	v2 =	vor.u32 s3, v0  }
0x22: {  	s26 =	sadd.s32 $0x20, s14;
	v3 =	vor.u32 s19, v0;
	[tilespmem:s18+$0x30] =	vst v2  }
0x23: {  	s28 =	sadd.s32 $0x30, s14;
	v2 =	vor.u32 s26, v0;
	[tilespmem:s18+$0xFFFFFFD0] =	vst v3  }
0x24: {  	s12 =	sadd.s32 $0x40, s14;
	v3 =	vor.u32 s28, v0;
	[tilespmem:s18+$0xFFFFFFE0] =	vst v2  }
0x25: {  	s26 =	sadd.s32 $0x50, s14;
	v2 =	vor.u32 s12, v0;
	[tilespmem:s18+$0xFFFFFFF0] =	vst v3  }
0x26: {  	s28 =	sadd.s32 $0x60, s14;
	v4 =	vor.u32 s26, v0;
	[tilespmem:s18+$0x0] =	vst v2  }
0x27: {  	s19 =	sadd.s32 $0x80, s5;
	v3 =	vor.u32 s28, v0;
	v2 =	vor.u32 s14, v0;
	s14 =	simm.s32 $0x100;
	[tilespmem:s18+$0x10] =	vst v4  }
.LBB2_2:
0x28: {  	p0 =	sne.s32 s14, $0x200;
	v4 =	vor.u32 s19, v0;
	s12 =	sadd.s32 $0x10, s19;
	s26 =	sadd.s32 $0x70, s19;
	[tilespmem:s18+$0x20] =	vst v3  }
0x29: {  	s28 =	sadd.s32 $0x30, s19;
	v3 =	vor.u32 s12, v0;
	s12 =	sadd.s32 $0x20, s19;
	v5 =	vor.u32 s26, v0;
	[tilespmem:s18+$0xFFFFFFC0] =	vst v2;
	s18 =	sadd.s32 $0x80, s18;
	v2 =	vmov v4  }
0x2a: {  	v6 =	vor.u32 s28, v0;
	s26 =	sadd.s32 $0x50, s19;
	v4 =	vor.u32 s12, v0;
	s12 =	sadd.s32 $0x40, s19;
	s19 =	sadd.s32 $0x60, s19;
	[tilespmem:s18+$0x30] =	vst v5  }
.Ltmp0:
0x2b: {  	v7 =	vor.u32 s26, v0;
	[tilespmem:s18+$0xFFFFFFD0] =	vst v3;
	v5 =	vor.u32 s12, v0;
	v3 =	vor.u32 s19, v0;
	(pc) =	sbr.rel @p0 .LBB2_2-.Ltmp0, $4  }
0x2c: {  	[tilespmem:s18+$0xFFFFFFE0] =	vst v4  }
0x2d: {  	[tilespmem:s18+$0xFFFFFFF0] =	vst v6  }
0x2e: {  	[tilespmem:s18+$0x0] =	vst v5  }
0x2f: {  	s19 =	sadd.s32 s14, s5;
	s14 =	sadd.s32 $0x80, s14;
	[tilespmem:s18+$0x10] =	vst v7  }
0x30: {  	s12 =	sadd.s32 $0x70, s19;
	[tilespmem:s18+$0x20] =	vst v3  }
0x31: {  	s14 =	sadd.s32 $0x10, s19;
	[tilespmem:s18+$0xFFFFFFC0] =	vst v2;
	v3 =	vor.u32 s12, v0;
	s12 =	sadd.s32 $0x80, s18  }
0x32: {  	[dreg:$0x19] =	wrdreg s0;
	s0 =	sadd.s32 $0x20, s19;
	v2 =	vor.u32 s14, v0;
	[tilespmem:s12+$0x30] =	vst v3  }
0x33: {  	s3 =	sadd.s32 $0x30, s19;
	v3 =	vor.u32 s0, v0;
	[tilespmem:s12+$0xFFFFFFD0] =	vst v2  }
0x34: {  	s18 =	sadd.s32 $0x40, s19;
	v2 =	vor.u32 s3, v0;
	[tilespmem:s12+$0xFFFFFFE0] =	vst v3  }
0x35: {  	s26 =	sadd.s32 $0x50, s19;
	v3 =	vor.u32 s18, v0;
	[tilespmem:s12+$0xFFFFFFF0] =	vst v2  }
0x36: {  	s28 =	sadd.s32 $0x60, s19;
	v2 =	vor.u32 s26, v0;
	[tilespmem:s12+$0x0] =	vst v3  }
0x37: {  	v3 =	vor.u32 s28, v0;
	[tilespmem:s12+$0x10] =	vst v2  }
0x38: {  	v2 =	vor.u32 s19, v0;
	[tilespmem:s12+$0x20] =	vst v3  }
0x39: {  	s14 =	simm.s32 $0x0;
	s18 =	simm.s32 $0x200;
	[tilespmem:s12+$0xFFFFFFC0] =	vst v2  }
.LBB2_4:
0x3a: {  	p0 =	sne.s32 s18, $0xFE00;
	[tilespmem:s14+$0x6470] =	vst v1  }
0x3b: {  	[tilespmem:s14+$0x6400] =	vst v1  }
0x3c: {  	[tilespmem:s14+$0x6410] =	vst v1  }
.Ltmp1:
0x3d: {  	[tilespmem:s14+$0x6420] =	vst v1;
	(pc) =	sbr.rel @p0 .LBB2_4-.Ltmp1, $4  }
0x3e: {  	[tilespmem:s14+$0x6430] =	vst v1  }
0x3f: {  	[tilespmem:s14+$0x6440] =	vst v1  }
0x40: {  	[tilespmem:s14+$0x6450] =	vst v1  }
0x41: {  	[tilespmem:s14+$0x6460] =	vst v1;
	s14 =	sshra.s32 s18, $0x2;
	s18 =	sadd.s32 $0x200, s18  }
0x42: {  	[tilespmem:s14+$0x6470] =	vst v1  }
0x43: {  	[tilespmem:s14+$0x6400] =	vst v1  }
0x44: {  	[tilespmem:s14+$0x6410] =	vst v1  }
0x45: {  	[tilespmem:s14+$0x6420] =	vst v1  }
0x46: {  	[tilespmem:s14+$0x6430] =	vst v1  }
0x47: {  	[tilespmem:s14+$0x6440] =	vst v1  }
0x48: {  	[tilespmem:s14+$0x6450] =	vst v1  }
0x49: {  	[tilespmem:s14+$0x6460] =	vst v1;
	s3 =	simm.s32 $0x80;
	s0 =	simm.s32 $0x6000;
	s12 =	simm.s32 $0x6400  }
0x4a: {  	[spmem:s2] =	stream.indirect.scatter [tilespmem:s12], [sflag:$0x3], $0x80, s0, s3, $0xb8;
	[tilespmem:$0x1E400] =	vst v63  }
0x4b: {  	_ =	swait.ge [sflag:s15], $0x4000  }
0x4c: {  	[sflag:s15] =	ssyncset.done $0x0  }
0x4d: {  	s18 =	simm.s32 $0x6080;
	[sflag:s15] =	ssyncadd.s32 $0xFFFFC000  }
0x4e: {  	[spmem:s2] =	stream.indirect.scatter [tilespmem:s12], [sflag:$0x3], $0x80, s18, s3, $0xb8;
	[tilespmem:$0x1E400] =	vst v63  }
0x4f: {  	_ =	swait.ge [sflag:s15], $0x4000  }
0x50: {  	[sflag:s15] =	ssyncset.done $0x0  }
0x51: {  	s19 =	simm.s32 $0x6100;
	[sflag:s15] =	ssyncadd.s32 $0xFFFFC000  }
0x52: {  	[spmem:s2] =	stream.indirect.scatter [tilespmem:s12], [sflag:$0x3], $0x80, s19, s3, $0xb8;
	[tilespmem:$0x1E400] =	vst v63  }
0x53: {  	_ =	swait.ge [sflag:s15], $0x4000  }
0x54: {  	[sflag:s15] =	ssyncset.done $0x0  }
0x55: {  	s26 =	simm.s32 $0x6180;
	[sflag:s15] =	ssyncadd.s32 $0xFFFFC000  }
0x56: {  	[spmem:s2] =	stream.indirect.scatter [tilespmem:s12], [sflag:$0x3], $0x80, s26, s3, $0xb8;
	[tilespmem:$0x1E400] =	vst v63  }
0x57: {  	_ =	swait.ge [sflag:s15], $0x4000  }
0x58: {  	[sflag:s15] =	ssyncset.done $0x0  }
0x59: {  	s0 =	simm.s32 $0x6200;
	[sflag:s15] =	ssyncadd.s32 $0xFFFFC000  }
0x5a: {  	[spmem:s2] =	stream.indirect.scatter [tilespmem:s12], [sflag:$0x3], $0x80, s0, s3, $0xb8;
	[tilespmem:$0x1E400] =	vst v63  }
0x5b: {  	_ =	swait.ge [sflag:s15], $0x4000  }
0x5c: {  	[sflag:s15] =	ssyncset.done $0x0  }
0x5d: {  	[sflag:s15] =	ssyncadd.s32 $0xFFFFC000  }
0x5e: {  	[bflag:$0x0] =	sbarrier.arrive $0xFFFF  }
0x5f: {  	s18 =	rddreg [dreg:$0x5]  }
0x60: {  	s12 =	sadd.s32 $0x0, s18  }
0x61: {  	[tilespmem:s4], [sflag:$0x3] =	stream.linear.gather [hbm4b:s12+s4], $0x800, $0x38;
	[tilespmem:$0x1E400] =	vst v63  }
0x62: {  	_ =	swait.ge [sflag:s15], $0x800  }
0x63: {  	s19 =	rddreg [dreg:$0x4];
	[sflag:s15] =	ssyncset.done $0x0  }
0x64: {  	[sflag:s15] =	ssyncadd.s32 $0xFFFFF800;
	s12 =	sadd.s32 $0x0, s19  }
0x65: {  	[tilespmem:s20], [sflag:$0x3] =	stream.linear.gather [hbm4b:s12+s4], $0x800, $0x38;
	[tilespmem:$0x1E400] =	vst v63  }
0x66: {  	_ =	swait.ge [sflag:s15], $0x800  }
0x67: {  	[sflag:s15] =	ssyncset.done $0x0  }
0x68: {  	[sflag:s15] =	ssyncadd.s32 $0xFFFFF800  }
0x69: {  	[tilespmem:s22], [sflag:$0x1] =	stream.indirect.gather [hbm4b:s1+s21], $0x80, s4, s21, $0xb8;
	[tilespmem:$0x1E400] =	vst v63  }
0x6a: {  	_ =	swait.ge [sflag:s23], $0x2800  }
0x6b: {  	[sflag:s23] =	ssyncset.done $0x0  }
0x6c: {  	[sflag:s23] =	ssyncadd.s32 $0xFFFFD800  }
0x6d: {  	[tilespmem:s24], [sflag:$0x2] =	stream.indirect.gather [hbm4b:s1+s21], $0x80, s3, s21, $0xb8;
	[tilespmem:$0x1E400] =	vst v63  }
0x6e: {  	_ = 	snop  }
0x6f: {  	[spmem:s2] =	stream.indirect.scatter.add.f32 [tilespmem:s22], [sflag:$0x3], $0x80, s20, s21, $0xb8;
	[tilespmem:$0x1E400] =	vst v63  }
0x70: {  	_ =	swait.ge [sflag:s15], $0x2800  }
0x71: {  	[sflag:s15] =	ssyncset.done $0x0  }
0x72: {  	[sflag:s15] =	ssyncadd.s32 $0xFFFFD800  }
0x73: {  	_ =	swait.ge [sflag:s25], $0x2800  }
0x74: {  	[sflag:s25] =	ssyncset.done $0x0  }
0x75: {  	s26 =	rddreg [dreg:$0x6];
	[sflag:s25] =	ssyncadd.s32 $0xFFFFD800  }
0x76: {  	[tilespmem:s22], [sflag:$0x1] =	stream.indirect.gather [hbm4b:s1+s21], $0x80, s26, s21, $0xb8;
	[tilespmem:$0x1E400] =	vst v63  }
0x77: {  	s3 =	rddreg [dreg:$0x7]  }
0x78: {  	[spmem:s2] =	stream.indirect.scatter.add.f32 [tilespmem:s24], [sflag:$0x3], $0x80, s3, s21, $0xb8;
	[tilespmem:$0x1E400] =	vst v63  }
0x79: {  	_ =	swait.ge [sflag:s15], $0x2800  }
0x7a: {  	[sflag:s15] =	ssyncset.done $0x0  }
0x7b: {  	[sflag:s15] =	ssyncadd.s32 $0xFFFFD800  }
0x7c: {  	_ =	swait.ge [sflag:s23], $0x2800  }
0x7d: {  	[sflag:s23] =	ssyncset.done $0x0  }
0x7e: {  	s18 =	rddreg [dreg:$0x8];
	[sflag:s23] =	ssyncadd.s32 $0xFFFFD800  }
0x7f: {  	[tilespmem:s24], [sflag:$0x2] =	stream.indirect.gather [hbm4b:s1+s21], $0x80, s18, s21, $0xb8;
	[tilespmem:$0x1E400] =	vst v63  }
0x80: {  	s19 =	rddreg [dreg:$0x9]  }
0x81: {  	[spmem:s2] =	stream.indirect.scatter.add.f32 [tilespmem:s22], [sflag:$0x3], $0x80, s19, s21, $0xb8;
	[tilespmem:$0x1E400] =	vst v63  }
0x82: {  	_ =	swait.ge [sflag:s15], $0x2800  }
0x83: {  	[sflag:s15] =	ssyncset.done $0x0  }
0x84: {  	[sflag:s15] =	ssyncadd.s32 $0xFFFFD800  }
0x85: {  	_ =	swait.ge [sflag:s25], $0x2800  }
0x86: {  	[sflag:s25] =	ssyncset.done $0x0  }
0x87: {  	s26 =	rddreg [dreg:$0xa];
	[sflag:s25] =	ssyncadd.s32 $0xFFFFD800  }
0x88: {  	[tilespmem:s22], [sflag:$0x1] =	stream.indirect.gather [hbm4b:s1+s21], $0x80, s26, s21, $0xb8;
	[tilespmem:$0x1E400] =	vst v63  }
0x89: {  	s3 =	rddreg [dreg:$0xb]  }
0x8a: {  	[spmem:s2] =	stream.indirect.scatter.add.f32 [tilespmem:s24], [sflag:$0x3], $0x80, s3, s21, $0xb8;
	[tilespmem:$0x1E400] =	vst v63  }
0x8b: {  	_ =	swait.ge [sflag:s15], $0x2800  }
0x8c: {  	[sflag:s15] =	ssyncset.done $0x0  }
0x8d: {  	[sflag:s15] =	ssyncadd.s32 $0xFFFFD800  }
0x8e: {  	_ =	swait.ge [sflag:s23], $0x2800  }
0x8f: {  	[sflag:s23] =	ssyncset.done $0x0  }
0x90: {  	s18 =	rddreg [dreg:$0xc];
	[sflag:s23] =	ssyncadd.s32 $0xFFFFD800  }
0x91: {  	[tilespmem:s24], [sflag:$0x2] =	stream.indirect.gather [hbm4b:s1+s21], $0x80, s18, s21, $0xb8;
	[tilespmem:$0x1E400] =	vst v63  }
0x92: {  	s19 =	rddreg [dreg:$0xd]  }
0x93: {  	[spmem:s2] =	stream.indirect.scatter.add.f32 [tilespmem:s22], [sflag:$0x3], $0x80, s19, s21, $0xb8;
	[tilespmem:$0x1E400] =	vst v63  }
0x94: {  	_ =	swait.ge [sflag:s15], $0x2800  }
0x95: {  	[sflag:s15] =	ssyncset.done $0x0  }
0x96: {  	[sflag:s15] =	ssyncadd.s32 $0xFFFFD800  }
0x97: {  	_ =	swait.ge [sflag:s25], $0x2800  }
0x98: {  	[sflag:s25] =	ssyncset.done $0x0  }
0x99: {  	s26 =	rddreg [dreg:$0xe];
	[sflag:s25] =	ssyncadd.s32 $0xFFFFD800  }
0x9a: {  	[tilespmem:s22], [sflag:$0x1] =	stream.indirect.gather [hbm4b:s1+s21], $0x80, s26, s21, $0xb8;
	[tilespmem:$0x1E400] =	vst v63  }
0x9b: {  	s3 =	rddreg [dreg:$0xf]  }
0x9c: {  	[spmem:s2] =	stream.indirect.scatter.add.f32 [tilespmem:s24], [sflag:$0x3], $0x80, s3, s21, $0xb8;
	[tilespmem:$0x1E400] =	vst v63  }
0x9d: {  	_ =	swait.ge [sflag:s15], $0x2800  }
0x9e: {  	[sflag:s15] =	ssyncset.done $0x0  }
0x9f: {  	[sflag:s15] =	ssyncadd.s32 $0xFFFFD800  }
0xa0: {  	_ =	swait.ge [sflag:s23], $0x2800  }
0xa1: {  	[sflag:s23] =	ssyncset.done $0x0  }
0xa2: {  	s14 =	rddreg [dreg:$0x10];
	[sflag:s23] =	ssyncadd.s32 $0xFFFFD800  }
0xa3: {  	[tilespmem:s24], [sflag:$0x2] =	stream.indirect.gather [hbm4b:s1+s21], $0x80, s14, s21, $0xb8;
	[tilespmem:$0x1E400] =	vst v63  }
0xa4: {  	s18 =	rddreg [dreg:$0x11]  }
0xa5: {  	[spmem:s2] =	stream.indirect.scatter.add.f32 [tilespmem:s22], [sflag:$0x3], $0x80, s18, s21, $0xb8;
	[tilespmem:$0x1E400] =	vst v63  }
0xa6: {  	_ =	swait.ge [sflag:s15], $0x2800  }
0xa7: {  	[sflag:s15] =	ssyncset.done $0x0  }
0xa8: {  	[sflag:s15] =	ssyncadd.s32 $0xFFFFD800  }
0xa9: {  	_ =	swait.ge [sflag:s25], $0x2800  }
0xaa: {  	[sflag:s25] =	ssyncset.done $0x0  }
0xab: {  	s19 =	rddreg [dreg:$0x12];
	[sflag:s25] =	ssyncadd.s32 $0xFFFFD800  }
0xac: {  	[tilespmem:s22], [sflag:$0x1] =	stream.indirect.gather [hbm4b:s1+s21], $0x80, s19, s21, $0xb8;
	[tilespmem:$0x1E400] =	vst v63  }
0xad: {  	s28 =	simm.s32 $0xB80  }
0xae: {  	[spmem:s2] =	stream.indirect.scatter.add.f32 [tilespmem:s24], [sflag:$0x3], $0x80, s28, s21, $0xb8;
	[tilespmem:$0x1E400] =	vst v63  }
0xaf: {  	_ =	swait.ge [sflag:s15], $0x2800  }
0xb0: {  	[sflag:s15] =	ssyncset.done $0x0  }
0xb1: {  	[sflag:s15] =	ssyncadd.s32 $0xFFFFD800  }
0xb2: {  	_ =	swait.ge [sflag:s23], $0x2800  }
0xb3: {  	[sflag:s23] =	ssyncset.done $0x0  }
0xb4: {  	[sflag:s23] =	ssyncadd.s32 $0xFFFFD800  }
0xb5: {  	[tilespmem:s24], [sflag:$0x2] =	stream.indirect.gather [hbm4b:s1+s21], $0x80, s29, s21, $0xb8;
	[tilespmem:$0x1E400] =	vst v63  }
0xb6: {  	_ = 	snop  }
0xb7: {  	[spmem:s2] =	stream.indirect.scatter.add.f32 [tilespmem:s22], [sflag:$0x3], $0x80, s30, s21, $0xb8;
	[tilespmem:$0x1E400] =	vst v63  }
0xb8: {  	_ =	swait.ge [sflag:s15], $0x2800  }
0xb9: {  	[sflag:s15] =	ssyncset.done $0x0  }
0xba: {  	[sflag:s15] =	ssyncadd.s32 $0xFFFFD800  }
0xbb: {  	_ =	swait.ge [sflag:s25], $0x2800  }
0xbc: {  	[sflag:s25] =	ssyncset.done $0x0  }
0xbd: {  	[sflag:s25] =	ssyncadd.s32 $0xFFFFD800  }
0xbe: {  	[tilespmem:s22], [sflag:$0x1] =	stream.indirect.gather [hbm4b:s1+s21], $0x80, s31, s21, $0xb8;
	[tilespmem:$0x1E400] =	vst v63  }
0xbf: {  	s26 =	simm.s32 $0xC80  }
0xc0: {  	[spmem:s2] =	stream.indirect.scatter.add.f32 [tilespmem:s24], [sflag:$0x3], $0x80, s26, s21, $0xb8;
	[tilespmem:$0x1E400] =	vst v63  }
0xc1: {  	_ =	swait.ge [sflag:s15], $0x2800  }
0xc2: {  	[sflag:s15] =	ssyncset.done $0x0  }
0xc3: {  	[sflag:s15] =	ssyncadd.s32 $0xFFFFD800  }
0xc4: {  	_ =	swait.ge [sflag:s23], $0x2800  }
0xc5: {  	[sflag:s23] =	ssyncset.done $0x0  }
0xc6: {  	s3 =	simm.s32 $0x580;
	[sflag:s23] =	ssyncadd.s32 $0xFFFFD800  }
0xc7: {  	[tilespmem:s24], [sflag:$0x2] =	stream.indirect.gather [hbm4b:s1+s21], $0x80, s3, s21, $0xb8;
	[tilespmem:$0x1E400] =	vst v63  }
0xc8: {  	_ = 	snop  }
0xc9: {  	[spmem:s2] =	stream.indirect.scatter.add.f32 [tilespmem:s22], [sflag:$0x3], $0x80, s6, s21, $0xb8;
	[tilespmem:$0x1E400] =	vst v63  }
0xca: {  	_ =	swait.ge [sflag:s15], $0x2800  }
0xcb: {  	[sflag:s15] =	ssyncset.done $0x0  }
0xcc: {  	[sflag:s15] =	ssyncadd.s32 $0xFFFFD800  }
0xcd: {  	_ =	swait.ge [sflag:s25], $0x2800  }
0xce: {  	[sflag:s25] =	ssyncset.done $0x0  }
0xcf: {  	[sflag:s25] =	ssyncadd.s32 $0xFFFFD800  }
0xd0: {  	[tilespmem:s22], [sflag:$0x1] =	stream.indirect.gather [hbm4b:s1+s21], $0x80, s7, s21, $0xb8;
	[tilespmem:$0x1E400] =	vst v63  }
0xd1: {  	_ = 	snop  }
0xd2: {  	[spmem:s2] =	stream.indirect.scatter.add.f32 [tilespmem:s24], [sflag:$0x3], $0x80, s8, s21, $0xb8;
	[tilespmem:$0x1E400] =	vst v63  }
0xd3: {  	_ =	swait.ge [sflag:s15], $0x2800  }
0xd4: {  	[sflag:s15] =	ssyncset.done $0x0  }
0xd5: {  	[sflag:s15] =	ssyncadd.s32 $0xFFFFD800  }
0xd6: {  	_ =	swait.ge [sflag:s23], $0x2800  }
0xd7: {  	[sflag:s23] =	ssyncset.done $0x0  }
0xd8: {  	[sflag:s23] =	ssyncadd.s32 $0xFFFFD800  }
0xd9: {  	[tilespmem:s24], [sflag:$0x2] =	stream.indirect.gather [hbm4b:s1+s21], $0x80, s13, s21, $0xb8;
	[tilespmem:$0x1E400] =	vst v63  }
0xda: {  	_ = 	snop  }
0xdb: {  	[spmem:s2] =	stream.indirect.scatter.add.f32 [tilespmem:s22], [sflag:$0x3], $0x80, s9, s21, $0xb8;
	[tilespmem:$0x1E400] =	vst v63  }
0xdc: {  	_ =	swait.ge [sflag:s15], $0x2800  }
0xdd: {  	[sflag:s15] =	ssyncset.done $0x0  }
0xde: {  	[sflag:s15] =	ssyncadd.s32 $0xFFFFD800  }
0xdf: {  	_ =	swait.ge [sflag:s25], $0x2800  }
0xe0: {  	[sflag:s25] =	ssyncset.done $0x0  }
0xe1: {  	[sflag:s25] =	ssyncadd.s32 $0xFFFFD800  }
0xe2: {  	[tilespmem:s22], [sflag:$0x1] =	stream.indirect.gather [hbm4b:s1+s21], $0x80, s10, s21, $0xb8;
	[tilespmem:$0x1E400] =	vst v63  }
0xe3: {  	_ = 	snop  }
0xe4: {  	[spmem:s2] =	stream.indirect.scatter.add.f32 [tilespmem:s24], [sflag:$0x3], $0x80, s11, s21, $0xb8;
	[tilespmem:$0x1E400] =	vst v63  }
0xe5: {  	_ =	swait.ge [sflag:s15], $0x2800  }
0xe6: {  	[sflag:s15] =	ssyncset.done $0x0  }
0xe7: {  	[sflag:s15] =	ssyncadd.s32 $0xFFFFD800  }
0xe8: {  	_ =	swait.ge [sflag:s23], $0x2800  }
0xe9: {  	[sflag:s23] =	ssyncset.done $0x0  }
0xea: {  	[sflag:s23] =	ssyncadd.s32 $0xFFFFD800  }
0xeb: {  	[tilespmem:s24], [sflag:$0x2] =	stream.indirect.gather [hbm4b:s1+s21], $0x80, s16, s21, $0xb8;
	[tilespmem:$0x1E400] =	vst v63  }
0xec: {  	_ = 	snop  }
0xed: {  	[spmem:s2] =	stream.indirect.scatter.add.f32 [tilespmem:s22], [sflag:$0x3], $0x80, s17, s21, $0xb8;
	[tilespmem:$0x1E400] =	vst v63  }
0xee: {  	_ =	swait.ge [sflag:s15], $0x2800  }
0xef: {  	[sflag:s15] =	ssyncset.done $0x0  }
0xf0: {  	[sflag:s15] =	ssyncadd.s32 $0xFFFFD800  }
0xf1: {  	_ =	swait.ge [sflag:s25], $0x2800  }
0xf2: {  	[sflag:s25] =	ssyncset.done $0x0  }
0xf3: {  	s26 =	simm.s32 $0xF80;
	[sflag:s25] =	ssyncadd.s32 $0xFFFFD800  }
0xf4: {  	[spmem:s2] =	stream.indirect.scatter.add.f32 [tilespmem:s24], [sflag:$0x3], $0x80, s26, s21, $0xb8;
	[tilespmem:$0x1E400] =	vst v63  }
0xf5: {  	s0 =	simm.s32 $0x80;
	s18 =	simm.s32 $0x200;
	_ =	swait.ge [sflag:s15], $0x2800  }
0xf6: {  	s19 =	simm.s32 $0x100;
	s14 =	rddreg [dreg:$0x5];
	[sflag:s15] =	ssyncset.done $0x0  }
.LBB2_6:
0xf7: {  	[sflag:s15] =	ssyncadd.s32 $0xFFFFD800;
	s14 =	sadd.s32 s19, s14  }
0xf8: {  	[tilespmem:s4], [sflag:$0x3] =	stream.linear.gather [hbm4b:s14+s4], $0x800, $0x38;
	[tilespmem:$0x1E400] =	vst v63  }
0xf9: {  	_ =	swait.ge [sflag:s15], $0x800  }
0xfa: {  	s14 =	rddreg [dreg:$0x4];
	[sflag:s15] =	ssyncset.done $0x0  }
0xfb: {  	[sflag:s15] =	ssyncadd.s32 $0xFFFFF800;
	s14 =	sadd.s32 s19, s14  }
0xfc: {  	[tilespmem:s20], [sflag:$0x3] =	stream.linear.gather [hbm4b:s14+s4], $0x800, $0x38;
	[tilespmem:$0x1E400] =	vst v63  }
0xfd: {  	_ =	swait.ge [sflag:s15], $0x800  }
0xfe: {  	[sflag:s15] =	ssyncset.done $0x0  }
0xff: {  	[sflag:s15] =	ssyncadd.s32 $0xFFFFF800  }
0x100: {  	[tilespmem:s22], [sflag:$0x1] =	stream.indirect.gather [hbm4b:s1+s21], $0x80, s4, s21, $0xb8;
	[tilespmem:$0x1E400] =	vst v63  }
0x101: {  	_ =	swait.ge [sflag:s23], $0x2800  }
0x102: {  	[sflag:s23] =	ssyncset.done $0x0  }
0x103: {  	[sflag:s23] =	ssyncadd.s32 $0xFFFFD800  }
0x104: {  	[tilespmem:s24], [sflag:$0x2] =	stream.indirect.gather [hbm4b:s1+s21], $0x80, s0, s21, $0xb8;
	[tilespmem:$0x1E400] =	vst v63  }
0x105: {  	_ = 	snop  }
0x106: {  	[spmem:s2] =	stream.indirect.scatter.add.f32 [tilespmem:s22], [sflag:$0x3], $0x80, s20, s21, $0xb8;
	[tilespmem:$0x1E400] =	vst v63  }
0x107: {  	_ =	swait.ge [sflag:s15], $0x2800  }
0x108: {  	[sflag:s15] =	ssyncset.done $0x0  }
0x109: {  	[sflag:s15] =	ssyncadd.s32 $0xFFFFD800  }
0x10a: {  	_ =	swait.ge [sflag:s25], $0x2800  }
0x10b: {  	s12 =	smov.u32 s18;
	[sflag:s25] =	ssyncset.done $0x0  }
0x10c: {  	s19 =	smov.u32 s12;
	s12 =	rddreg [dreg:$0x6];
	[sflag:s25] =	ssyncadd.s32 $0xFFFFD800  }
0x10d: {  	[tilespmem:s22], [sflag:$0x1] =	stream.indirect.gather [hbm4b:s1+s21], $0x80, s12, s21, $0xb8;
	[tilespmem:$0x1E400] =	vst v63  }
0x10e: {  	s14 =	rddreg [dreg:$0x7]  }
0x10f: {  	[spmem:s2] =	stream.indirect.scatter.add.f32 [tilespmem:s24], [sflag:$0x3], $0x80, s14, s21, $0xb8;
	[tilespmem:$0x1E400] =	vst v63  }
0x110: {  	_ =	swait.ge [sflag:s15], $0x2800  }
0x111: {  	[sflag:s15] =	ssyncset.done $0x0  }
0x112: {  	[sflag:s15] =	ssyncadd.s32 $0xFFFFD800  }
0x113: {  	_ =	swait.ge [sflag:s23], $0x2800  }
0x114: {  	[sflag:s23] =	ssyncset.done $0x0  }
0x115: {  	s12 =	rddreg [dreg:$0x8];
	[sflag:s23] =	ssyncadd.s32 $0xFFFFD800  }
0x116: {  	[tilespmem:s24], [sflag:$0x2] =	stream.indirect.gather [hbm4b:s1+s21], $0x80, s12, s21, $0xb8;
	[tilespmem:$0x1E400] =	vst v63  }
0x117: {  	s14 =	rddreg [dreg:$0x9]  }
0x118: {  	[spmem:s2] =	stream.indirect.scatter.add.f32 [tilespmem:s22], [sflag:$0x3], $0x80, s14, s21, $0xb8;
	[tilespmem:$0x1E400] =	vst v63  }
0x119: {  	_ =	swait.ge [sflag:s15], $0x2800  }
0x11a: {  	[sflag:s15] =	ssyncset.done $0x0  }
0x11b: {  	[sflag:s15] =	ssyncadd.s32 $0xFFFFD800  }
0x11c: {  	_ =	swait.ge [sflag:s25], $0x2800  }
0x11d: {  	[sflag:s25] =	ssyncset.done $0x0  }
0x11e: {  	s12 =	rddreg [dreg:$0xa];
	[sflag:s25] =	ssyncadd.s32 $0xFFFFD800  }
0x11f: {  	[tilespmem:s22], [sflag:$0x1] =	stream.indirect.gather [hbm4b:s1+s21], $0x80, s12, s21, $0xb8;
	[tilespmem:$0x1E400] =	vst v63  }
0x120: {  	s14 =	rddreg [dreg:$0xb]  }
0x121: {  	[spmem:s2] =	stream.indirect.scatter.add.f32 [tilespmem:s24], [sflag:$0x3], $0x80, s14, s21, $0xb8;
	[tilespmem:$0x1E400] =	vst v63  }
0x122: {  	_ =	swait.ge [sflag:s15], $0x2800  }
0x123: {  	[sflag:s15] =	ssyncset.done $0x0  }
0x124: {  	[sflag:s15] =	ssyncadd.s32 $0xFFFFD800  }
0x125: {  	_ =	swait.ge [sflag:s23], $0x2800  }
0x126: {  	[sflag:s23] =	ssyncset.done $0x0  }
0x127: {  	s12 =	rddreg [dreg:$0xc];
	[sflag:s23] =	ssyncadd.s32 $0xFFFFD800  }
0x128: {  	[tilespmem:s24], [sflag:$0x2] =	stream.indirect.gather [hbm4b:s1+s21], $0x80, s12, s21, $0xb8;
	[tilespmem:$0x1E400] =	vst v63  }
0x129: {  	s14 =	rddreg [dreg:$0xd]  }
0x12a: {  	[spmem:s2] =	stream.indirect.scatter.add.f32 [tilespmem:s22], [sflag:$0x3], $0x80, s14, s21, $0xb8;
	[tilespmem:$0x1E400] =	vst v63  }
0x12b: {  	_ =	swait.ge [sflag:s15], $0x2800  }
0x12c: {  	[sflag:s15] =	ssyncset.done $0x0  }
0x12d: {  	[sflag:s15] =	ssyncadd.s32 $0xFFFFD800  }
0x12e: {  	_ =	swait.ge [sflag:s25], $0x2800  }
0x12f: {  	[sflag:s25] =	ssyncset.done $0x0  }
0x130: {  	s12 =	rddreg [dreg:$0xe];
	[sflag:s25] =	ssyncadd.s32 $0xFFFFD800  }
0x131: {  	[tilespmem:s22], [sflag:$0x1] =	stream.indirect.gather [hbm4b:s1+s21], $0x80, s12, s21, $0xb8;
	[tilespmem:$0x1E400] =	vst v63  }
0x132: {  	s14 =	rddreg [dreg:$0xf]  }
0x133: {  	[spmem:s2] =	stream.indirect.scatter.add.f32 [tilespmem:s24], [sflag:$0x3], $0x80, s14, s21, $0xb8;
	[tilespmem:$0x1E400] =	vst v63  }
0x134: {  	_ =	swait.ge [sflag:s15], $0x2800  }
0x135: {  	[sflag:s15] =	ssyncset.done $0x0  }
0x136: {  	[sflag:s15] =	ssyncadd.s32 $0xFFFFD800  }
0x137: {  	_ =	swait.ge [sflag:s23], $0x2800  }
0x138: {  	[sflag:s23] =	ssyncset.done $0x0  }
0x139: {  	s12 =	rddreg [dreg:$0x10];
	[sflag:s23] =	ssyncadd.s32 $0xFFFFD800  }
0x13a: {  	[tilespmem:s24], [sflag:$0x2] =	stream.indirect.gather [hbm4b:s1+s21], $0x80, s12, s21, $0xb8;
	[tilespmem:$0x1E400] =	vst v63  }
0x13b: {  	s14 =	rddreg [dreg:$0x11]  }
0x13c: {  	[spmem:s2] =	stream.indirect.scatter.add.f32 [tilespmem:s22], [sflag:$0x3], $0x80, s14, s21, $0xb8;
	[tilespmem:$0x1E400] =	vst v63  }
0x13d: {  	_ =	swait.ge [sflag:s15], $0x2800  }
0x13e: {  	[sflag:s15] =	ssyncset.done $0x0  }
0x13f: {  	[sflag:s15] =	ssyncadd.s32 $0xFFFFD800  }
0x140: {  	_ =	swait.ge [sflag:s25], $0x2800  }
0x141: {  	[sflag:s25] =	ssyncset.done $0x0  }
0x142: {  	s14 =	rddreg [dreg:$0x12];
	[sflag:s25] =	ssyncadd.s32 $0xFFFFD800  }
0x143: {  	[tilespmem:s22], [sflag:$0x1] =	stream.indirect.gather [hbm4b:s1+s21], $0x80, s14, s21, $0xb8;
	[tilespmem:$0x1E400] =	vst v63  }
0x144: {  	_ = 	snop  }
0x145: {  	[spmem:s2] =	stream.indirect.scatter.add.f32 [tilespmem:s24], [sflag:$0x3], $0x80, s28, s21, $0xb8;
	[tilespmem:$0x1E400] =	vst v63  }
0x146: {  	_ =	swait.ge [sflag:s15], $0x2800  }
0x147: {  	[sflag:s15] =	ssyncset.done $0x0  }
0x148: {  	[sflag:s15] =	ssyncadd.s32 $0xFFFFD800  }
0x149: {  	_ =	swait.ge [sflag:s23], $0x2800  }
0x14a: {  	[sflag:s23] =	ssyncset.done $0x0  }
0x14b: {  	[sflag:s23] =	ssyncadd.s32 $0xFFFFD800  }
0x14c: {  	[tilespmem:s24], [sflag:$0x2] =	stream.indirect.gather [hbm4b:s1+s21], $0x80, s29, s21, $0xb8;
	[tilespmem:$0x1E400] =	vst v63  }
0x14d: {  	_ = 	snop  }
0x14e: {  	[spmem:s2] =	stream.indirect.scatter.add.f32 [tilespmem:s22], [sflag:$0x3], $0x80, s30, s21, $0xb8;
	[tilespmem:$0x1E400] =	vst v63  }
0x14f: {  	_ =	swait.ge [sflag:s15], $0x2800  }
0x150: {  	[sflag:s15] =	ssyncset.done $0x0  }
0x151: {  	[sflag:s15] =	ssyncadd.s32 $0xFFFFD800  }
0x152: {  	_ =	swait.ge [sflag:s25], $0x2800  }
0x153: {  	[sflag:s25] =	ssyncset.done $0x0  }
0x154: {  	[sflag:s25] =	ssyncadd.s32 $0xFFFFD800  }
0x155: {  	[tilespmem:s22], [sflag:$0x1] =	stream.indirect.gather [hbm4b:s1+s21], $0x80, s31, s21, $0xb8;
	[tilespmem:$0x1E400] =	vst v63  }
0x156: {  	s14 =	simm.s32 $0xC80  }
0x157: {  	[spmem:s2] =	stream.indirect.scatter.add.f32 [tilespmem:s24], [sflag:$0x3], $0x80, s14, s21, $0xb8;
	[tilespmem:$0x1E400] =	vst v63  }
0x158: {  	_ =	swait.ge [sflag:s15], $0x2800  }
0x159: {  	[sflag:s15] =	ssyncset.done $0x0  }
0x15a: {  	[sflag:s15] =	ssyncadd.s32 $0xFFFFD800  }
0x15b: {  	_ =	swait.ge [sflag:s23], $0x2800  }
0x15c: {  	[sflag:s23] =	ssyncset.done $0x0  }
0x15d: {  	[sflag:s23] =	ssyncadd.s32 $0xFFFFD800  }
0x15e: {  	[tilespmem:s24], [sflag:$0x2] =	stream.indirect.gather [hbm4b:s1+s21], $0x80, s3, s21, $0xb8;
	[tilespmem:$0x1E400] =	vst v63  }
0x15f: {  	_ = 	snop  }
0x160: {  	[spmem:s2] =	stream.indirect.scatter.add.f32 [tilespmem:s22], [sflag:$0x3], $0x80, s6, s21, $0xb8;
	[tilespmem:$0x1E400] =	vst v63  }
0x161: {  	_ =	swait.ge [sflag:s15], $0x2800  }
0x162: {  	[sflag:s15] =	ssyncset.done $0x0  }
0x163: {  	[sflag:s15] =	ssyncadd.s32 $0xFFFFD800  }
0x164: {  	_ =	swait.ge [sflag:s25], $0x2800  }
0x165: {  	[sflag:s25] =	ssyncset.done $0x0  }
0x166: {  	[sflag:s25] =	ssyncadd.s32 $0xFFFFD800  }
0x167: {  	[tilespmem:s22], [sflag:$0x1] =	stream.indirect.gather [hbm4b:s1+s21], $0x80, s7, s21, $0xb8;
	[tilespmem:$0x1E400] =	vst v63  }
0x168: {  	_ = 	snop  }
0x169: {  	[spmem:s2] =	stream.indirect.scatter.add.f32 [tilespmem:s24], [sflag:$0x3], $0x80, s8, s21, $0xb8;
	[tilespmem:$0x1E400] =	vst v63  }
0x16a: {  	_ =	swait.ge [sflag:s15], $0x2800  }
0x16b: {  	[sflag:s15] =	ssyncset.done $0x0  }
0x16c: {  	[sflag:s15] =	ssyncadd.s32 $0xFFFFD800  }
0x16d: {  	_ =	swait.ge [sflag:s23], $0x2800  }
0x16e: {  	[sflag:s23] =	ssyncset.done $0x0  }
0x16f: {  	[sflag:s23] =	ssyncadd.s32 $0xFFFFD800  }
0x170: {  	[tilespmem:s24], [sflag:$0x2] =	stream.indirect.gather [hbm4b:s1+s21], $0x80, s13, s21, $0xb8;
	[tilespmem:$0x1E400] =	vst v63  }
0x171: {  	_ = 	snop  }
0x172: {  	[spmem:s2] =	stream.indirect.scatter.add.f32 [tilespmem:s22], [sflag:$0x3], $0x80, s9, s21, $0xb8;
	[tilespmem:$0x1E400] =	vst v63  }
0x173: {  	_ =	swait.ge [sflag:s15], $0x2800  }
0x174: {  	[sflag:s15] =	ssyncset.done $0x0  }
0x175: {  	[sflag:s15] =	ssyncadd.s32 $0xFFFFD800  }
0x176: {  	_ =	swait.ge [sflag:s25], $0x2800  }
0x177: {  	[sflag:s25] =	ssyncset.done $0x0  }
0x178: {  	[sflag:s25] =	ssyncadd.s32 $0xFFFFD800  }
0x179: {  	[tilespmem:s22], [sflag:$0x1] =	stream.indirect.gather [hbm4b:s1+s21], $0x80, s10, s21, $0xb8;
	[tilespmem:$0x1E400] =	vst v63  }
0x17a: {  	_ = 	snop  }
0x17b: {  	[spmem:s2] =	stream.indirect.scatter.add.f32 [tilespmem:s24], [sflag:$0x3], $0x80, s11, s21, $0xb8;
	[tilespmem:$0x1E400] =	vst v63  }
0x17c: {  	_ =	swait.ge [sflag:s15], $0x2800  }
0x17d: {  	[sflag:s15] =	ssyncset.done $0x0  }
0x17e: {  	[sflag:s15] =	ssyncadd.s32 $0xFFFFD800  }
0x17f: {  	_ =	swait.ge [sflag:s23], $0x2800  }
0x180: {  	[sflag:s23] =	ssyncset.done $0x0  }
0x181: {  	[sflag:s23] =	ssyncadd.s32 $0xFFFFD800  }
0x182: {  	[tilespmem:s24], [sflag:$0x2] =	stream.indirect.gather [hbm4b:s1+s21], $0x80, s16, s21, $0xb8;
	[tilespmem:$0x1E400] =	vst v63  }
0x183: {  	_ = 	snop  }
0x184: {  	[spmem:s2] =	stream.indirect.scatter.add.f32 [tilespmem:s22], [sflag:$0x3], $0x80, s17, s21, $0xb8;
	[tilespmem:$0x1E400] =	vst v63  }
0x185: {  	_ =	swait.ge [sflag:s15], $0x2800  }
0x186: {  	[sflag:s15] =	ssyncset.done $0x0  }
0x187: {  	[sflag:s15] =	ssyncadd.s32 $0xFFFFD800  }
0x188: {  	p0 =	sne.s32 s18, $0x700;
	_ =	swait.ge [sflag:s25], $0x2800  }
.Ltmp2:
0x189: {  	[sflag:s25] =	ssyncset.done $0x0;
	(pc) =	sbr.rel @p0 .LBB2_6-.Ltmp2, $4  }
0x18a: {  	[sflag:s25] =	ssyncadd.s32 $0xFFFFD800  }
0x18b: {  	[spmem:s2] =	stream.indirect.scatter.add.f32 [tilespmem:s24], [sflag:$0x3], $0x80, s26, s21, $0xb8;
	[tilespmem:$0x1E400] =	vst v63  }
0x18c: {  	_ =	swait.ge [sflag:s15], $0x2800  }
0x18d: {  	s18 =	sadd.s32 $0x100, s18;
	s14 =	rddreg [dreg:$0x5];
	[sflag:s15] =	ssyncset.done $0x0  }
0x18e: {  	[sflag:s15] =	ssyncadd.s32 $0xFFFFD800;
	s12 =	sadd.s32 s19, s14  }
0x18f: {  	[tilespmem:s4], [sflag:$0x3] =	stream.linear.gather [hbm4b:s12+s4], $0x800, $0x38;
	[tilespmem:$0x1E400] =	vst v63  }
0x190: {  	_ =	swait.ge [sflag:s15], $0x800  }
0x191: {  	s14 =	rddreg [dreg:$0x4];
	[sflag:s15] =	ssyncset.done $0x0  }
0x192: {  	[sflag:s15] =	ssyncadd.s32 $0xFFFFF800;
	s12 =	sadd.s32 s19, s14  }
0x193: {  	[tilespmem:s20], [sflag:$0x3] =	stream.linear.gather [hbm4b:s12+s4], $0x800, $0x38;
	[tilespmem:$0x1E400] =	vst v63  }
0x194: {  	_ =	swait.ge [sflag:s15], $0x800  }
0x195: {  	[sflag:s15] =	ssyncset.done $0x0  }
0x196: {  	[sflag:s15] =	ssyncadd.s32 $0xFFFFF800  }
0x197: {  	[tilespmem:s22], [sflag:$0x1] =	stream.indirect.gather [hbm4b:s1+s21], $0x80, s4, s21, $0xb8;
	[tilespmem:$0x1E400] =	vst v63  }
0x198: {  	_ =	swait.ge [sflag:s23], $0x2800  }
0x199: {  	[sflag:s23] =	ssyncset.done $0x0  }
0x19a: {  	s0 =	simm.s32 $0x80;
	[sflag:s23] =	ssyncadd.s32 $0xFFFFD800  }
0x19b: {  	[tilespmem:s24], [sflag:$0x2] =	stream.indirect.gather [hbm4b:s1+s21], $0x80, s0, s21, $0xb8;
	[tilespmem:$0x1E400] =	vst v63  }
0x19c: {  	_ = 	snop  }
0x19d: {  	[spmem:s2] =	stream.indirect.scatter.add.f32 [tilespmem:s22], [sflag:$0x3], $0x80, s20, s21, $0xb8;
	[tilespmem:$0x1E400] =	vst v63  }
0x19e: {  	_ =	swait.ge [sflag:s15], $0x2800  }
0x19f: {  	[sflag:s15] =	ssyncset.done $0x0  }
0x1a0: {  	[sflag:s15] =	ssyncadd.s32 $0xFFFFD800  }
0x1a1: {  	_ =	swait.ge [sflag:s25], $0x2800  }
0x1a2: {  	[sflag:s25] =	ssyncset.done $0x0  }
0x1a3: {  	s18 =	rddreg [dreg:$0x6];
	[sflag:s25] =	ssyncadd.s32 $0xFFFFD800  }
0x1a4: {  	[tilespmem:s22], [sflag:$0x1] =	stream.indirect.gather [hbm4b:s1+s21], $0x80, s18, s21, $0xb8;
	[tilespmem:$0x1E400] =	vst v63  }
0x1a5: {  	s19 =	rddreg [dreg:$0x7]  }
0x1a6: {  	[spmem:s2] =	stream.indirect.scatter.add.f32 [tilespmem:s24], [sflag:$0x3], $0x80, s19, s21, $0xb8;
	[tilespmem:$0x1E400] =	vst v63  }
0x1a7: {  	_ =	swait.ge [sflag:s15], $0x2800  }
0x1a8: {  	[sflag:s15] =	ssyncset.done $0x0  }
0x1a9: {  	[sflag:s15] =	ssyncadd.s32 $0xFFFFD800  }
0x1aa: {  	_ =	swait.ge [sflag:s23], $0x2800  }
0x1ab: {  	[sflag:s23] =	ssyncset.done $0x0  }
0x1ac: {  	s18 =	rddreg [dreg:$0x8];
	[sflag:s23] =	ssyncadd.s32 $0xFFFFD800  }
0x1ad: {  	[tilespmem:s24], [sflag:$0x2] =	stream.indirect.gather [hbm4b:s1+s21], $0x80, s18, s21, $0xb8;
	[tilespmem:$0x1E400] =	vst v63  }
0x1ae: {  	s19 =	rddreg [dreg:$0x9]  }
0x1af: {  	[spmem:s2] =	stream.indirect.scatter.add.f32 [tilespmem:s22], [sflag:$0x3], $0x80, s19, s21, $0xb8;
	[tilespmem:$0x1E400] =	vst v63  }
0x1b0: {  	_ =	swait.ge [sflag:s15], $0x2800  }
0x1b1: {  	[sflag:s15] =	ssyncset.done $0x0  }
0x1b2: {  	[sflag:s15] =	ssyncadd.s32 $0xFFFFD800  }
0x1b3: {  	_ =	swait.ge [sflag:s25], $0x2800  }
0x1b4: {  	[sflag:s25] =	ssyncset.done $0x0  }
0x1b5: {  	s18 =	rddreg [dreg:$0xa];
	[sflag:s25] =	ssyncadd.s32 $0xFFFFD800  }
0x1b6: {  	[tilespmem:s22], [sflag:$0x1] =	stream.indirect.gather [hbm4b:s1+s21], $0x80, s18, s21, $0xb8;
	[tilespmem:$0x1E400] =	vst v63  }
0x1b7: {  	s19 =	rddreg [dreg:$0xb]  }
0x1b8: {  	[spmem:s2] =	stream.indirect.scatter.add.f32 [tilespmem:s24], [sflag:$0x3], $0x80, s19, s21, $0xb8;
	[tilespmem:$0x1E400] =	vst v63  }
0x1b9: {  	_ =	swait.ge [sflag:s15], $0x2800  }
0x1ba: {  	[sflag:s15] =	ssyncset.done $0x0  }
0x1bb: {  	[sflag:s15] =	ssyncadd.s32 $0xFFFFD800  }
0x1bc: {  	_ =	swait.ge [sflag:s23], $0x2800  }
0x1bd: {  	[sflag:s23] =	ssyncset.done $0x0  }
0x1be: {  	s18 =	rddreg [dreg:$0xc];
	[sflag:s23] =	ssyncadd.s32 $0xFFFFD800  }
0x1bf: {  	[tilespmem:s24], [sflag:$0x2] =	stream.indirect.gather [hbm4b:s1+s21], $0x80, s18, s21, $0xb8;
	[tilespmem:$0x1E400] =	vst v63  }
0x1c0: {  	s19 =	rddreg [dreg:$0xd]  }
0x1c1: {  	[spmem:s2] =	stream.indirect.scatter.add.f32 [tilespmem:s22], [sflag:$0x3], $0x80, s19, s21, $0xb8;
	[tilespmem:$0x1E400] =	vst v63  }
0x1c2: {  	_ =	swait.ge [sflag:s15], $0x2800  }
0x1c3: {  	[sflag:s15] =	ssyncset.done $0x0  }
0x1c4: {  	[sflag:s15] =	ssyncadd.s32 $0xFFFFD800  }
0x1c5: {  	_ =	swait.ge [sflag:s25], $0x2800  }
0x1c6: {  	[sflag:s25] =	ssyncset.done $0x0  }
0x1c7: {  	s18 =	rddreg [dreg:$0xe];
	[sflag:s25] =	ssyncadd.s32 $0xFFFFD800  }
0x1c8: {  	[tilespmem:s22], [sflag:$0x1] =	stream.indirect.gather [hbm4b:s1+s21], $0x80, s18, s21, $0xb8;
	[tilespmem:$0x1E400] =	vst v63  }
0x1c9: {  	s19 =	rddreg [dreg:$0xf]  }
0x1ca: {  	[spmem:s2] =	stream.indirect.scatter.add.f32 [tilespmem:s24], [sflag:$0x3], $0x80, s19, s21, $0xb8;
	[tilespmem:$0x1E400] =	vst v63  }
0x1cb: {  	_ =	swait.ge [sflag:s15], $0x2800  }
0x1cc: {  	[sflag:s15] =	ssyncset.done $0x0  }
0x1cd: {  	[sflag:s15] =	ssyncadd.s32 $0xFFFFD800  }
0x1ce: {  	_ =	swait.ge [sflag:s23], $0x2800  }
0x1cf: {  	[sflag:s23] =	ssyncset.done $0x0  }
0x1d0: {  	s18 =	rddreg [dreg:$0x10];
	[sflag:s23] =	ssyncadd.s32 $0xFFFFD800  }
0x1d1: {  	[tilespmem:s24], [sflag:$0x2] =	stream.indirect.gather [hbm4b:s1+s21], $0x80, s18, s21, $0xb8;
	[tilespmem:$0x1E400] =	vst v63  }
0x1d2: {  	s19 =	rddreg [dreg:$0x11]  }
0x1d3: {  	[spmem:s2] =	stream.indirect.scatter.add.f32 [tilespmem:s22], [sflag:$0x3], $0x80, s19, s21, $0xb8;
	[tilespmem:$0x1E400] =	vst v63  }
0x1d4: {  	_ =	swait.ge [sflag:s15], $0x2800  }
0x1d5: {  	[sflag:s15] =	ssyncset.done $0x0  }
0x1d6: {  	[sflag:s15] =	ssyncadd.s32 $0xFFFFD800  }
0x1d7: {  	_ =	swait.ge [sflag:s25], $0x2800  }
0x1d8: {  	[sflag:s25] =	ssyncset.done $0x0  }
0x1d9: {  	s18 =	rddreg [dreg:$0x12];
	[sflag:s25] =	ssyncadd.s32 $0xFFFFD800  }
0x1da: {  	[tilespmem:s22], [sflag:$0x1] =	stream.indirect.gather [hbm4b:s1+s21], $0x80, s18, s21, $0xb8;
	[tilespmem:$0x1E400] =	vst v63  }
0x1db: {  	_ = 	snop  }
0x1dc: {  	[spmem:s2] =	stream.indirect.scatter.add.f32 [tilespmem:s24], [sflag:$0x3], $0x80, s28, s21, $0xb8;
	[tilespmem:$0x1E400] =	vst v63  }
0x1dd: {  	_ =	swait.ge [sflag:s15], $0x2800  }
0x1de: {  	[sflag:s15] =	ssyncset.done $0x0  }
0x1df: {  	[sflag:s15] =	ssyncadd.s32 $0xFFFFD800  }
0x1e0: {  	_ =	swait.ge [sflag:s23], $0x2800  }
0x1e1: {  	[sflag:s23] =	ssyncset.done $0x0  }
0x1e2: {  	[sflag:s23] =	ssyncadd.s32 $0xFFFFD800  }
0x1e3: {  	[tilespmem:s24], [sflag:$0x2] =	stream.indirect.gather [hbm4b:s1+s21], $0x80, s29, s21, $0xb8;
	[tilespmem:$0x1E400] =	vst v63  }
0x1e4: {  	_ = 	snop  }
0x1e5: {  	[spmem:s2] =	stream.indirect.scatter.add.f32 [tilespmem:s22], [sflag:$0x3], $0x80, s30, s21, $0xb8;
	[tilespmem:$0x1E400] =	vst v63  }
0x1e6: {  	_ =	swait.ge [sflag:s15], $0x2800  }
0x1e7: {  	[sflag:s15] =	ssyncset.done $0x0  }
0x1e8: {  	[sflag:s15] =	ssyncadd.s32 $0xFFFFD800  }
0x1e9: {  	_ =	swait.ge [sflag:s25], $0x2800  }
0x1ea: {  	[sflag:s25] =	ssyncset.done $0x0  }
0x1eb: {  	[sflag:s25] =	ssyncadd.s32 $0xFFFFD800  }
0x1ec: {  	[tilespmem:s22], [sflag:$0x1] =	stream.indirect.gather [hbm4b:s1+s21], $0x80, s31, s21, $0xb8;
	[tilespmem:$0x1E400] =	vst v63  }
0x1ed: {  	s19 =	simm.s32 $0xC80  }
0x1ee: {  	[spmem:s2] =	stream.indirect.scatter.add.f32 [tilespmem:s24], [sflag:$0x3], $0x80, s19, s21, $0xb8;
	[tilespmem:$0x1E400] =	vst v63  }
0x1ef: {  	_ =	swait.ge [sflag:s15], $0x2800  }
0x1f0: {  	[sflag:s15] =	ssyncset.done $0x0  }
0x1f1: {  	[sflag:s15] =	ssyncadd.s32 $0xFFFFD800  }
0x1f2: {  	_ =	swait.ge [sflag:s23], $0x2800  }
0x1f3: {  	[sflag:s23] =	ssyncset.done $0x0  }
0x1f4: {  	[sflag:s23] =	ssyncadd.s32 $0xFFFFD800  }
0x1f5: {  	[tilespmem:s24], [sflag:$0x2] =	stream.indirect.gather [hbm4b:s1+s21], $0x80, s3, s21, $0xb8;
	[tilespmem:$0x1E400] =	vst v63  }
0x1f6: {  	_ = 	snop  }
0x1f7: {  	[spmem:s2] =	stream.indirect.scatter.add.f32 [tilespmem:s22], [sflag:$0x3], $0x80, s6, s21, $0xb8;
	[tilespmem:$0x1E400] =	vst v63  }
0x1f8: {  	_ =	swait.ge [sflag:s15], $0x2800  }
0x1f9: {  	[sflag:s15] =	ssyncset.done $0x0  }
0x1fa: {  	[sflag:s15] =	ssyncadd.s32 $0xFFFFD800  }
0x1fb: {  	_ =	swait.ge [sflag:s25], $0x2800  }
0x1fc: {  	[sflag:s25] =	ssyncset.done $0x0  }
0x1fd: {  	[sflag:s25] =	ssyncadd.s32 $0xFFFFD800  }
0x1fe: {  	[tilespmem:s22], [sflag:$0x1] =	stream.indirect.gather [hbm4b:s1+s21], $0x80, s7, s21, $0xb8;
	[tilespmem:$0x1E400] =	vst v63  }
0x1ff: {  	_ = 	snop  }
0x200: {  	[spmem:s2] =	stream.indirect.scatter.add.f32 [tilespmem:s24], [sflag:$0x3], $0x80, s8, s21, $0xb8;
	[tilespmem:$0x1E400] =	vst v63  }
0x201: {  	_ =	swait.ge [sflag:s15], $0x2800  }
0x202: {  	[sflag:s15] =	ssyncset.done $0x0  }
0x203: {  	[sflag:s15] =	ssyncadd.s32 $0xFFFFD800  }
0x204: {  	_ =	swait.ge [sflag:s23], $0x2800  }
0x205: {  	[sflag:s23] =	ssyncset.done $0x0  }
0x206: {  	[sflag:s23] =	ssyncadd.s32 $0xFFFFD800  }
0x207: {  	[tilespmem:s24], [sflag:$0x2] =	stream.indirect.gather [hbm4b:s1+s21], $0x80, s13, s21, $0xb8;
	[tilespmem:$0x1E400] =	vst v63  }
0x208: {  	_ = 	snop  }
0x209: {  	[spmem:s2] =	stream.indirect.scatter.add.f32 [tilespmem:s22], [sflag:$0x3], $0x80, s9, s21, $0xb8;
	[tilespmem:$0x1E400] =	vst v63  }
0x20a: {  	_ =	swait.ge [sflag:s15], $0x2800  }
0x20b: {  	[sflag:s15] =	ssyncset.done $0x0  }
0x20c: {  	[sflag:s15] =	ssyncadd.s32 $0xFFFFD800  }
0x20d: {  	_ =	swait.ge [sflag:s25], $0x2800  }
0x20e: {  	[sflag:s25] =	ssyncset.done $0x0  }
0x20f: {  	[sflag:s25] =	ssyncadd.s32 $0xFFFFD800  }
0x210: {  	[tilespmem:s22], [sflag:$0x1] =	stream.indirect.gather [hbm4b:s1+s21], $0x80, s10, s21, $0xb8;
	[tilespmem:$0x1E400] =	vst v63  }
0x211: {  	_ = 	snop  }
0x212: {  	[spmem:s2] =	stream.indirect.scatter.add.f32 [tilespmem:s24], [sflag:$0x3], $0x80, s11, s21, $0xb8;
	[tilespmem:$0x1E400] =	vst v63  }
0x213: {  	_ =	swait.ge [sflag:s15], $0x2800  }
0x214: {  	[sflag:s15] =	ssyncset.done $0x0  }
0x215: {  	[sflag:s15] =	ssyncadd.s32 $0xFFFFD800  }
0x216: {  	_ =	swait.ge [sflag:s23], $0x2800  }
0x217: {  	[sflag:s23] =	ssyncset.done $0x0  }
0x218: {  	[sflag:s23] =	ssyncadd.s32 $0xFFFFD800  }
0x219: {  	[tilespmem:s24], [sflag:$0x2] =	stream.indirect.gather [hbm4b:s1+s21], $0x80, s16, s21, $0xb8;
	[tilespmem:$0x1E400] =	vst v63  }
0x21a: {  	_ = 	snop  }
0x21b: {  	[spmem:s2] =	stream.indirect.scatter.add.f32 [tilespmem:s22], [sflag:$0x3], $0x80, s17, s21, $0xb8;
	[tilespmem:$0x1E400] =	vst v63  }
0x21c: {  	_ =	swait.ge [sflag:s15], $0x2800  }
0x21d: {  	[sflag:s15] =	ssyncset.done $0x0  }
0x21e: {  	[sflag:s15] =	ssyncadd.s32 $0xFFFFD800  }
0x21f: {  	_ =	swait.ge [sflag:s25], $0x2800  }
0x220: {  	[sflag:s25] =	ssyncset.done $0x0  }
0x221: {  	[sflag:s25] =	ssyncadd.s32 $0xFFFFD800  }
0x222: {  	[spmem:s2] =	stream.indirect.scatter.add.f32 [tilespmem:s24], [sflag:$0x3], $0x80, s26, s21, $0xb8;
	[tilespmem:$0x1E400] =	vst v63  }
0x223: {  	_ =	swait.ge [sflag:s15], $0x2800  }
0x224: {  	[sflag:s15] =	ssyncset.done $0x0  }
0x225: {  	[sflag:s15] =	ssyncadd.s32 $0xFFFFD800  }
0x226: {  	s14 =	simm.s32 $0x6400;
	s26 =	simm.s32 $0x6000;
	[bflag:$0x0] =	sbarrier.arrive $0xFFFF  }
0x227: {  	[tilespmem:s14], [sflag:$0x3] =	stream.indirect.gather [spmem:s2], $0x80, s26, s0, $0xb8;
	[tilespmem:$0x1E400] =	vst v63  }
0x228: {  	_ =	swait.ge [sflag:s15], $0x4000  }
0x229: {  	[sflag:s15] =	ssyncset.done $0x0  }
0x22a: {  	s28 =	rddreg [dreg:$0x14];
	[sflag:s15] =	ssyncadd.s32 $0xFFFFC000  }
0x22b: {  	[hbm4b:s28+s4] =	stream.linear.scatter [tilespmem:s14], [sflag:$0x3], $0x4000, $0x38;
	[tilespmem:$0x1E400] =	vst v63  }
0x22c: {  	_ =	swait.ge [sflag:s15], $0x4000  }
0x22d: {  	[sflag:s15] =	ssyncset.done $0x0  }
0x22e: {  	s3 =	simm.s32 $0x6080;
	[sflag:s15] =	ssyncadd.s32 $0xFFFFC000  }
0x22f: {  	[tilespmem:s14], [sflag:$0x3] =	stream.indirect.gather [spmem:s2], $0x80, s3, s0, $0xb8;
	[tilespmem:$0x1E400] =	vst v63  }
0x230: {  	_ =	swait.ge [sflag:s15], $0x4000  }
0x231: {  	[sflag:s15] =	ssyncset.done $0x0  }
0x232: {  	s18 =	rddreg [dreg:$0x15];
	[sflag:s15] =	ssyncadd.s32 $0xFFFFC000  }
0x233: {  	[hbm4b:s18+s4] =	stream.linear.scatter [tilespmem:s14], [sflag:$0x3], $0x4000, $0x38;
	[tilespmem:$0x1E400] =	vst v63  }
0x234: {  	_ =	swait.ge [sflag:s15], $0x4000  }
0x235: {  	[sflag:s15] =	ssyncset.done $0x0  }
0x236: {  	s19 =	simm.s32 $0x6100;
	[sflag:s15] =	ssyncadd.s32 $0xFFFFC000  }
0x237: {  	[tilespmem:s14], [sflag:$0x3] =	stream.indirect.gather [spmem:s2], $0x80, s19, s0, $0xb8;
	[tilespmem:$0x1E400] =	vst v63  }
0x238: {  	_ =	swait.ge [sflag:s15], $0x4000  }
0x239: {  	[sflag:s15] =	ssyncset.done $0x0  }
0x23a: {  	s26 =	rddreg [dreg:$0x16];
	[sflag:s15] =	ssyncadd.s32 $0xFFFFC000  }
0x23b: {  	[hbm4b:s26+s4] =	stream.linear.scatter [tilespmem:s14], [sflag:$0x3], $0x4000, $0x38;
	[tilespmem:$0x1E400] =	vst v63  }
0x23c: {  	_ =	swait.ge [sflag:s15], $0x4000  }
0x23d: {  	[sflag:s15] =	ssyncset.done $0x0  }
0x23e: {  	s28 =	simm.s32 $0x6180;
	[sflag:s15] =	ssyncadd.s32 $0xFFFFC000  }
0x23f: {  	[tilespmem:s14], [sflag:$0x3] =	stream.indirect.gather [spmem:s2], $0x80, s28, s0, $0xb8;
	[tilespmem:$0x1E400] =	vst v63  }
0x240: {  	_ =	swait.ge [sflag:s15], $0x4000  }
0x241: {  	[sflag:s15] =	ssyncset.done $0x0  }
0x242: {  	s3 =	rddreg [dreg:$0x17];
	[sflag:s15] =	ssyncadd.s32 $0xFFFFC000  }
0x243: {  	[hbm4b:s3+s4] =	stream.linear.scatter [tilespmem:s14], [sflag:$0x3], $0x4000, $0x38;
	[tilespmem:$0x1E400] =	vst v63  }
0x244: {  	_ =	swait.ge [sflag:s15], $0x4000  }
0x245: {  	[sflag:s15] =	ssyncset.done $0x0  }
0x246: {  	s18 =	simm.s32 $0x6200;
	[sflag:s15] =	ssyncadd.s32 $0xFFFFC000  }
0x247: {  	[tilespmem:s14], [sflag:$0x3] =	stream.indirect.gather [spmem:s2], $0x80, s18, s0, $0xb8;
	[tilespmem:$0x1E400] =	vst v63  }
0x248: {  	_ =	swait.ge [sflag:s15], $0x4000  }
0x249: {  	[sflag:s15] =	ssyncset.done $0x0  }
0x24a: {  	s19 =	rddreg [dreg:$0x18];
	[sflag:s15] =	ssyncadd.s32 $0xFFFFC000  }
0x24b: {  	[hbm4b:s19+s4] =	stream.linear.scatter [tilespmem:s14], [sflag:$0x3], $0x4000, $0x38;
	[tilespmem:$0x1E400] =	vst v63  }
0x24c: {  	_ =	swait.ge [sflag:s15], $0x4000  }
0x24d: {  	s26 =	rddreg [dreg:$0x19]  }
0x24e: {  	s28 =	rddreg [dreg:$0x13];
	s0 =	sadd.s32 $0x1, s26  }
0x24f: {  	p0 =	sne.s32 s0, s28  }
.Ltmp3:
0x250: {  	_ = 	snop;
	(pc) =	sbr.rel @p0 .LBB2_1-.Ltmp3, $3  }
0x251: {  	_ =	sdelay $0x1  }
0x252: {  	[sflag:s15] =	ssyncset.done $0x0  }
0x253: {  	[sflag:s15] =	ssyncadd.s32 $0xFFFFC000  }
0x254: {  	_ =	sfence.sel $0x180000  }
0x255: {  	[bflag:$0x0] =	sbarrier.arrive $0xFFFF  }
0x256: {  	_ =	strace $0x9000004D  }
0x257: {  	s0 =	stileid.u32;
	[bflag:$0x2] =	sbarrier.arrive $0xFFFF  }
0x258: {  	p0 =	sne.s32 s0, $0x0;
	s0 =	rddreg [dreg:$0x3]  }
0x259: {  	s0 =	sadd.s32 @!p0 $0x100000, s0  }
0x25a: {  	[sflag:s0] =	ssyncadd.tile.s32 @!p0 $0x1;
	_ =	shalt  }
.Lfunc_end2:
_tile_overlayer_lowered:
.L_overlay_start_2:
0x25b: {  	(tag) =	ssettag $0x2  }
0x25c: {  	s0 =	rddreg [dreg:$0x0];
	s2 =	stileid.u32  }
0x25d: {  	s1 =	rddreg [dreg:$0x1];
	p0 =	sne.s32 s2, $0x0  }
0x25e: {  	s3 =	rddreg [dreg:$0x2];
	[bflag:$0x3] =	sbarrier.arrive $0xFFFF;
	s2 =	simm.s32 @!p0 $0x1C03  }
0x25f: {  	[timem:s3], [sflag:s2] =	dma.local @!p0 [hbm:s0], s1  }
0x260: {  	s0 =	simm.s32 @!p0 $0x3  }
0x261: {  	_ =	swait.ge @!p0 [sflag:s0], s1  }
0x262: {  	s1 =	ssub.s32 @!p0 $0x0, s1;
	[sflag:s0] =	ssyncset.done @!p0 $0x0  }
0x263: {  	[sflag:s0] =	ssyncadd.s32 @!p0 s1  }
0x264: {  	[bflag:$0x3] =	sbarrier.arrive $0xFFFF  }
0x265: {  	_ =	shalt  }

// kernel: kernel.9.cloned.1.call-start
scs
__scs_entry_jumppad:
0x0: {  	(pc) =	sbr.rel $0x88, $3  }
0x1: {  	(tag) =	ssettag $0x0;
	lr =	simm.s32 $0x1  }
0x2: {  	[smem:$0x3F9B] =	sst lr;
	_ =	strace $0xD0000000  }
0x3: {  	_ = 	snop  }
0x4: {  	_ = 	snop  }
0x5: {  	_ = 	snop  }
0x6: {  	_ = 	snop  }
0x7: {  	_ = 	snop  }
__scs_overlays_trampoline_lowered:
0x8: {  	[smem:$0x3FAA] =	sst s0  }
0x9: {  	[smem:$0x3FAB] =	sst s1  }
0xa: {  	[smem:$0x3FAC] =	sst s2  }
0xb: {  	[smem:$0x3FAD] =	sst s3  }
0xc: {  	[smem:$0x3FAE] =	sst s4  }
0xd: {  	[smem:$0x3FAF] =	sst s5  }
0xe: {  	[smem:$0x3FB0] =	sst s6  }
0xf: {  	[smem:$0x3FB1] =	sst s7  }
0x10: {  	[smem:$0x3FB2] =	sst s8  }
0x11: {  	[smem:$0x3FB3] =	sst s9;
	s0 =	simm.s32 @!p0 $0x0  }
0x12: {  	s1 =	sld [smem:$0x3F99];
	s0 =	simm.s32 @p0 $0x1  }
0x13: {  	[smem:$0x3FB4] =	sst s0;
	s0 =	simm.s32 @!p1 $0x0  }
0x14: {  	s2 =	sld [smem:$0x3F98];
	s0 =	simm.s32 @p1 $0x1  }
0x15: {  	[smem:$0x3FB5] =	sst s0;
	s0 =	simm.s32 @!p2 $0x0  }
0x16: {  	s3 =	sld [smem:$0x3FDB];
	s0 =	simm.s32 @p2 $0x1  }
0x17: {  	s4 =	simm.s32 $0x1BF5;
	[smem:$0x3FB7] =	sst s0  }
0x18: {  	s0 =	sld [smem:$0x3F9A];
	_ =	swait.ge [sflag:s4], $0x0  }
0x19: {  	s7 =	sld [smem:$0x3F9B]  }
0x1a: {  	s8 =	sadd.s32 $0xFFFFE003, lr  }
0x1b: {  	s9 =	sadd.s32 $0xFFFFFEF7, lr;
	s5 =	simm.s32 $0xFFFFFFFF;
	p2 =	slt.u32 s8, $0xFFFFF086  }
0x1c: {  	p1 =	slt.u32 s9, $0xF7A;
	s5 =	simm.s32 @!p2 $0x0  }
0x1d: {  	s5 =	simm.s32 @p1 $0x1;
	p0 =	seq.s32 s7, s2  }
0x1e: {  	s7 =	smul.u32 @!p0 $0xF7A, s2;
	p2 =	seq.s32 @!p0 s5, $0x0  }
0x1f: {  	s9 =	smul.u32 $0xF7A, s1;
	s8 =	simm.s32 @!p0 $0x1BF5;
	p2 =	por !p2, p0  }
0x20: {  	[sflag:s8] =	ssyncset.s32 @!p0 $0xFFFFF086;
	s6 =	sadd.s32 @!p0 s3, s7;
	s7 =	simm.s32 @!p0 $0x108  }
0x21: {  	s3 =	sadd.s32 s3, s9;
	s6 =	sadd.s32 @!p0 $0x88, s6;
	s7 =	simm.s32 @p2 $0x1082  }
0x22: {  	[simem:s7], [sflag:s8] =	dma.local @!p0 [hbm:s6], $0xF7A  }
0x23: {  	s9 =	sor.u32 $0xD0000000, s2;
	s6 =	simm.s32 $0x108;
	_ =	swait.ge @!p0 [sflag:s8], $0x0  }
0x24: {  	s3 =	sadd.s32 $0x88, s3;
	s6 =	simm.s32 @!p1 $0x1082;
	[sflag:s4] =	ssyncset.s32 $0xFFFFF086  }
0x25: {  	[simem:s6], [sflag:s4] =	dma.local [hbm:s3], $0xF7A  }
0x26: {  	[smem:$0x3F9B] =	sst s1;
	(tag) =	ssettag s2;
	_ =	strace s9  }
0x27: {  	s1 =	sld [smem:$0x3FAB]  }
0x28: {  	s2 =	sld [smem:$0x3FAC]  }
0x29: {  	s4 =	sld [smem:$0x3FAE]  }
0x2a: {  	p0 =	seq.s32 s5, $0x0;
	s5 =	sld [smem:$0x3FAF]  }
0x2b: {  	s6 =	sld [smem:$0x3FB0]  }
0x2c: {  	s7 =	sld [smem:$0x3FB1]  }
0x2d: {  	s3 =	simm.s32 $0x108;
	s8 =	sld [smem:$0x3FB2]  }
0x2e: {  	s3 =	simm.s32 @!p0 $0x1082;
	s9 =	sld [smem:$0x3FB3]  }
0x2f: {  	lr =	sadd.s32 s0, s3;
	s0 =	sld [smem:$0x3FAA]  }
0x30: {  	s3 =	sld [smem:$0x3FAD]  }
0x31: {  	[smem:$0x3FB6] =	sst s10  }
0x32: {  	s10 =	sld [smem:$0x3FB4];
	_ =	sdelay $0x3  }
0x33: {  	p0 =	seq.s32 s10, $0x1;
	s10 =	sld [smem:$0x3FB6];
	_ =	sdelay $0x3  }
0x34: {  	[smem:$0x3FB6] =	sst s10  }
0x35: {  	s10 =	sld [smem:$0x3FB5];
	_ =	sdelay $0x3  }
0x36: {  	p1 =	seq.s32 s10, $0x1;
	s10 =	sld [smem:$0x3FB6];
	_ =	sdelay $0x3  }
0x37: {  	[smem:$0x3FB6] =	sst s10  }
0x38: {  	s10 =	sld [smem:$0x3FB7]  }
0x39: {  	_ = 	snop;
	(pc) =	sbr.ind lr, $3  }
0x3a: {  	_ = 	snop  }
0x3b: {  	_ = 	snop  }
0x3c: {  	p2 =	seq.s32 s10, $0x1;
	s10 =	sld [smem:$0x3FB6]  }
0x3d: {  	_ =	shalt  }
0x3e: {  	_ =	shalt  }
0x3f: {  	_ =	shalt  }
0x40: {  	_ =	shalt  }
0x41: {  	_ =	shalt  }
0x42: {  	_ =	shalt  }
0x43: {  	_ =	shalt  }
0x44: {  	_ =	shalt  }
0x45: {  	_ =	shalt  }
0x46: {  	_ =	shalt  }
0x47: {  	_ =	shalt  }
0x48: {  	_ =	shalt  }
0x49: {  	_ =	shalt  }
0x4a: {  	_ =	shalt  }
0x4b: {  	_ =	shalt  }
0x4c: {  	_ =	shalt  }
0x4d: {  	_ =	shalt  }
0x4e: {  	_ =	shalt  }
0x4f: {  	_ =	shalt  }
0x50: {  	_ =	shalt  }
0x51: {  	_ =	shalt  }
0x52: {  	_ =	shalt  }
0x53: {  	_ =	shalt  }
0x54: {  	_ =	shalt  }
0x55: {  	_ =	shalt  }
0x56: {  	_ =	shalt  }
0x57: {  	_ =	shalt  }
0x58: {  	_ =	shalt  }
0x59: {  	_ =	shalt  }
0x5a: {  	_ =	shalt  }
0x5b: {  	_ =	shalt  }
0x5c: {  	_ =	shalt  }
0x5d: {  	_ =	shalt  }
0x5e: {  	_ =	shalt  }
0x5f: {  	_ =	shalt  }
0x60: {  	_ =	shalt  }
0x61: {  	_ =	shalt  }
0x62: {  	_ =	shalt  }
0x63: {  	_ =	shalt  }
0x64: {  	_ =	shalt  }
0x65: {  	_ =	shalt  }
0x66: {  	_ =	shalt  }
0x67: {  	_ =	shalt  }
0x68: {  	_ =	shalt  }
0x69: {  	_ =	shalt  }
0x6a: {  	_ =	shalt  }
0x6b: {  	_ =	shalt  }
0x6c: {  	_ =	shalt  }
0x6d: {  	_ =	shalt  }
0x6e: {  	_ =	shalt  }
0x6f: {  	_ =	shalt  }
0x70: {  	_ =	shalt  }
0x71: {  	_ =	shalt  }
0x72: {  	_ =	shalt  }
0x73: {  	_ =	shalt  }
0x74: {  	_ =	shalt  }
0x75: {  	_ =	shalt  }
0x76: {  	_ =	shalt  }
0x77: {  	_ =	shalt  }
0x78: {  	_ =	shalt  }
0x79: {  	_ =	shalt  }
0x7a: {  	_ =	shalt  }
0x7b: {  	_ =	shalt  }
0x7c: {  	_ =	shalt  }
0x7d: {  	_ =	shalt  }
0x7e: {  	_ =	shalt  }
0x7f: {  	_ =	shalt  }
0x80: {  	_ =	shalt  }
0x81: {  	_ =	shalt  }
0x82: {  	_ =	shalt  }
0x83: {  	_ =	shalt  }
0x84: {  	_ =	shalt  }
0x85: {  	_ =	shalt  }
0x86: {  	_ =	shalt  }
0x87: {  	_ =	shalt  }
.Lfunc_end0:
.L_simem_size_0:
called_computation_lowered:
.L_overlay_start_0:
0x88: {  	s2 =	sld [smem:$0x3FD9]  }
0x89: {  	s3 =	sld [smem:$0x3FFE];
	_ =	sdelay $0x1  }
0x8a: {  	s1 =	srdreg.scid  }
0x8b: {  	s0 =	sand.u32 $0x1, s1  }
0x8c: {  	s16 =	sshll.u32 s0, $0xA;
	s2 =	sadd.s32 s3, s2  }
0x8d: {  	s2 =	sadd.s32 s2, s16  }
0x8e: {  	[smem:$0x3FC2] =	sst s2  }
0x8f: {  	_ = 	snop  }
0x90: {  	(tm) =	ssettm $0x1  }
0x91: {  	s17 =	sld [smem:$0x3FFB];
	_ =	sdelay $0x3  }
0x92: {  	_ =	strace s17  }
0x93: {  	s2 =	sld [smem:$0x3FFC];
	_ =	sdelay $0x3  }
0x94: {  	_ =	strace s2  }
0x95: {  	s2 =	sld [smem:$0x3FFD];
	_ =	sdelay $0x3  }
0x96: {  	_ =	strace s2  }
0x97: {  	_ =	strace $0x8FFFFFFF  }
0x98: {  	s18 =	sld [smem:$0x3FDB];
	_ =	sdelay $0x1  }
0x99: {  	s19 =	simm.s32 $_scs_section_size  }
0x9a: {  	s4 =	simm.s32 $_size__tile_overlayer_lowered;
	s5 =	simm.s32 $_tile_overlayer_lowered  }
0x9b: {  	s22 =	simm.s32 $0x1BFF;
	s21 =	sshll.u32 s5, $0x1;
	s2 =	sadd.s32 s19, s18  }
0x9c: {  	s6 =	simm.s32 $0x0;
	s20 =	sshll.u32 s4, $0x1;
	s4 =	sadd.s32 s21, s2  }
0x9d: {  	[timem:s6], [sflag:s22] =	dma.local [hbm:s4], s20  }
0x9e: {  	_ =	swait.ge [sflag:s22], s20  }
0x9f: {  	s3 =	ssub.s32 $0x0, s20;
	[sflag:s22] =	ssyncset.done $0x0  }
0xa0: {  	[sflag:s22] =	ssyncadd.s32 s3;
	_ =	sdelay $0x1  }
0xa1: {  	s23 =	simm.s32 $0x1B8B  }
0xa2: {  	_ =	swait.ge [sflag:s23], $0x1  }
0xa3: {  	[sflag:s23] =	ssyncset.done $0x0  }
0xa4: {  	s25 =	simm.s32 $0x1B8E;
	s24 =	sld [smem:$0x3FFE];
	[sflag:s23] =	ssyncadd.s32 $0xFFFFFFFF  }
0xa5: {  	s26 =	simm.s32 $execute0_lowered;
	[smem:$0x3FD2] =	sst s25  }
0xa6: {  	s4 =	sshll.u32 s26, $0x1;
	_ =	strace $0x80000046;
	[dreg:$0x1] =	wrdreg $0xFFFFFFFF  }
0xa7: {  	s28 =	simm.s32 $_size_execute0_lowered;
	s2 =	sadd.s32 s2, s4;
	[dreg:$0x0] =	wrdreg $0x0  }
0xa8: {  	s4 =	sshll.u32 s28, $0x1;
	[dreg:$0x2] =	wrdreg s2  }
0xa9: {  	[dreg:$0x3] =	wrdreg s4  }
0xaa: {  	[dreg:$0x4] =	wrdreg $0xC0  }
0xab: {  	_ =	task [dreg:s6], $0x5FFFF  }
0xac: {  	[dreg:$0x1] =	wrdreg $0xFFFFFFFF  }
0xad: {  	[dreg:$0x0] =	wrdreg $0x60  }
0xae: {  	[dreg:$0x2] =	wrdreg s24  }
0xaf: {  	[dreg:$0x3] =	wrdreg $0x74000  }
0xb0: {  	[dreg:$0x4] =	wrdreg $0x9  }
0xb1: {  	_ =	task.clear_ibuf [dreg:s6], $0x5FFFF;
	_ =	strace $0x90000046  }
0xb2: {  	s29 =	simm.s32 $0x9;
	_ =	strace $0x80000048  }
0xb3: {  	_ =	swait.ge [sflag:s29], $0x1  }
0xb4: {  	[sflag:s29] =	ssyncadd.s32 $0xFFFFFFFF  }
0xb5: {  	_ =	strace $0x90000048  }
0xb6: {  	_ =	sfence  }
0xb7: {  	s30 =	sld [smem:$0x0];
	_ =	sdelay $0x2  }
0xb8: {  	s31 =	sshll.u32 s1, $0xD;
	s1 =	sshrl.u32 s1, $0x2  }
0xb9: {  	s3 =	sand.u32 $0x4000, s31;
	s1 =	sadd.s32 s1, s30  }
0xba: {  	s0 =	sor.u32 s3, s0;
	s1 =	sshll.u32 s1, $0x11  }
0xbb: {  	s0 =	sor.u32 s1, s0  }
0xbc: {  	s0 =	sadd.s32 $0x8F2B, s0  }
0xbd: {  	[sflag:s0] =	ssyncadd.remote.s32 $0x1  }
0xbe: {  	_ =	sfence.sel $0xFFFF  }
0xbf: {  	[dreg:$0x0] =	wrdreg $0xFFFFFFFF;
	(pc) =	sbr.abs _section_cstart, $3  }
0xc0: {  	[dreg:$0x1] =	wrdreg $0xFFFFFFFF  }
0xc1: {  	_ =	task.clear_ibuf [dreg:s6], $0x2FFFF;
	_ =	strace $0x9FFFFFFF  }
0xc2: {  	(tm) =	ssettm $0x7FFFFFFF  }
0xc3: {  	_ =	shalt  }
tec
execute0_lowered:
.L_overlay_start_1:
0x0: {  	(tag) =	ssettag $0x1  }
0x1: {  	s0 =	rddreg [dreg:$0x0];
	s1 =	srdreg.scid  }
0x2: {  	s2 =	rddreg [dreg:$0x1];
	s6 =	stileid.u32  }
0x3: {  	s3 =	simm.s32 $0x0;
	s12 =	simm.s32 $0x80;
	s14 =	simm.s32 $0x3400  }
0x4: {  	s15 =	simm.s32 $0x1;
	s19 =	simm.s32 $0x3200;
	s28 =	simm.s32 $0x380  }
0x5: {  	s29 =	simm.s32 $0x400;
	s30 =	simm.s32 $0x480;
	s31 =	simm.s32 $0x500  }
0x6: {  	s13 =	simm.s32 $0x700;
	s1 =	sand.u32 $0x1, s1;
	s5 =	smul.u32 $0x14000, s6  }
0x7: {  	s7 =	simm.s32 $0x0;
	[smem:$0x7FF] =	sst s3;
	s4 =	smul.u32 $0x140000, s1  }
0x8: {  	_ =	strace $0x80000047;
	s20 =	sshll.u32 s1, $0xF;
	s1 =	ssub.s32 $0x2, s1  }
0x9: {  	s21 =	sshrl.u32 s1, $0x1;
	s4 =	sadd.s32 s4, s5;
	s5 =	sadd.s32 s20, s0  }
0xa: {  	s1 =	ssub.s32 s1, s21;
	s20 =	simm.s32 $0x50;
	s4 =	sshrl.u32 s4, $0x3  }
0xb: {  	s21 =	simm.s32 $0x800;
	s1 =	smax.u32 s1, $0x1;
	s0 =	sadd.s32 s4, s0  }
0xc: {  	s4 =	smul.u32 $0x280, s6;
	[dreg:$0x3] =	wrdreg s1;
	s22 =	sadd.s32 $0x12600, s0  }
0xd: {  	s6 =	sshll.u32 s6, $0xB;
	s23 =	sadd.s32 $0x12E00, s0;
	[dreg:$0x4] =	wrdreg s22  }
0xe: {  	s1 =	simm.s32 $0x600;
	s24 =	sadd.s32 $0x13600, s0;
	[dreg:$0x5] =	wrdreg s23  }
0xf: {  	s25 =	sadd.s32 $0x13E00, s0;
	s26 =	sadd.s32 s6, s5;
	[dreg:$0x6] =	wrdreg s24  }
0x10: {  	s0 =	sadd.s32 $0x14600, s0;
	s5 =	simm.s32 $0x680;
	[dreg:$0x7] =	wrdreg s25  }
0x11: {  	s6 =	simm.s32 $0x780;
	[dreg:$0x8] =	wrdreg s0;
	s11 =	sadd.s32 $0x2600, s26  }
0x12: {  	s22 =	simm.s32 $0x100;
	s23 =	simm.s32 $0x180;
	s24 =	simm.s32 $0x200  }
0x13: {  	v0 =	vlaneseq.u32;
	v1 =	vimm.f32 $1.000000000e+00;
	v2 =	vimm.f32 $0.0e+00;
	s25 =	simm.s32 $0x280;
	s26 =	simm.s32 $0x300;
	s0 =	simm.s32 $0x580  }
.LBB2_1:
0x14: {  	s9 =	sadd.s32 $0x0, s4  }
0x15: {  	s16 =	sadd.s32 $0x70, s9  }
0x16: {  	s8 =	simm.s32 $0x3040;
	s17 =	sadd.s32 $0x10, s9;
	v3 =	vor.u32 s16, v0  }
0x17: {  	s18 =	sadd.s32 $0x20, s9;
	v4 =	vor.u32 s17, v0;
	[tilespmem:s8+$0x30] =	vst v3  }
0x18: {  	s10 =	sadd.s32 $0x30, s9;
	v3 =	vor.u32 s18, v0;
	[tilespmem:s8+$0xFFFFFFD0] =	vst v4  }
0x19: {  	v4 =	vor.u32 s10, v0;
	s18 =	sadd.s32 $0x40, s9;
	[tilespmem:s8+$0xFFFFFFE0] =	vst v3  }
0x1a: {  	s10 =	sadd.s32 $0x50, s9;
	v3 =	vor.u32 s18, v0;
	[tilespmem:s8+$0xFFFFFFF0] =	vst v4  }
0x1b: {  	s18 =	sadd.s32 $0x60, s9;
	v5 =	vor.u32 s10, v0;
	[tilespmem:s8+$0x0] =	vst v3  }
0x1c: {  	s16 =	sadd.s32 $0x80, s4;
	v3 =	vor.u32 s9, v0;
	v4 =	vor.u32 s18, v0;
	s9 =	simm.s32 $0x100;
	[tilespmem:s8+$0x10] =	vst v5  }
.LBB2_2:
0x1d: {  	p0 =	sne.s32 s9, $0x200;
	v5 =	vor.u32 s16, v0;
	s17 =	sadd.s32 $0x10, s16;
	s18 =	sadd.s32 $0x70, s16;
	[tilespmem:s8+$0x20] =	vst v4  }
0x1e: {  	s10 =	sadd.s32 $0x30, s16;
	v4 =	vor.u32 s17, v0;
	s17 =	sadd.s32 $0x20, s16;
	v6 =	vor.u32 s18, v0;
	[tilespmem:s8+$0xFFFFFFC0] =	vst v3;
	s8 =	sadd.s32 $0x80, s8;
	v3 =	vmov v5  }
0x1f: {  	v7 =	vor.u32 s10, v0;
	s10 =	sadd.s32 $0x40, s16;
	v5 =	vor.u32 s17, v0;
	s17 =	sadd.s32 $0x50, s16;
	s16 =	sadd.s32 $0x60, s16;
	[tilespmem:s8+$0x30] =	vst v6  }
.Ltmp0:
0x20: {  	v6 =	vor.u32 s10, v0;
	[tilespmem:s8+$0xFFFFFFD0] =	vst v4;
	v8 =	vor.u32 s17, v0;
	v4 =	vor.u32 s16, v0;
	(pc) =	sbr.rel @p0 .LBB2_2-.Ltmp0, $4  }
0x21: {  	[tilespmem:s8+$0xFFFFFFE0] =	vst v5  }
0x22: {  	[tilespmem:s8+$0xFFFFFFF0] =	vst v7  }
0x23: {  	[tilespmem:s8+$0x0] =	vst v6  }
0x24: {  	s16 =	sadd.s32 s9, s4;
	s9 =	sadd.s32 $0x80, s9;
	[tilespmem:s8+$0x10] =	vst v8  }
0x25: {  	s9 =	sadd.s32 $0x70, s16;
	[tilespmem:s8+$0x20] =	vst v4  }
0x26: {  	s10 =	sadd.s32 $0x10, s16;
	[tilespmem:s8+$0xFFFFFFC0] =	vst v3;
	s8 =	sadd.s32 $0x80, s8;
	v60 =	vor.u32 s9, v0  }
0x27: {  	s17 =	sadd.s32 $0x20, s16;
	v3 =	vor.u32 s10, v0;
	[tilespmem:s8+$0x30] =	vst v60  }
0x28: {  	s18 =	sadd.s32 $0x30, s16;
	v61 =	vor.u32 s17, v0;
	[tilespmem:s8+$0xFFFFFFD0] =	vst v3  }
0x29: {  	s10 =	sadd.s32 $0x40, s16;
	v3 =	vor.u32 s18, v0;
	[tilespmem:s8+$0xFFFFFFE0] =	vst v61  }
0x2a: {  	s17 =	sadd.s32 $0x50, s16;
	v62 =	vor.u32 s10, v0;
	[tilespmem:s8+$0xFFFFFFF0] =	vst v3  }
0x2b: {  	s18 =	sadd.s32 $0x60, s16;
	v3 =	vor.u32 s17, v0;
	[tilespmem:s8+$0x0] =	vst v62  }
0x2c: {  	v63 =	vor.u32 s18, v0;
	[tilespmem:s8+$0x10] =	vst v3  }
0x2d: {  	v3 =	vor.u32 s16, v0;
	[tilespmem:s8+$0x20] =	vst v63  }
0x2e: {  	s9 =	simm.s32 $0x3C0;
	[tilespmem:s8+$0xFFFFFFC0] =	vst v3;
	s8 =	simm.s32 $0x70  }
.LBB2_4:
0x2f: {  	p0 =	sne.s32 s9, $0x9FC0;
	[tilespmem:s8+$0x800] =	vst v1  }
0x30: {  	[tilespmem:s8+$0x790] =	vst v1  }
0x31: {  	[tilespmem:s8+$0x7A0] =	vst v1  }
.Ltmp1:
0x32: {  	[tilespmem:s8+$0x7B0] =	vst v1;
	(pc) =	sbr.rel @p0 .LBB2_4-.Ltmp1, $4  }
0x33: {  	[tilespmem:s8+$0x7C0] =	vst v1  }
0x34: {  	[tilespmem:s8+$0x7D0] =	vst v1  }
0x35: {  	[tilespmem:s8+$0x7E0] =	vst v1  }
0x36: {  	[tilespmem:s8+$0x7F0] =	vst v1;
	s8 =	sshra.s32 s9, $0x2;
	s9 =	sadd.s32 $0x200, s9  }
0x37: {  	[tilespmem:s8+$0x800] =	vst v1  }
0x38: {  	[tilespmem:s8+$0x790] =	vst v1  }
0x39: {  	[tilespmem:s8+$0x7A0] =	vst v1  }
0x3a: {  	[tilespmem:s8+$0x7B0] =	vst v1  }
0x3b: {  	[tilespmem:s8+$0x7C0] =	vst v1  }
0x3c: {  	[tilespmem:s8+$0x7D0] =	vst v1  }
0x3d: {  	[tilespmem:s8+$0x7E0] =	vst v1  }
0x3e: {  	[tilespmem:s8+$0x7F0] =	vst v1;
	s8 =	simm.s32 $0x0  }
0x3f: {  	s9 =	simm.s32 $0x200;
	s17 =	simm.s32 $0x3000;
	s18 =	simm.s32 $0x3080  }
.LBB2_6:
0x40: {  	p0 =	sne.s32 s9, $0xFE00;
	[tilespmem:s8+$0x3470] =	vst v2  }
0x41: {  	[tilespmem:s8+$0x3400] =	vst v2  }
0x42: {  	[tilespmem:s8+$0x3410] =	vst v2  }
.Ltmp2:
0x43: {  	[tilespmem:s8+$0x3420] =	vst v2;
	(pc) =	sbr.rel @p0 .LBB2_6-.Ltmp2, $4  }
0x44: {  	[tilespmem:s8+$0x3430] =	vst v2  }
0x45: {  	[tilespmem:s8+$0x3440] =	vst v2  }
0x46: {  	[tilespmem:s8+$0x3450] =	vst v2  }
0x47: {  	[tilespmem:s8+$0x3460] =	vst v2;
	s8 =	sshra.s32 s9, $0x2;
	s9 =	sadd.s32 $0x200, s9  }
0x48: {  	[tilespmem:s8+$0x3470] =	vst v2  }
0x49: {  	[tilespmem:s8+$0x3400] =	vst v2  }
0x4a: {  	[tilespmem:s8+$0x3410] =	vst v2  }
0x4b: {  	[tilespmem:s8+$0x3420] =	vst v2  }
0x4c: {  	[tilespmem:s8+$0x3430] =	vst v2  }
0x4d: {  	[tilespmem:s8+$0x3440] =	vst v2  }
0x4e: {  	[tilespmem:s8+$0x3450] =	vst v2  }
0x4f: {  	[tilespmem:s8+$0x3460] =	vst v2  }
0x50: {  	[spmem:s2] =	stream.indirect.scatter [tilespmem:s14], [sflag:$0x1], $0x80, s17, s12, $0xb8;
	[tilespmem:$0x1B400] =	vst v63  }
0x51: {  	_ =	swait.ge [sflag:s15], $0x4000  }
0x52: {  	[sflag:s15] =	ssyncset.done $0x0  }
0x53: {  	[sflag:s15] =	ssyncadd.s32 $0xFFFFC000  }
0x54: {  	[spmem:s2] =	stream.indirect.scatter [tilespmem:s14], [sflag:$0x1], $0x80, s18, s12, $0xb8;
	[tilespmem:$0x1B400] =	vst v63  }
0x55: {  	_ =	swait.ge [sflag:s15], $0x4000  }
0x56: {  	[sflag:s15] =	ssyncset.done $0x0  }
0x57: {  	s9 =	simm.s32 $0x3100;
	[sflag:s15] =	ssyncadd.s32 $0xFFFFC000  }
0x58: {  	[spmem:s2] =	stream.indirect.scatter [tilespmem:s14], [sflag:$0x1], $0x80, s9, s12, $0xb8;
	[tilespmem:$0x1B400] =	vst v63  }
0x59: {  	_ =	swait.ge [sflag:s15], $0x4000  }
0x5a: {  	[sflag:s15] =	ssyncset.done $0x0  }
0x5b: {  	s10 =	simm.s32 $0x3180;
	[sflag:s15] =	ssyncadd.s32 $0xFFFFC000  }
0x5c: {  	[spmem:s2] =	stream.indirect.scatter [tilespmem:s14], [sflag:$0x1], $0x80, s10, s12, $0xb8;
	[tilespmem:$0x1B400] =	vst v63  }
0x5d: {  	_ =	swait.ge [sflag:s15], $0x4000  }
0x5e: {  	[sflag:s15] =	ssyncset.done $0x0  }
0x5f: {  	[sflag:s15] =	ssyncadd.s32 $0xFFFFC000  }
0x60: {  	[spmem:s2] =	stream.indirect.scatter [tilespmem:s14], [sflag:$0x1], $0x80, s19, s12, $0xb8;
	[tilespmem:$0x1B400] =	vst v63  }
0x61: {  	_ =	swait.ge [sflag:s15], $0x4000  }
0x62: {  	[sflag:s15] =	ssyncset.done $0x0  }
0x63: {  	[sflag:s15] =	ssyncadd.s32 $0xFFFFC000  }
0x64: {  	s16 =	sadd.s32 $0x0, s11;
	[bflag:$0x0] =	sbarrier.arrive $0xFFFF  }
0x65: {  	[tilespmem:s3], [sflag:$0x1] =	stream.linear.gather [hbm4b:s16+s3], $0x800, $0x38;
	[tilespmem:$0x1B400] =	vst v63  }
0x66: {  	_ =	swait.ge [sflag:s15], $0x800  }
0x67: {  	[sflag:s15] =	ssyncset.done $0x0  }
0x68: {  	[sflag:s15] =	ssyncadd.s32 $0xFFFFF800  }
0x69: {  	[spmem:s2] =	stream.indirect.scatter.add.f32 [tilespmem:s21], [sflag:$0x1], $0x80, s3, s20, $0xb8;
	[tilespmem:$0x1B400] =	vst v63  }
0x6a: {  	_ =	swait.ge [sflag:s15], $0x2800  }
0x6b: {  	[sflag:s15] =	ssyncset.done $0x0  }
0x6c: {  	[sflag:s15] =	ssyncadd.s32 $0xFFFFD800  }
0x6d: {  	[spmem:s2] =	stream.indirect.scatter.add.f32 [tilespmem:s21], [sflag:$0x1], $0x80, s12, s20, $0xb8;
	[tilespmem:$0x1B400] =	vst v63  }
0x6e: {  	_ =	swait.ge [sflag:s15], $0x2800  }
0x6f: {  	[sflag:s15] =	ssyncset.done $0x0  }
0x70: {  	[sflag:s15] =	ssyncadd.s32 $0xFFFFD800  }
0x71: {  	[spmem:s2] =	stream.indirect.scatter.add.f32 [tilespmem:s21], [sflag:$0x1], $0x80, s22, s20, $0xb8;
	[tilespmem:$0x1B400] =	vst v63  }
0x72: {  	_ =	swait.ge [sflag:s15], $0x2800  }
0x73: {  	[sflag:s15] =	ssyncset.done $0x0  }
0x74: {  	[sflag:s15] =	ssyncadd.s32 $0xFFFFD800  }
0x75: {  	[spmem:s2] =	stream.indirect.scatter.add.f32 [tilespmem:s21], [sflag:$0x1], $0x80, s23, s20, $0xb8;
	[tilespmem:$0x1B400] =	vst v63  }
0x76: {  	_ =	swait.ge [sflag:s15], $0x2800  }
0x77: {  	[sflag:s15] =	ssyncset.done $0x0  }
0x78: {  	[sflag:s15] =	ssyncadd.s32 $0xFFFFD800  }
0x79: {  	[spmem:s2] =	stream.indirect.scatter.add.f32 [tilespmem:s21], [sflag:$0x1], $0x80, s24, s20, $0xb8;
	[tilespmem:$0x1B400] =	vst v63  }
0x7a: {  	_ =	swait.ge [sflag:s15], $0x2800  }
0x7b: {  	[sflag:s15] =	ssyncset.done $0x0  }
0x7c: {  	[sflag:s15] =	ssyncadd.s32 $0xFFFFD800  }
0x7d: {  	[spmem:s2] =	stream.indirect.scatter.add.f32 [tilespmem:s21], [sflag:$0x1], $0x80, s25, s20, $0xb8;
	[tilespmem:$0x1B400] =	vst v63  }
0x7e: {  	_ =	swait.ge [sflag:s15], $0x2800  }
0x7f: {  	[sflag:s15] =	ssyncset.done $0x0  }
0x80: {  	[sflag:s15] =	ssyncadd.s32 $0xFFFFD800  }
0x81: {  	[spmem:s2] =	stream.indirect.scatter.add.f32 [tilespmem:s21], [sflag:$0x1], $0x80, s26, s20, $0xb8;
	[tilespmem:$0x1B400] =	vst v63  }
0x82: {  	_ =	swait.ge [sflag:s15], $0x2800  }
0x83: {  	[sflag:s15] =	ssyncset.done $0x0  }
0x84: {  	[sflag:s15] =	ssyncadd.s32 $0xFFFFD800  }
0x85: {  	[spmem:s2] =	stream.indirect.scatter.add.f32 [tilespmem:s21], [sflag:$0x1], $0x80, s28, s20, $0xb8;
	[tilespmem:$0x1B400] =	vst v63  }
0x86: {  	_ =	swait.ge [sflag:s15], $0x2800  }
0x87: {  	[sflag:s15] =	ssyncset.done $0x0  }
0x88: {  	[sflag:s15] =	ssyncadd.s32 $0xFFFFD800  }
0x89: {  	[spmem:s2] =	stream.indirect.scatter.add.f32 [tilespmem:s21], [sflag:$0x1], $0x80, s29, s20, $0xb8;
	[tilespmem:$0x1B400] =	vst v63  }
0x8a: {  	_ =	swait.ge [sflag:s15], $0x2800  }
0x8b: {  	[sflag:s15] =	ssyncset.done $0x0  }
0x8c: {  	[sflag:s15] =	ssyncadd.s32 $0xFFFFD800  }
0x8d: {  	[spmem:s2] =	stream.indirect.scatter.add.f32 [tilespmem:s21], [sflag:$0x1], $0x80, s30, s20, $0xb8;
	[tilespmem:$0x1B400] =	vst v63  }
0x8e: {  	_ =	swait.ge [sflag:s15], $0x2800  }
0x8f: {  	[sflag:s15] =	ssyncset.done $0x0  }
0x90: {  	[sflag:s15] =	ssyncadd.s32 $0xFFFFD800  }
0x91: {  	[spmem:s2] =	stream.indirect.scatter.add.f32 [tilespmem:s21], [sflag:$0x1], $0x80, s31, s20, $0xb8;
	[tilespmem:$0x1B400] =	vst v63  }
0x92: {  	_ =	swait.ge [sflag:s15], $0x2800  }
0x93: {  	[sflag:s15] =	ssyncset.done $0x0  }
0x94: {  	[sflag:s15] =	ssyncadd.s32 $0xFFFFD800  }
0x95: {  	[spmem:s2] =	stream.indirect.scatter.add.f32 [tilespmem:s21], [sflag:$0x1], $0x80, s0, s20, $0xb8;
	[tilespmem:$0x1B400] =	vst v63  }
0x96: {  	_ =	swait.ge [sflag:s15], $0x2800  }
0x97: {  	[sflag:s15] =	ssyncset.done $0x0  }
0x98: {  	[sflag:s15] =	ssyncadd.s32 $0xFFFFD800  }
0x99: {  	[spmem:s2] =	stream.indirect.scatter.add.f32 [tilespmem:s21], [sflag:$0x1], $0x80, s1, s20, $0xb8;
	[tilespmem:$0x1B400] =	vst v63  }
0x9a: {  	_ =	swait.ge [sflag:s15], $0x2800  }
0x9b: {  	[sflag:s15] =	ssyncset.done $0x0  }
0x9c: {  	[sflag:s15] =	ssyncadd.s32 $0xFFFFD800  }
0x9d: {  	[spmem:s2] =	stream.indirect.scatter.add.f32 [tilespmem:s21], [sflag:$0x1], $0x80, s5, s20, $0xb8;
	[tilespmem:$0x1B400] =	vst v63  }
0x9e: {  	_ =	swait.ge [sflag:s15], $0x2800  }
0x9f: {  	[sflag:s15] =	ssyncset.done $0x0  }
0xa0: {  	[sflag:s15] =	ssyncadd.s32 $0xFFFFD800  }
0xa1: {  	[spmem:s2] =	stream.indirect.scatter.add.f32 [tilespmem:s21], [sflag:$0x1], $0x80, s13, s20, $0xb8;
	[tilespmem:$0x1B400] =	vst v63  }
0xa2: {  	_ =	swait.ge [sflag:s15], $0x2800  }
0xa3: {  	[sflag:s15] =	ssyncset.done $0x0  }
0xa4: {  	[sflag:s15] =	ssyncadd.s32 $0xFFFFD800  }
0xa5: {  	[spmem:s2] =	stream.indirect.scatter.add.f32 [tilespmem:s21], [sflag:$0x1], $0x80, s6, s20, $0xb8;
	[tilespmem:$0x1B400] =	vst v63  }
0xa6: {  	_ =	swait.ge [sflag:s15], $0x2800  }
0xa7: {  	s8 =	simm.s32 $0x100;
	s9 =	simm.s32 $0x200;
	[sflag:s15] =	ssyncset.done $0x0  }
.LBB2_8:
0xa8: {  	s10 =	sadd.s32 s8, s11  }
0xa9: {  	[sflag:s15] =	ssyncadd.s32 $0xFFFFD800;
	s8 =	smov.u32 s9;
	s16 =	sadd.s32 $0x100, s9  }
0xaa: {  	[tilespmem:s3], [sflag:$0x1] =	stream.linear.gather [hbm4b:s10+s3], $0x800, $0x38;
	[tilespmem:$0x1B400] =	vst v63  }
0xab: {  	p0 =	sne.s32 s9, $0x700;
	_ =	swait.ge [sflag:s15], $0x800  }
0xac: {  	[sflag:s15] =	ssyncset.done $0x0  }
0xad: {  	[sflag:s15] =	ssyncadd.s32 $0xFFFFF800  }
0xae: {  	[spmem:s2] =	stream.indirect.scatter.add.f32 [tilespmem:s21], [sflag:$0x1], $0x80, s3, s20, $0xb8;
	[tilespmem:$0x1B400] =	vst v63  }
0xaf: {  	_ =	swait.ge [sflag:s15], $0x2800  }
0xb0: {  	[sflag:s15] =	ssyncset.done $0x0  }
0xb1: {  	[sflag:s15] =	ssyncadd.s32 $0xFFFFD800  }
0xb2: {  	[spmem:s2] =	stream.indirect.scatter.add.f32 [tilespmem:s21], [sflag:$0x1], $0x80, s12, s20, $0xb8;
	[tilespmem:$0x1B400] =	vst v63  }
0xb3: {  	_ =	swait.ge [sflag:s15], $0x2800  }
0xb4: {  	[sflag:s15] =	ssyncset.done $0x0  }
0xb5: {  	[sflag:s15] =	ssyncadd.s32 $0xFFFFD800  }
0xb6: {  	[spmem:s2] =	stream.indirect.scatter.add.f32 [tilespmem:s21], [sflag:$0x1], $0x80, s22, s20, $0xb8;
	[tilespmem:$0x1B400] =	vst v63  }
0xb7: {  	_ =	swait.ge [sflag:s15], $0x2800  }
0xb8: {  	[sflag:s15] =	ssyncset.done $0x0  }
0xb9: {  	[sflag:s15] =	ssyncadd.s32 $0xFFFFD800  }
0xba: {  	[spmem:s2] =	stream.indirect.scatter.add.f32 [tilespmem:s21], [sflag:$0x1], $0x80, s23, s20, $0xb8;
	[tilespmem:$0x1B400] =	vst v63  }
0xbb: {  	_ =	swait.ge [sflag:s15], $0x2800  }
0xbc: {  	[sflag:s15] =	ssyncset.done $0x0  }
0xbd: {  	[sflag:s15] =	ssyncadd.s32 $0xFFFFD800  }
0xbe: {  	[spmem:s2] =	stream.indirect.scatter.add.f32 [tilespmem:s21], [sflag:$0x1], $0x80, s24, s20, $0xb8;
	[tilespmem:$0x1B400] =	vst v63  }
0xbf: {  	_ =	swait.ge [sflag:s15], $0x2800  }
0xc0: {  	[sflag:s15] =	ssyncset.done $0x0  }
0xc1: {  	[sflag:s15] =	ssyncadd.s32 $0xFFFFD800  }
0xc2: {  	[spmem:s2] =	stream.indirect.scatter.add.f32 [tilespmem:s21], [sflag:$0x1], $0x80, s25, s20, $0xb8;
	[tilespmem:$0x1B400] =	vst v63  }
0xc3: {  	_ =	swait.ge [sflag:s15], $0x2800  }
0xc4: {  	[sflag:s15] =	ssyncset.done $0x0  }
0xc5: {  	[sflag:s15] =	ssyncadd.s32 $0xFFFFD800  }
0xc6: {  	[spmem:s2] =	stream.indirect.scatter.add.f32 [tilespmem:s21], [sflag:$0x1], $0x80, s26, s20, $0xb8;
	[tilespmem:$0x1B400] =	vst v63  }
0xc7: {  	_ =	swait.ge [sflag:s15], $0x2800  }
0xc8: {  	[sflag:s15] =	ssyncset.done $0x0  }
0xc9: {  	[sflag:s15] =	ssyncadd.s32 $0xFFFFD800  }
0xca: {  	[spmem:s2] =	stream.indirect.scatter.add.f32 [tilespmem:s21], [sflag:$0x1], $0x80, s28, s20, $0xb8;
	[tilespmem:$0x1B400] =	vst v63  }
0xcb: {  	_ =	swait.ge [sflag:s15], $0x2800  }
0xcc: {  	[sflag:s15] =	ssyncset.done $0x0  }
0xcd: {  	[sflag:s15] =	ssyncadd.s32 $0xFFFFD800  }
0xce: {  	[spmem:s2] =	stream.indirect.scatter.add.f32 [tilespmem:s21], [sflag:$0x1], $0x80, s29, s20, $0xb8;
	[tilespmem:$0x1B400] =	vst v63  }
0xcf: {  	_ =	swait.ge [sflag:s15], $0x2800  }
0xd0: {  	[sflag:s15] =	ssyncset.done $0x0  }
0xd1: {  	[sflag:s15] =	ssyncadd.s32 $0xFFFFD800  }
0xd2: {  	[spmem:s2] =	stream.indirect.scatter.add.f32 [tilespmem:s21], [sflag:$0x1], $0x80, s30, s20, $0xb8;
	[tilespmem:$0x1B400] =	vst v63  }
0xd3: {  	_ =	swait.ge [sflag:s15], $0x2800  }
0xd4: {  	[sflag:s15] =	ssyncset.done $0x0  }
0xd5: {  	[sflag:s15] =	ssyncadd.s32 $0xFFFFD800  }
0xd6: {  	[spmem:s2] =	stream.indirect.scatter.add.f32 [tilespmem:s21], [sflag:$0x1], $0x80, s31, s20, $0xb8;
	[tilespmem:$0x1B400] =	vst v63  }
0xd7: {  	_ =	swait.ge [sflag:s15], $0x2800  }
0xd8: {  	[sflag:s15] =	ssyncset.done $0x0  }
0xd9: {  	[sflag:s15] =	ssyncadd.s32 $0xFFFFD800  }
0xda: {  	[spmem:s2] =	stream.indirect.scatter.add.f32 [tilespmem:s21], [sflag:$0x1], $0x80, s0, s20, $0xb8;
	[tilespmem:$0x1B400] =	vst v63  }
0xdb: {  	_ =	swait.ge [sflag:s15], $0x2800  }
0xdc: {  	[sflag:s15] =	ssyncset.done $0x0  }
0xdd: {  	[sflag:s15] =	ssyncadd.s32 $0xFFFFD800  }
0xde: {  	[spmem:s2] =	stream.indirect.scatter.add.f32 [tilespmem:s21], [sflag:$0x1], $0x80, s1, s20, $0xb8;
	[tilespmem:$0x1B400] =	vst v63  }
0xdf: {  	_ =	swait.ge [sflag:s15], $0x2800  }
0xe0: {  	[sflag:s15] =	ssyncset.done $0x0  }
0xe1: {  	[sflag:s15] =	ssyncadd.s32 $0xFFFFD800  }
0xe2: {  	[spmem:s2] =	stream.indirect.scatter.add.f32 [tilespmem:s21], [sflag:$0x1], $0x80, s5, s20, $0xb8;
	[tilespmem:$0x1B400] =	vst v63  }
0xe3: {  	_ =	swait.ge [sflag:s15], $0x2800  }
0xe4: {  	[sflag:s15] =	ssyncset.done $0x0  }
0xe5: {  	[sflag:s15] =	ssyncadd.s32 $0xFFFFD800  }
0xe6: {  	[spmem:s2] =	stream.indirect.scatter.add.f32 [tilespmem:s21], [sflag:$0x1], $0x80, s13, s20, $0xb8;
	[tilespmem:$0x1B400] =	vst v63  }
0xe7: {  	_ =	swait.ge [sflag:s15], $0x2800  }
.Ltmp3:
0xe8: {  	[sflag:s15] =	ssyncset.done $0x0;
	(pc) =	sbr.rel @p0 .LBB2_8-.Ltmp3, $4  }
0xe9: {  	[sflag:s15] =	ssyncadd.s32 $0xFFFFD800  }
0xea: {  	[spmem:s2] =	stream.indirect.scatter.add.f32 [tilespmem:s21], [sflag:$0x1], $0x80, s6, s20, $0xb8;
	[tilespmem:$0x1B400] =	vst v63  }
0xeb: {  	_ =	swait.ge [sflag:s15], $0x2800  }
0xec: {  	s9 =	smov.u32 s16;
	[sflag:s15] =	ssyncset.done $0x0  }
0xed: {  	s8 =	sadd.s32 s8, s11;
	[sflag:s15] =	ssyncadd.s32 $0xFFFFD800  }
0xee: {  	[tilespmem:s3], [sflag:$0x1] =	stream.linear.gather [hbm4b:s8+s3], $0x800, $0x38;
	[tilespmem:$0x1B400] =	vst v63  }
0xef: {  	_ =	swait.ge [sflag:s15], $0x800  }
0xf0: {  	[sflag:s15] =	ssyncset.done $0x0  }
0xf1: {  	[sflag:s15] =	ssyncadd.s32 $0xFFFFF800  }
0xf2: {  	[spmem:s2] =	stream.indirect.scatter.add.f32 [tilespmem:s21], [sflag:$0x1], $0x80, s3, s20, $0xb8;
	[tilespmem:$0x1B400] =	vst v63  }
0xf3: {  	_ =	swait.ge [sflag:s15], $0x2800  }
0xf4: {  	[sflag:s15] =	ssyncset.done $0x0  }
0xf5: {  	[sflag:s15] =	ssyncadd.s32 $0xFFFFD800  }
0xf6: {  	[spmem:s2] =	stream.indirect.scatter.add.f32 [tilespmem:s21], [sflag:$0x1], $0x80, s12, s20, $0xb8;
	[tilespmem:$0x1B400] =	vst v63  }
0xf7: {  	_ =	swait.ge [sflag:s15], $0x2800  }
0xf8: {  	[sflag:s15] =	ssyncset.done $0x0  }
0xf9: {  	[sflag:s15] =	ssyncadd.s32 $0xFFFFD800  }
0xfa: {  	[spmem:s2] =	stream.indirect.scatter.add.f32 [tilespmem:s21], [sflag:$0x1], $0x80, s22, s20, $0xb8;
	[tilespmem:$0x1B400] =	vst v63  }
0xfb: {  	_ =	swait.ge [sflag:s15], $0x2800  }
0xfc: {  	[sflag:s15] =	ssyncset.done $0x0  }
0xfd: {  	[sflag:s15] =	ssyncadd.s32 $0xFFFFD800  }
0xfe: {  	[spmem:s2] =	stream.indirect.scatter.add.f32 [tilespmem:s21], [sflag:$0x1], $0x80, s23, s20, $0xb8;
	[tilespmem:$0x1B400] =	vst v63  }
0xff: {  	_ =	swait.ge [sflag:s15], $0x2800  }
0x100: {  	[sflag:s15] =	ssyncset.done $0x0  }
0x101: {  	[sflag:s15] =	ssyncadd.s32 $0xFFFFD800  }
0x102: {  	[spmem:s2] =	stream.indirect.scatter.add.f32 [tilespmem:s21], [sflag:$0x1], $0x80, s24, s20, $0xb8;
	[tilespmem:$0x1B400] =	vst v63  }
0x103: {  	_ =	swait.ge [sflag:s15], $0x2800  }
0x104: {  	[sflag:s15] =	ssyncset.done $0x0  }
0x105: {  	[sflag:s15] =	ssyncadd.s32 $0xFFFFD800  }
0x106: {  	[spmem:s2] =	stream.indirect.scatter.add.f32 [tilespmem:s21], [sflag:$0x1], $0x80, s25, s20, $0xb8;
	[tilespmem:$0x1B400] =	vst v63  }
0x107: {  	_ =	swait.ge [sflag:s15], $0x2800  }
0x108: {  	[sflag:s15] =	ssyncset.done $0x0  }
0x109: {  	[sflag:s15] =	ssyncadd.s32 $0xFFFFD800  }
0x10a: {  	[spmem:s2] =	stream.indirect.scatter.add.f32 [tilespmem:s21], [sflag:$0x1], $0x80, s26, s20, $0xb8;
	[tilespmem:$0x1B400] =	vst v63  }
0x10b: {  	_ =	swait.ge [sflag:s15], $0x2800  }
0x10c: {  	[sflag:s15] =	ssyncset.done $0x0  }
0x10d: {  	[sflag:s15] =	ssyncadd.s32 $0xFFFFD800  }
0x10e: {  	[spmem:s2] =	stream.indirect.scatter.add.f32 [tilespmem:s21], [sflag:$0x1], $0x80, s28, s20, $0xb8;
	[tilespmem:$0x1B400] =	vst v63  }
0x10f: {  	_ =	swait.ge [sflag:s15], $0x2800  }
0x110: {  	[sflag:s15] =	ssyncset.done $0x0  }
0x111: {  	[sflag:s15] =	ssyncadd.s32 $0xFFFFD800  }
0x112: {  	[spmem:s2] =	stream.indirect.scatter.add.f32 [tilespmem:s21], [sflag:$0x1], $0x80, s29, s20, $0xb8;
	[tilespmem:$0x1B400] =	vst v63  }
0x113: {  	_ =	swait.ge [sflag:s15], $0x2800  }
0x114: {  	[sflag:s15] =	ssyncset.done $0x0  }
0x115: {  	[sflag:s15] =	ssyncadd.s32 $0xFFFFD800  }
0x116: {  	[spmem:s2] =	stream.indirect.scatter.add.f32 [tilespmem:s21], [sflag:$0x1], $0x80, s30, s20, $0xb8;
	[tilespmem:$0x1B400] =	vst v63  }
0x117: {  	_ =	swait.ge [sflag:s15], $0x2800  }
0x118: {  	[sflag:s15] =	ssyncset.done $0x0  }
0x119: {  	[sflag:s15] =	ssyncadd.s32 $0xFFFFD800  }
0x11a: {  	[spmem:s2] =	stream.indirect.scatter.add.f32 [tilespmem:s21], [sflag:$0x1], $0x80, s31, s20, $0xb8;
	[tilespmem:$0x1B400] =	vst v63  }
0x11b: {  	_ =	swait.ge [sflag:s15], $0x2800  }
0x11c: {  	[sflag:s15] =	ssyncset.done $0x0  }
0x11d: {  	[sflag:s15] =	ssyncadd.s32 $0xFFFFD800  }
0x11e: {  	[spmem:s2] =	stream.indirect.scatter.add.f32 [tilespmem:s21], [sflag:$0x1], $0x80, s0, s20, $0xb8;
	[tilespmem:$0x1B400] =	vst v63  }
0x11f: {  	_ =	swait.ge [sflag:s15], $0x2800  }
0x120: {  	[sflag:s15] =	ssyncset.done $0x0  }
0x121: {  	[sflag:s15] =	ssyncadd.s32 $0xFFFFD800  }
0x122: {  	[spmem:s2] =	stream.indirect.scatter.add.f32 [tilespmem:s21], [sflag:$0x1], $0x80, s1, s20, $0xb8;
	[tilespmem:$0x1B400] =	vst v63  }
0x123: {  	_ =	swait.ge [sflag:s15], $0x2800  }
0x124: {  	[sflag:s15] =	ssyncset.done $0x0  }
0x125: {  	[sflag:s15] =	ssyncadd.s32 $0xFFFFD800  }
0x126: {  	[spmem:s2] =	stream.indirect.scatter.add.f32 [tilespmem:s21], [sflag:$0x1], $0x80, s5, s20, $0xb8;
	[tilespmem:$0x1B400] =	vst v63  }
0x127: {  	_ =	swait.ge [sflag:s15], $0x2800  }
0x128: {  	[sflag:s15] =	ssyncset.done $0x0  }
0x129: {  	[sflag:s15] =	ssyncadd.s32 $0xFFFFD800  }
0x12a: {  	[spmem:s2] =	stream.indirect.scatter.add.f32 [tilespmem:s21], [sflag:$0x1], $0x80, s13, s20, $0xb8;
	[tilespmem:$0x1B400] =	vst v63  }
0x12b: {  	_ =	swait.ge [sflag:s15], $0x2800  }
0x12c: {  	[sflag:s15] =	ssyncset.done $0x0  }
0x12d: {  	[sflag:s15] =	ssyncadd.s32 $0xFFFFD800  }
0x12e: {  	[spmem:s2] =	stream.indirect.scatter.add.f32 [tilespmem:s21], [sflag:$0x1], $0x80, s6, s20, $0xb8;
	[tilespmem:$0x1B400] =	vst v63  }
0x12f: {  	_ =	swait.ge [sflag:s15], $0x2800  }
0x130: {  	[sflag:s15] =	ssyncset.done $0x0  }
0x131: {  	[sflag:s15] =	ssyncadd.s32 $0xFFFFD800  }
0x132: {  	[bflag:$0x0] =	sbarrier.arrive $0xFFFF  }
0x133: {  	[tilespmem:s14], [sflag:$0x1] =	stream.indirect.gather [spmem:s2], $0x80, s17, s12, $0xb8;
	[tilespmem:$0x1B400] =	vst v63  }
0x134: {  	_ =	swait.ge [sflag:s15], $0x4000  }
0x135: {  	[sflag:s15] =	ssyncset.done $0x0  }
0x136: {  	s16 =	rddreg [dreg:$0x4];
	[sflag:s15] =	ssyncadd.s32 $0xFFFFC000  }
0x137: {  	[hbm4b:s16+s3] =	stream.linear.scatter [tilespmem:s14], [sflag:$0x1], $0x4000, $0x38;
	[tilespmem:$0x1B400] =	vst v63  }
0x138: {  	_ =	swait.ge [sflag:s15], $0x4000  }
0x139: {  	[sflag:s15] =	ssyncset.done $0x0  }
0x13a: {  	[sflag:s15] =	ssyncadd.s32 $0xFFFFC000  }
0x13b: {  	[tilespmem:s14], [sflag:$0x1] =	stream.indirect.gather [spmem:s2], $0x80, s18, s12, $0xb8;
	[tilespmem:$0x1B400] =	vst v63  }
0x13c: {  	_ =	swait.ge [sflag:s15], $0x4000  }
0x13d: {  	[sflag:s15] =	ssyncset.done $0x0  }
0x13e: {  	s17 =	rddreg [dreg:$0x5];
	[sflag:s15] =	ssyncadd.s32 $0xFFFFC000  }
0x13f: {  	[hbm4b:s17+s3] =	stream.linear.scatter [tilespmem:s14], [sflag:$0x1], $0x4000, $0x38;
	[tilespmem:$0x1B400] =	vst v63  }
0x140: {  	_ =	swait.ge [sflag:s15], $0x4000  }
0x141: {  	[sflag:s15] =	ssyncset.done $0x0  }
0x142: {  	s18 =	simm.s32 $0x3100;
	[sflag:s15] =	ssyncadd.s32 $0xFFFFC000  }
0x143: {  	[tilespmem:s14], [sflag:$0x1] =	stream.indirect.gather [spmem:s2], $0x80, s18, s12, $0xb8;
	[tilespmem:$0x1B400] =	vst v63  }
0x144: {  	_ =	swait.ge [sflag:s15], $0x4000  }
0x145: {  	[sflag:s15] =	ssyncset.done $0x0  }
0x146: {  	s9 =	rddreg [dreg:$0x6];
	[sflag:s15] =	ssyncadd.s32 $0xFFFFC000  }
0x147: {  	[hbm4b:s9+s3] =	stream.linear.scatter [tilespmem:s14], [sflag:$0x1], $0x4000, $0x38;
	[tilespmem:$0x1B400] =	vst v63  }
0x148: {  	_ =	swait.ge [sflag:s15], $0x4000  }
0x149: {  	[sflag:s15] =	ssyncset.done $0x0  }
0x14a: {  	s10 =	simm.s32 $0x3180;
	[sflag:s15] =	ssyncadd.s32 $0xFFFFC000  }
0x14b: {  	[tilespmem:s14], [sflag:$0x1] =	stream.indirect.gather [spmem:s2], $0x80, s10, s12, $0xb8;
	[tilespmem:$0x1B400] =	vst v63  }
0x14c: {  	_ =	swait.ge [sflag:s15], $0x4000  }
0x14d: {  	[sflag:s15] =	ssyncset.done $0x0  }
0x14e: {  	s16 =	rddreg [dreg:$0x7];
	[sflag:s15] =	ssyncadd.s32 $0xFFFFC000  }
0x14f: {  	[hbm4b:s16+s3] =	stream.linear.scatter [tilespmem:s14], [sflag:$0x1], $0x4000, $0x38;
	[tilespmem:$0x1B400] =	vst v63  }
0x150: {  	_ =	swait.ge [sflag:s15], $0x4000  }
0x151: {  	[sflag:s15] =	ssyncset.done $0x0  }
0x152: {  	[sflag:s15] =	ssyncadd.s32 $0xFFFFC000  }
0x153: {  	[tilespmem:s14], [sflag:$0x1] =	stream.indirect.gather [spmem:s2], $0x80, s19, s12, $0xb8;
	[tilespmem:$0x1B400] =	vst v63  }
0x154: {  	_ =	swait.ge [sflag:s15], $0x4000  }
0x155: {  	[sflag:s15] =	ssyncset.done $0x0  }
0x156: {  	s17 =	rddreg [dreg:$0x8];
	[sflag:s15] =	ssyncadd.s32 $0xFFFFC000  }
0x157: {  	[hbm4b:s17+s3] =	stream.linear.scatter [tilespmem:s14], [sflag:$0x1], $0x4000, $0x38;
	[tilespmem:$0x1B400] =	vst v63  }
0x158: {  	_ =	swait.ge [sflag:s15], $0x4000  }
0x159: {  	s7 =	sadd.s32 $0x1, s7;
	s18 =	rddreg [dreg:$0x3]  }
0x15a: {  	p0 =	sne.s32 s7, s18  }
.Ltmp4:
0x15b: {  	_ = 	snop;
	(pc) =	sbr.rel @p0 .LBB2_1-.Ltmp4, $3  }
0x15c: {  	_ =	sdelay $0x1  }
0x15d: {  	[sflag:s15] =	ssyncset.done $0x0  }
0x15e: {  	[sflag:s15] =	ssyncadd.s32 $0xFFFFC000  }
0x15f: {  	_ =	sfence.sel $0x180000  }
0x160: {  	[bflag:$0x0] =	sbarrier.arrive $0xFFFF  }
0x161: {  	_ =	strace $0x90000047  }
0x162: {  	s0 =	stileid.u32;
	[bflag:$0x2] =	sbarrier.arrive $0xFFFF  }
0x163: {  	p0 =	sne.s32 s0, $0x0;
	s0 =	rddreg [dreg:$0x2]  }
0x164: {  	s0 =	sadd.s32 @!p0 $0x100000, s0  }
0x165: {  	[sflag:s0] =	ssyncadd.tile.s32 @!p0 $0x1;
	_ =	shalt  }
.Lfunc_end2:
_tile_overlayer_lowered:
.L_overlay_start_2:
0x166: {  	(tag) =	ssettag $0x2  }
0x167: {  	s0 =	rddreg [dreg:$0x0];
	s2 =	stileid.u32  }
0x168: {  	s1 =	rddreg [dreg:$0x1];
	p0 =	sne.s32 s2, $0x0  }
0x169: {  	s3 =	rddreg [dreg:$0x2];
	[bflag:$0x3] =	sbarrier.arrive $0xFFFF;
	s2 =	simm.s32 @!p0 $0x1C01  }
0x16a: {  	[timem:s3], [sflag:s2] =	dma.local @!p0 [hbm:s0], s1  }
0x16b: {  	s0 =	simm.s32 @!p0 $0x1  }
0x16c: {  	_ =	swait.ge @!p0 [sflag:s0], s1  }
0x16d: {  	s1 =	ssub.s32 @!p0 $0x0, s1;
	[sflag:s0] =	ssyncset.done @!p0 $0x0  }
0x16e: {  	[sflag:s0] =	ssyncadd.s32 @!p0 s1  }
0x16f: {  	[bflag:$0x3] =	sbarrier.arrive $0xFFFF  }
0x170: {  	_ =	shalt  }

</sc_bundles>
